<compile_context>
chip_gen: v7x
topology: tpu7x:2x2x1
jax: 0.10.2.dev20260603
libtpu: 0.0.44.dev20260713+nightly
codegen_flags: <defaults>
</compile_context>

<pallas_src>
import jax
import jax.numpy as jnp
from jax import lax
from jax.experimental import pallas as pl
from jax.experimental.pallas import tpu as pltpu
from jax.experimental.pallas import tpu_sc as plsc

N = 50000
E = 800000
V = 10000
D = 64
DH = 32
NCLS = 8
G = 7000

NPAD = 50176
EPAD = 802816
EROWS = 6272
DEG_BINS = 50176
CNT_BINS = 7168

_MESH = plsc.VectorSubcoreMesh(core_axis_name="c", subcore_axis_name="s")
_SC_PARAMS = pltpu.CompilerParams(use_tc_tiling_on_sc=False)
_f32 = jnp.float32
_i32 = jnp.int32


def _zero_vec(ref, n):
    @pl.loop(0, n, step=16)
    def _(i):
        ref.at[pl.ds(i, 16)][...] = jnp.zeros((16,), _f32)


def _sc_hist_gather(dst_hbm, batch_hbm, x_hbm, tab_hbm,
                    deg_hbm, cnt_hbm, e1_hbm,
                    ones_b, ibuf, ib32, xbuf, xb32, rows, zbuf,
                    deg_sh, cnt_sh):
    c = lax.axis_index("c")
    s = lax.axis_index("s")
    w = c * 16 + s

    @pl.loop(0, 128, step=16)
    def _(i):
        ones_b.at[pl.ds(i, 16)][...] = jnp.ones((16,), _f32)
    _zero_vec(zbuf, 3136)

    pltpu.sync_copy(zbuf, deg_sh.at[pl.ds(s * 3136, 3136)])
    pltpu.sync_copy(zbuf.at[pl.ds(0, 448)], cnt_sh.at[pl.ds(s * 448, 448)])
    plsc.subcore_barrier()

    @pl.loop(0, 196)
    def _(ch):
        pltpu.sync_copy(dst_hbm.at[w * 196 + ch], ibuf.at[0])
        pltpu.sync_copy(ones_b, deg_sh.at[ibuf.at[0]], add=True)

    bbase = c * 25088 + s * 1568

    @pl.loop(0, 12)
    def _(ch):
        off = bbase + ch * 128
        pltpu.sync_copy(batch_hbm.at[pl.ds(off, 128)], ibuf.at[0])
        pltpu.sync_copy(ones_b, cnt_sh.at[ibuf.at[0]], add=True)

    pltpu.sync_copy(batch_hbm.at[pl.ds(bbase + 12 * 128, 32)], ib32.at[0])
    pltpu.sync_copy(ones_b.at[pl.ds(0, 32)], cnt_sh.at[ib32.at[0]], add=True)

    xbase = c * 25088 + s * 1568

    @pl.loop(0, 12)
    def _(ch):
        off = xbase + ch * 128
        pltpu.sync_copy(x_hbm.at[pl.ds(off, 128)], xbuf)
        pltpu.sync_copy(tab_hbm.at[xbuf], rows)
        pltpu.sync_copy(rows, e1_hbm.at[pl.ds(off, 128)])

    toff = xbase + 12 * 128
    pltpu.sync_copy(x_hbm.at[pl.ds(toff, 32)], xb32)
    pltpu.sync_copy(tab_hbm.at[xb32], rows.at[pl.ds(0, 32)])
    pltpu.sync_copy(rows.at[pl.ds(0, 32)], e1_hbm.at[pl.ds(toff, 32)])

    plsc.subcore_barrier()
    pltpu.sync_copy(deg_sh.at[pl.ds(s * 3136, 3136)],
                    deg_hbm.at[pl.ds(c * DEG_BINS + s * 3136, 3136)])
    pltpu.sync_copy(cnt_sh.at[pl.ds(s * 448, 448)],
                    cnt_hbm.at[pl.ds(c * CNT_BINS + s * 448, 448)])


def _run_hist_gather(dst2d, batchp, xp, tab):
    k = pl.kernel(
        _sc_hist_gather,
        compiler_params=_SC_PARAMS,
        out_type=[
            jax.ShapeDtypeStruct((2 * DEG_BINS,), _f32),
            jax.ShapeDtypeStruct((2 * CNT_BINS,), _f32),
            jax.ShapeDtypeStruct((NPAD, D), _f32),
        ],
        mesh=_MESH,
        scratch_types=[
            pltpu.VMEM((128,), _f32),
            pltpu.VMEM((1, 128), _i32),
            pltpu.VMEM((1, 32), _i32),
            pltpu.VMEM((128,), _i32),
            pltpu.VMEM((32,), _i32),
            pltpu.VMEM((128, D), _f32),
            pltpu.VMEM((3136,), _f32),
            pltpu.VMEM_SHARED((DEG_BINS,), _f32),
            pltpu.VMEM_SHARED((CNT_BINS,), _f32),
        ],
    )
    return k(dst2d, batchp, xp, tab)


def _sc_edge_agg(g_hbm, src_hbm, dst_hbm, out_hbm,
                 sa, sb, la, lb, rows_a, rows_b, acc_sh,
                 sga, sgb, sla, slb):
    c = lax.axis_index("c")
    s = lax.axis_index("s")
    gref = g_hbm.at[c]
    base = s * 50176

    def load_idx(ch, sbuf, lbuf, sem):
        off = base + ch * 256
        pltpu.async_copy(src_hbm.at[pl.ds(off, 256)], sbuf, sem)
        pltpu.async_copy(dst_hbm.at[pl.ds(off, 256)], lbuf, sem)

    def wait_idx(ch, sbuf, lbuf, sem):
        off = base + ch * 256
        pltpu.make_async_copy(src_hbm.at[pl.ds(off, 256)], sbuf, sem).wait()
        pltpu.make_async_copy(dst_hbm.at[pl.ds(off, 256)], lbuf, sem).wait()

    pltpu.sync_copy(gref.at[pl.ds(s * 3136, 3136)],
                    acc_sh.at[pl.ds(s * 3136, 3136)])
    plsc.subcore_barrier()

    load_idx(0, sa, la, sla)
    wait_idx(0, sa, la, sla)
    pltpu.async_copy(gref.at[sa], rows_a, sga)
    load_idx(1, sb, lb, slb)

    @pl.loop(0, 98)
    def _(i):
        ch = 2 * i
        pltpu.make_async_copy(gref.at[sa], rows_a, sga).wait()
        wait_idx(ch + 1, sb, lb, slb)
        pltpu.async_copy(gref.at[sb], rows_b, sgb)
        pltpu.sync_copy(rows_a, acc_sh.at[la], add=True)

        @pl.when(ch + 2 < 196)
        def _():
            load_idx(ch + 2, sa, la, sla)

        pltpu.make_async_copy(gref.at[sb], rows_b, sgb).wait()

        @pl.when(ch + 2 < 196)
        def _():
            wait_idx(ch + 2, sa, la, sla)
            pltpu.async_copy(gref.at[sa], rows_a, sga)

        pltpu.sync_copy(rows_b, acc_sh.at[lb], add=True)

        @pl.when(ch + 3 < 196)
        def _():
            load_idx(ch + 3, sb, lb, slb)

    plsc.subcore_barrier()
    pltpu.sync_copy(acc_sh.at[pl.ds(s * 3136, 3136)],
                    out_hbm.at[c, pl.ds(s * 3136, 3136)])


def _run_edge_agg(g2, src1, dst1):
    k = pl.kernel(
        _sc_edge_agg,
        compiler_params=_SC_PARAMS,
        out_type=jax.ShapeDtypeStruct((2, NPAD, DH), _f32),
        mesh=_MESH,
        scratch_types=[
            pltpu.VMEM((256,), _i32),
            pltpu.VMEM((256,), _i32),
            pltpu.VMEM((256,), _i32),
            pltpu.VMEM((256,), _i32),
            pltpu.VMEM((256, DH), _f32),
            pltpu.VMEM((256, DH), _f32),
            pltpu.VMEM_SHARED((NPAD, DH), _f32),
            pltpu.SemaphoreType.DMA,
            pltpu.SemaphoreType.DMA,
            pltpu.SemaphoreType.DMA,
            pltpu.SemaphoreType.DMA,
        ],
    )
    return k(g2, src1, dst1)


def _sc_pool(h_hbm, batch_hbm, sums_hbm, bbuf, b64, rows, acc_sh):
    c = lax.axis_index("c")
    s = lax.axis_index("s")
    href = h_hbm.at[c]

    @pl.loop(0, 128)
    def _(r):
        @pl.loop(0, DH, step=16)
        def _(j):
            rows.at[r, pl.ds(j, 16)][...] = jnp.zeros((16,), _f32)

    @pl.loop(0, 3)
    def _(q):
        pltpu.sync_copy(rows, acc_sh.at[pl.ds(s * 448 + q * 128, 128)])
    pltpu.sync_copy(rows.at[pl.ds(0, 64)], acc_sh.at[pl.ds(s * 448 + 384, 64)])
    plsc.subcore_barrier()

    rbase = s * 3136

    @pl.loop(0, 24)
    def _(ch):
        off = rbase + ch * 128
        pltpu.sync_copy(href.at[pl.ds(off, 128)], rows)
        pltpu.sync_copy(batch_hbm.at[pl.ds(off, 128)], bbuf.at[0])
        pltpu.sync_copy(rows, acc_sh.at[bbuf.at[0]], add=True)

    toff = rbase + 24 * 128
    pltpu.sync_copy(href.at[pl.ds(toff, 64)], rows.at[pl.ds(0, 64)])
    pltpu.sync_copy(batch_hbm.at[pl.ds(toff, 64)], b64.at[0])
    pltpu.sync_copy(rows.at[pl.ds(0, 64)], acc_sh.at[b64.at[0]], add=True)

    plsc.subcore_barrier()
    pltpu.sync_copy(acc_sh.at[pl.ds(s * 448, 448)],
                    sums_hbm.at[c, pl.ds(s * 448, 448)])


def _run_pool(h2, batchp):
    k = pl.kernel(
        _sc_pool,
        compiler_params=_SC_PARAMS,
        out_type=jax.ShapeDtypeStruct((2, CNT_BINS, DH), _f32),
        mesh=_MESH,
        scratch_types=[
            pltpu.VMEM((1, 128), _i32),
            pltpu.VMEM((1, 64), _i32),
            pltpu.VMEM((128, DH), _f32),
            pltpu.VMEM_SHARED((CNT_BINS, DH), _f32),
        ],
    )
    return k(h2, batchp)


def _tc_prep_body(d0_ref, d1_ref, e1_ref, w1_ref, dinv_ref, g1_ref):
    dv = lax.rsqrt(d0_ref[...] + d1_ref[...] + 1.0)
    dinv_ref[...] = dv
    g = lax.dot_general(e1_ref[...], w1_ref[...], (((1,), (0,)), ((), ())),
                        preferred_element_type=_f32) * dv
    g1_ref[0] = g[:, :DH]
    g1_ref[1] = g[:, DH:]


def _tc_prep(d0, d1, e1, w1):
    return pl.pallas_call(
        _tc_prep_body,
        out_shape=[jax.ShapeDtypeStruct((NPAD, 1), _f32),
                   jax.ShapeDtypeStruct((2, NPAD, DH), _f32)],
        grid=(NPAD // 512,),
        in_specs=[pl.BlockSpec((512, 1), lambda i: (i, 0)),
                  pl.BlockSpec((512, 1), lambda i: (i, 0)),
                  pl.BlockSpec((512, D), lambda i: (i, 0)),
                  pl.BlockSpec((D, D), lambda i: (0, 0))],
        out_specs=[pl.BlockSpec((512, 1), lambda i: (i, 0)),
                   pl.BlockSpec((2, 512, DH), lambda i: (0, i, 0))],
    )(d0, d1, e1, w1)


def _tc_layer_body(agg_ref, dinv_ref, b_ref, w_ref, o_ref):
    dv = dinv_ref[...]
    agg = jnp.concatenate([agg_ref[0], agg_ref[1]], axis=1)
    h = jax.nn.relu(agg * dv + b_ref[...])
    g = lax.dot_general(h, w_ref[...], (((1,), (0,)), ((), ())),
                        preferred_element_type=_f32) * dv
    o_ref[0] = g[:, :DH]
    o_ref[1] = g[:, DH:]


def _tc_layer(agg, dinv, b, w):
    return pl.pallas_call(
        _tc_layer_body,
        out_shape=jax.ShapeDtypeStruct((2, NPAD, DH), _f32),
        grid=(NPAD // 512,),
        in_specs=[pl.BlockSpec((2, 512, DH), lambda i: (0, i, 0)),
                  pl.BlockSpec((512, 1), lambda i: (i, 0)),
                  pl.BlockSpec((D,), lambda i: (0,)),
                  pl.BlockSpec((D, D), lambda i: (0, 0))],
        out_specs=pl.BlockSpec((2, 512, DH), lambda i: (0, i, 0)),
    )(agg, dinv, b, w)


def _tc_act_body(agg_ref, dinv_ref, b_ref, o_ref):
    agg = jnp.concatenate([agg_ref[0], agg_ref[1]], axis=1)
    h = jax.nn.relu(agg * dinv_ref[...] + b_ref[...])
    o_ref[0] = h[:, :DH]
    o_ref[1] = h[:, DH:]


def _tc_act(agg, dinv, b):
    return pl.pallas_call(
        _tc_act_body,
        out_shape=jax.ShapeDtypeStruct((2, NPAD, DH), _f32),
        grid=(NPAD // 512,),
        in_specs=[pl.BlockSpec((2, 512, DH), lambda i: (0, i, 0)),
                  pl.BlockSpec((512, 1), lambda i: (i, 0)),
                  pl.BlockSpec((D,), lambda i: (0,))],
        out_specs=pl.BlockSpec((2, 512, DH), lambda i: (0, i, 0)),
    )(agg, dinv, b)


def _tc_head_body(s_ref, c0_ref, c1_ref, w_ref, b_ref, o_ref):
    cnt = jnp.maximum(c0_ref[...] + c1_ref[...], 1.0)
    pooled = jnp.concatenate([s_ref[0], s_ref[1]], axis=1) / cnt
    o_ref[...] = lax.dot_general(pooled, w_ref[...], (((1,), (0,)), ((), ())),
                                 preferred_element_type=_f32) + b_ref[...]


def _tc_head(sums, c0, c1, wlin, blin):
    return pl.pallas_call(
        _tc_head_body,
        out_shape=jax.ShapeDtypeStruct((G, NCLS), _f32),
        grid=(G // 1000,),
        in_specs=[pl.BlockSpec((2, 1000, DH), lambda i: (0, i, 0)),
                  pl.BlockSpec((1000, 1), lambda i: (i, 0)),
                  pl.BlockSpec((1000, 1), lambda i: (i, 0)),
                  pl.BlockSpec((D, NCLS), lambda i: (0, 0)),
                  pl.BlockSpec((NCLS,), lambda i: (0,))],
        out_specs=pl.BlockSpec((1000, NCLS), lambda i: (i, 0)),
    )(sums, c0, c1, wlin, blin)


def kernel(x, edge_index, batch, emb, W1, b1, W2, b2, Wlin, blin):
    src = edge_index[0].astype(_i32)
    dst = edge_index[1].astype(_i32)
    src1 = jnp.concatenate([src, jnp.zeros((EPAD - E,), _i32)])
    dst1 = jnp.concatenate([dst, jnp.full((EPAD - E,), N, _i32)])
    dst2d = dst1.reshape(EROWS, 128)
    batchp = jnp.concatenate([batch.astype(_i32), jnp.full((NPAD - N,), G, _i32)])
    xp = jnp.concatenate([x.astype(_i32), jnp.zeros((NPAD - N,), _i32)])

    deg_p, cnt_p, e1 = _run_hist_gather(dst2d, batchp, xp, emb)

    d0 = deg_p[:DEG_BINS, None]
    d1 = deg_p[DEG_BINS:, None]
    dinv, g1 = _tc_prep(d0, d1, e1, W1)

    agg1 = _run_edge_agg(g1, src1, dst1)
    g2 = _tc_layer(agg1, dinv, b1, W2)
    agg2 = _run_edge_agg(g2, src1, dst1)
    h2 = _tc_act(agg2, dinv, b2)

    sums = _run_pool(h2, batchp)
    c0 = cnt_p[:G, None]
    c1 = cnt_p[CNT_BINS:CNT_BINS + G, None]
    return _tc_head(sums[:, :G], c0, c1, Wlin, blin)

# --- scband reference (transcript-rebuilt; emitter-appended) ---
"""Pipeline reference for scband-gcnclassifier-88648124990825 (READ-ONLY COPY).

The authoritative reference and input builder live on the scoring server;
editing this copy changes nothing except your own understanding.
"""

import jax, jax.numpy as jnp
import numpy as np

N = 50000
E = 800000
V = 10000
D = 64
H = 64
C = 8
G = 7000


def setup_inputs(seed: int = 0) -> dict:
    key = jax.random.key(seed)
    ks = jax.random.split(key, 9)
    x = jax.random.randint(ks[0], (N,), 0, V)
    edge_index = jax.random.randint(ks[1], (2, E), 0, N)
    batch = jnp.sort(jax.random.randint(ks[2], (N,), 0, G))
    emb = jax.random.normal(ks[3], (V, D), dtype=jnp.float32) * 0.02
    emb = emb.at[0].set(0.0)  # padding_idx=0
    W1 = jax.random.normal(ks[4], (D, H), dtype=jnp.float32) * (1.0 / np.sqrt(D))
    b1 = jnp.zeros((H,), dtype=jnp.float32)
    W2 = jax.random.normal(ks[5], (H, H), dtype=jnp.float32) * (1.0 / np.sqrt(H))
    b2 = jnp.zeros((H,), dtype=jnp.float32)
    Wlin = jax.random.normal(ks[6], (H, C), dtype=jnp.float32) * (1.0 / np.sqrt(H))
    blin = jnp.zeros((C,), dtype=jnp.float32)
    return {"x": x, "edge_index": edge_index, "batch": batch, "emb": emb,
            "W1": W1, "b1": b1, "W2": W2, "b2": b2, "Wlin": Wlin, "blin": blin}


def _gcn_conv(h, src, dst, W, b, n):
    # PyG GCNConv: h @ W, symmetric-normalized aggregation (self-loops already in src/dst), + bias
    h = h @ W
    deg = jnp.zeros((n,), dtype=h.dtype).at[dst].add(1.0)
    dinv = jnp.where(deg > 0, jax.lax.rsqrt(deg), 0.0)
    norm = dinv[src] * dinv[dst]
    msg = h[src] * norm[:, None]
    out = jnp.zeros((n, h.shape[1]), dtype=h.dtype).at[dst].add(msg)
    return out + b


def reference(x, edge_index, batch, emb, W1, b1, W2, b2, Wlin, blin):
    n = x.shape[0]
    loop = jnp.arange(n)
    src = jnp.concatenate([edge_index[0], loop])
    dst = jnp.concatenate([edge_index[1], loop])
    h = jnp.take(emb, x, axis=0)
    h = jax.nn.relu(_gcn_conv(h, src, dst, W1, b1, n))
    h = jax.nn.relu(_gcn_conv(h, src, dst, W2, b2, n))
    sums = jax.ops.segment_sum(h, batch, num_segments=G)
    counts = jax.ops.segment_sum(jnp.ones((n,), dtype=h.dtype), batch, num_segments=G)
    pooled = sums / jnp.clip(counts, 1.0)[:, None]
    return pooled @ Wlin + blin

if __name__ == "__main__":
    import jax
    _d = setup_inputs()
    print(jax.jit(kernel)(*tuple(_d.values())))

</pallas_src>

<mosaic_0001>
#map = affine_map<(d0, d1) -> (0, 0, 0)>
#map1 = affine_map<(d0, d1) -> (0)>
module attributes {stable_mosaic.version = 14 : i64} {
  func.func @_sc_edge_agg(%arg0: i32, %arg1: i32, %arg2: memref<2x50176x32xf32, #tpu.memory_space<hbm>>, %arg3: memref<802816xi32, #tpu.memory_space<hbm>>, %arg4: memref<802816xi32, #tpu.memory_space<hbm>>, %arg5: memref<2x50176x32xf32, #tpu.memory_space<hbm>>, %arg6: memref<256xi32, #tpu.memory_space<vmem>>, %arg7: memref<256xi32, #tpu.memory_space<vmem>>, %arg8: memref<256xi32, #tpu.memory_space<vmem>>, %arg9: memref<256xi32, #tpu.memory_space<vmem>>, %arg10: memref<256x32xf32, #tpu.memory_space<vmem>>, %arg11: memref<256x32xf32, #tpu.memory_space<vmem>>, %arg12: memref<50176x32xf32, #tpu.memory_space<vmem_shared>>, %arg13: memref<!tpu.dma_semaphore, #tpu.memory_space<semaphore_mem>>, %arg14: memref<!tpu.dma_semaphore, #tpu.memory_space<semaphore_mem>>, %arg15: memref<!tpu.dma_semaphore, #tpu.memory_space<semaphore_mem>>, %arg16: memref<!tpu.dma_semaphore, #tpu.memory_space<semaphore_mem>>) attributes {dimension_semantics = [#tpu.dimension_semantics<core_parallel>, #tpu.dimension_semantics<subcore_parallel>], iteration_bounds = array<i64: 2, 16>, scalar_prefetch = 0 : i64, scratch_operands = 11 : i64, tpu.core_type = #tpu.core_type<sc_vector_subcore>, window_params = [{transform_indices = #map}, {transform_indices = #map1}, {transform_indices = #map1}, {transform_indices = #map}]} {
    %mul3A = arith.constant 50176 : i32
    %mul3A_0 = arith.muli %arg1, %mul3A : i32
    %mul3A_1 = arith.constant 3136 : i32
    %mul3A_2 = arith.muli %arg1, %mul3A_1 : i32
    %mul3A_3 = arith.constant 3136 : i32
    %mul3A_4 = arith.muli %arg1, %mul3A_3 : i32
    "tpu.region"() ({
      %run_scoped3A = tpu.sem_alloc : memref<!tpu.dma_semaphore, #tpu.memory_space<semaphore_mem>>
      %dma_start3A_36 = arith.constant 0 : i32
      %dma_start3A_37 = tpu.memref_slice %arg12[%mul3A_4, %dma_start3A_36] : memref<50176x32xf32, #tpu.memory_space<vmem_shared>> -> memref<3136x32xf32, #tpu.memory_space<vmem_shared>>
      %dma_start3A_38 = arith.constant 0 : i32
      %dma_start3A_39 = arith.constant 0 : i32
      %dma_start3A_40 = tpu.memref_slice %arg2[%arg0, %dma_start3A_38, %dma_start3A_39] : memref<2x50176x32xf32, #tpu.memory_space<hbm>> -> memref<1x50176x32xf32, #tpu.memory_space<hbm>>
      %dma_start3A_41 = tpu.memref_squeeze %dma_start3A_40 : memref<1x50176x32xf32, #tpu.memory_space<hbm>> -> memref<50176x32xf32, #tpu.memory_space<hbm>>
      %dma_start3A_42 = arith.constant 0 : i32
      %dma_start3A_43 = tpu.memref_slice %dma_start3A_41[%mul3A_2, %dma_start3A_42] : memref<50176x32xf32, #tpu.memory_space<hbm>> -> memref<3136x32xf32, #tpu.memory_space<hbm>>
      tpu.enqueue_dma source(%dma_start3A_43 : memref<3136x32xf32, #tpu.memory_space<hbm>>) target(%dma_start3A_37 : memref<3136x32xf32, #tpu.memory_space<vmem_shared>>) target_semaphore(%run_scoped3A : memref<!tpu.dma_semaphore, #tpu.memory_space<semaphore_mem>>)
      %dma_wait3A_44 = arith.constant 0 : i32
      %dma_wait3A_45 = tpu.memref_slice %arg12[%mul3A_4, %dma_wait3A_44] : memref<50176x32xf32, #tpu.memory_space<vmem_shared>> -> memref<3136x32xf32, #tpu.memory_space<vmem_shared>>
      %dma_wait3A_46 = arith.constant 0 : i32
      %dma_wait3A_47 = arith.constant 0 : i32
      %dma_wait3A_48 = tpu.memref_slice %arg2[%arg0, %dma_wait3A_46, %dma_wait3A_47] : memref<2x50176x32xf32, #tpu.memory_space<hbm>> -> memref<1x50176x32xf32, #tpu.memory_space<hbm>>
      %dma_wait3A_49 = tpu.memref_squeeze %dma_wait3A_48 : memref<1x50176x32xf32, #tpu.memory_space<hbm>> -> memref<50176x32xf32, #tpu.memory_space<hbm>>
      %dma_wait3A_50 = arith.constant 0 : i32
      %dma_wait3A_51 = tpu.memref_slice %dma_wait3A_49[%mul3A_2, %dma_wait3A_50] : memref<50176x32xf32, #tpu.memory_space<hbm>> -> memref<3136x32xf32, #tpu.memory_space<hbm>>
      tpu.wait_dma2 semaphore(%run_scoped3A : memref<!tpu.dma_semaphore, #tpu.memory_space<semaphore_mem>>) src(%dma_wait3A_51 : memref<3136x32xf32, #tpu.memory_space<hbm>>) dst(%dma_wait3A_45 : memref<3136x32xf32, #tpu.memory_space<vmem_shared>>)
      tpu.yield
    }) : () -> ()
    %barrier3A = arith.constant 0 : index
    tpu.barrier barrier_id(%barrier3A)
    %add3A = arith.constant 0 : i32
    %add3A_5 = arith.addi %mul3A_0, %add3A : i32
    %dma_start3A = tpu.memref_slice %arg3[%add3A_5] : memref<802816xi32, #tpu.memory_space<hbm>> -> memref<256xi32, #tpu.memory_space<hbm>>
    %dma_start3A_6 = tpu.memref_slice %arg3[%add3A_5] : memref<802816xi32, #tpu.memory_space<hbm>> -> memref<256xi32, #tpu.memory_space<hbm>>
    tpu.enqueue_dma source(%dma_start3A_6 : memref<256xi32, #tpu.memory_space<hbm>>) target(%arg6 : memref<256xi32, #tpu.memory_space<vmem>>) target_semaphore(%arg15 : memref<!tpu.dma_semaphore, #tpu.memory_space<semaphore_mem>>)
    %dma_start3A_7 = tpu.memref_slice %arg4[%add3A_5] : memref<802816xi32, #tpu.memory_space<hbm>> -> memref<256xi32, #tpu.memory_space<hbm>>
    %dma_start3A_8 = tpu.memref_slice %arg4[%add3A_5] : memref<802816xi32, #tpu.memory_space<hbm>> -> memref<256xi32, #tpu.memory_space<hbm>>
    tpu.enqueue_dma source(%dma_start3A_8 : memref<256xi32, #tpu.memory_space<hbm>>) target(%arg8 : memref<256xi32, #tpu.memory_space<vmem>>) target_semaphore(%arg15 : memref<!tpu.dma_semaphore, #tpu.memory_space<semaphore_mem>>)
    %add3A_9 = arith.constant 0 : i32
    %add3A_10 = arith.addi %mul3A_0, %add3A_9 : i32
    %dma_wait3A = tpu.memref_slice %arg3[%add3A_10] : memref<802816xi32, #tpu.memory_space<hbm>> -> memref<256xi32, #tpu.memory_space<hbm>>
    %dma_wait3A_11 = tpu.memref_slice %arg3[%add3A_10] : memref<802816xi32, #tpu.memory_space<hbm>> -> memref<256xi32, #tpu.memory_space<hbm>>
    tpu.wait_dma2 semaphore(%arg15 : memref<!tpu.dma_semaphore, #tpu.memory_space<semaphore_mem>>) src(%dma_wait3A_11 : memref<256xi32, #tpu.memory_space<hbm>>) dst(%arg6 : memref<256xi32, #tpu.memory_space<vmem>>)
    %dma_wait3A_12 = tpu.memref_slice %arg4[%add3A_10] : memref<802816xi32, #tpu.memory_space<hbm>> -> memref<256xi32, #tpu.memory_space<hbm>>
    %dma_wait3A_13 = tpu.memref_slice %arg4[%add3A_10] : memref<802816xi32, #tpu.memory_space<hbm>> -> memref<256xi32, #tpu.memory_space<hbm>>
    tpu.wait_dma2 semaphore(%arg15 : memref<!tpu.dma_semaphore, #tpu.memory_space<semaphore_mem>>) src(%dma_wait3A_13 : memref<256xi32, #tpu.memory_space<hbm>>) dst(%arg8 : memref<256xi32, #tpu.memory_space<vmem>>)
    %dma_start3A_14 = arith.constant 0 : i32
    %dma_start3A_15 = arith.constant 0 : i32
    %dma_start3A_16 = tpu.memref_slice %arg2[%arg0, %dma_start3A_14, %dma_start3A_15] : memref<2x50176x32xf32, #tpu.memory_space<hbm>> -> memref<1x50176x32xf32, #tpu.memory_space<hbm>>
    %dma_start3A_17 = tpu.memref_squeeze %dma_start3A_16 : memref<1x50176x32xf32, #tpu.memory_space<hbm>> -> memref<50176x32xf32, #tpu.memory_space<hbm>>
    %dma_start3A_18 = arith.constant 0 : i32
    %dma_start3A_19 = arith.constant 0 : i32
    %dma_start3A_20 = tpu.memref_slice %dma_start3A_17[%dma_start3A_18, %dma_start3A_19] : memref<50176x32xf32, #tpu.memory_space<hbm>> -> memref<50176x32xf32, #tpu.memory_space<hbm>>
    tpu.enqueue_indirect_dma source(%dma_start3A_20 : memref<50176x32xf32, #tpu.memory_space<hbm>>) target(%arg10 : memref<256x32xf32, #tpu.memory_space<vmem>>) offsets(%arg6 : memref<256xi32, #tpu.memory_space<vmem>>) semaphore(%arg13 : memref<!tpu.dma_semaphore, #tpu.memory_space<semaphore_mem>>)
    %add3A_21 = arith.constant 256 : i32
    %add3A_22 = arith.addi %mul3A_0, %add3A_21 : i32
    %dma_start3A_23 = tpu.memref_slice %arg3[%add3A_22] : memref<802816xi32, #tpu.memory_space<hbm>> -> memref<256xi32, #tpu.memory_space<hbm>>
    %dma_start3A_24 = tpu.memref_slice %arg3[%add3A_22] : memref<802816xi32, #tpu.memory_space<hbm>> -> memref<256xi32, #tpu.memory_space<hbm>>
    tpu.enqueue_dma source(%dma_start3A_24 : memref<256xi32, #tpu.memory_space<hbm>>) target(%arg7 : memref<256xi32, #tpu.memory_space<vmem>>) target_semaphore(%arg16 : memref<!tpu.dma_semaphore, #tpu.memory_space<semaphore_mem>>)
    %dma_start3A_25 = tpu.memref_slice %arg4[%add3A_22] : memref<802816xi32, #tpu.memory_space<hbm>> -> memref<256xi32, #tpu.memory_space<hbm>>
    %dma_start3A_26 = tpu.memref_slice %arg4[%add3A_22] : memref<802816xi32, #tpu.memory_space<hbm>> -> memref<256xi32, #tpu.memory_space<hbm>>
    tpu.enqueue_dma source(%dma_start3A_26 : memref<256xi32, #tpu.memory_space<hbm>>) target(%arg9 : memref<256xi32, #tpu.memory_space<vmem>>) target_semaphore(%arg16 : memref<!tpu.dma_semaphore, #tpu.memory_space<semaphore_mem>>)
    %scan3A = arith.constant 0 : i32
    %scan3A_27 = arith.constant 98 : i32
    %scan3A_28 = arith.addi %scan3A, %scan3A_27 : i32
    %scan3A_29 = arith.constant 1 : i32
    scf.for %scan3A_36 = %scan3A to %scan3A_28 step %scan3A_29  : i32 {
      %mul3A_37 = arith.constant 1 : i32
      %mul3A_38 = arith.muli %scan3A_36, %mul3A_37 : i32
      %add3A_39 = arith.constant 0 : i32
      %add3A_40 = arith.addi %add3A_39, %mul3A_38 : i32
      %mul3A_41 = arith.constant 2 : i32
      %mul3A_42 = arith.muli %mul3A_41, %add3A_40 : i32
      %dma_wait3A_43 = arith.constant 0 : i32
      %dma_wait3A_44 = arith.constant 0 : i32
      %dma_wait3A_45 = tpu.memref_slice %arg2[%arg0, %dma_wait3A_43, %dma_wait3A_44] : memref<2x50176x32xf32, #tpu.memory_space<hbm>> -> memref<1x50176x32xf32, #tpu.memory_space<hbm>>
      %dma_wait3A_46 = tpu.memref_squeeze %dma_wait3A_45 : memref<1x50176x32xf32, #tpu.memory_space<hbm>> -> memref<50176x32xf32, #tpu.memory_space<hbm>>
      %dma_wait3A_47 = arith.constant 0 : i32
      %dma_wait3A_48 = arith.constant 0 : i32
      %dma_wait3A_49 = tpu.memref_slice %dma_wait3A_46[%dma_wait3A_47, %dma_wait3A_48] : memref<50176x32xf32, #tpu.memory_space<hbm>> -> memref<50176x32xf32, #tpu.memory_space<hbm>>
      tpu.wait_indirect_dma semaphore(%arg13 : memref<!tpu.dma_semaphore, #tpu.memory_space<semaphore_mem>>) src(%dma_wait3A_49 : memref<50176x32xf32, #tpu.memory_space<hbm>>) dst(%arg10 : memref<256x32xf32, #tpu.memory_space<vmem>>)
      %add3A_50 = arith.constant 1 : i32
      %add3A_51 = arith.addi %mul3A_42, %add3A_50 : i32
      %mul3A_52 = arith.constant 256 : i32
      %mul3A_53 = arith.muli %add3A_51, %mul3A_52 : i32
      %add3A_54 = arith.addi %mul3A_0, %mul3A_53 : i32
      %dma_wait3A_55 = tpu.memref_slice %arg3[%add3A_54] : memref<802816xi32, #tpu.memory_space<hbm>> -> memref<256xi32, #tpu.memory_space<hbm>>
      %dma_wait3A_56 = tpu.memref_slice %arg3[%add3A_54] : memref<802816xi32, #tpu.memory_space<hbm>> -> memref<256xi32, #tpu.memory_space<hbm>>
      tpu.wait_dma2 semaphore(%arg16 : memref<!tpu.dma_semaphore, #tpu.memory_space<semaphore_mem>>) src(%dma_wait3A_56 : memref<256xi32, #tpu.memory_space<hbm>>) dst(%arg7 : memref<256xi32, #tpu.memory_space<vmem>>)
      %dma_wait3A_57 = tpu.memref_slice %arg4[%add3A_54] : memref<802816xi32, #tpu.memory_space<hbm>> -> memref<256xi32, #tpu.memory_space<hbm>>
      %dma_wait3A_58 = tpu.memref_slice %arg4[%add3A_54] : memref<802816xi32, #tpu.memory_space<hbm>> -> memref<256xi32, #tpu.memory_space<hbm>>
      tpu.wait_dma2 semaphore(%arg16 : memref<!tpu.dma_semaphore, #tpu.memory_space<semaphore_mem>>) src(%dma_wait3A_58 : memref<256xi32, #tpu.memory_space<hbm>>) dst(%arg9 : memref<256xi32, #tpu.memory_space<vmem>>)
      %dma_start3A_59 = arith.constant 0 : i32
      %dma_start3A_60 = arith.constant 0 : i32
      %dma_start3A_61 = tpu.memref_slice %arg2[%arg0, %dma_start3A_59, %dma_start3A_60] : memref<2x50176x32xf32, #tpu.memory_space<hbm>> -> memref<1x50176x32xf32, #tpu.memory_space<hbm>>
      %dma_start3A_62 = tpu.memref_squeeze %dma_start3A_61 : memref<1x50176x32xf32, #tpu.memory_space<hbm>> -> memref<50176x32xf32, #tpu.memory_space<hbm>>
      %dma_start3A_63 = arith.constant 0 : i32
      %dma_start3A_64 = arith.constant 0 : i32
      %dma_start3A_65 = tpu.memref_slice %dma_start3A_62[%dma_start3A_63, %dma_start3A_64] : memref<50176x32xf32, #tpu.memory_space<hbm>> -> memref<50176x32xf32, #tpu.memory_space<hbm>>
      tpu.enqueue_indirect_dma source(%dma_start3A_65 : memref<50176x32xf32, #tpu.memory_space<hbm>>) target(%arg11 : memref<256x32xf32, #tpu.memory_space<vmem>>) offsets(%arg7 : memref<256xi32, #tpu.memory_space<vmem>>) semaphore(%arg14 : memref<!tpu.dma_semaphore, #tpu.memory_space<semaphore_mem>>)
      "tpu.region"() ({
        %run_scoped3A = tpu.sem_alloc : memref<!tpu.dma_semaphore, #tpu.memory_space<semaphore_mem>>
        %dma_start3A_91 = arith.constant 0 : i32
        %dma_start3A_92 = arith.constant 0 : i32
        %dma_start3A_93 = tpu.memref_slice %arg12[%dma_start3A_91, %dma_start3A_92] : memref<50176x32xf32, #tpu.memory_space<vmem_shared>> -> memref<50176x32xf32, #tpu.memory_space<vmem_shared>>
        tpu.enqueue_indirect_dma source(%arg10 : memref<256x32xf32, #tpu.memory_space<vmem>>) target(%dma_start3A_93 : memref<50176x32xf32, #tpu.memory_space<vmem_shared>>) offsets(%arg8 : memref<256xi32, #tpu.memory_space<vmem>>) semaphore(%run_scoped3A : memref<!tpu.dma_semaphore, #tpu.memory_space<semaphore_mem>>) {add = true}
        %dma_wait3A_94 = arith.constant 0 : i32
        %dma_wait3A_95 = arith.constant 0 : i32
        %dma_wait3A_96 = tpu.memref_slice %arg12[%dma_wait3A_94, %dma_wait3A_95] : memref<50176x32xf32, #tpu.memory_space<vmem_shared>> -> memref<50176x32xf32, #tpu.memory_space<vmem_shared>>
        tpu.wait_indirect_dma semaphore(%run_scoped3A : memref<!tpu.dma_semaphore, #tpu.memory_space<semaphore_mem>>) src(%arg10 : memref<256x32xf32, #tpu.memory_space<vmem>>) dst(%dma_wait3A_96 : memref<50176x32xf32, #tpu.memory_space<vmem_shared>>)
        tpu.yield
      }) : () -> ()
      %add3A_66 = arith.constant 2 : i32
      %add3A_67 = arith.addi %mul3A_42, %add3A_66 : i32
      %lt3A = arith.constant 196 : i32
      %lt3A_68 = arith.cmpi slt, %add3A_67, %lt3A : i32
      %convert_element_type3A = arith.extui %lt3A_68 : i1 to i32
      %cond3A = arith.constant 0 : i32
      %cond3A_69 = arith.cmpi ne, %convert_element_type3A, %cond3A : i32
      scf.if %cond3A_69 {
        %add3A_91 = arith.constant 2 : i32
        %add3A_92 = arith.addi %mul3A_42, %add3A_91 : i32
        %mul3A_93 = arith.constant 256 : i32
        %mul3A_94 = arith.muli %add3A_92, %mul3A_93 : i32
        %add3A_95 = arith.addi %mul3A_0, %mul3A_94 : i32
        %dma_start3A_96 = tpu.memref_slice %arg3[%add3A_95] : memref<802816xi32, #tpu.memory_space<hbm>> -> memref<256xi32, #tpu.memory_space<hbm>>
        %dma_start3A_97 = tpu.memref_slice %arg3[%add3A_95] : memref<802816xi32, #tpu.memory_space<hbm>> -> memref<256xi32, #tpu.memory_space<hbm>>
        tpu.enqueue_dma source(%dma_start3A_97 : memref<256xi32, #tpu.memory_space<hbm>>) target(%arg6 : memref<256xi32, #tpu.memory_space<vmem>>) target_semaphore(%arg15 : memref<!tpu.dma_semaphore, #tpu.memory_space<semaphore_mem>>)
        %dma_start3A_98 = tpu.memref_slice %arg4[%add3A_95] : memref<802816xi32, #tpu.memory_space<hbm>> -> memref<256xi32, #tpu.memory_space<hbm>>
        %dma_start3A_99 = tpu.memref_slice %arg4[%add3A_95] : memref<802816xi32, #tpu.memory_space<hbm>> -> memref<256xi32, #tpu.memory_space<hbm>>
        tpu.enqueue_dma source(%dma_start3A_99 : memref<256xi32, #tpu.memory_space<hbm>>) target(%arg8 : memref<256xi32, #tpu.memory_space<vmem>>) target_semaphore(%arg15 : memref<!tpu.dma_semaphore, #tpu.memory_space<semaphore_mem>>)
      } else {
      }
      %dma_wait3A_70 = arith.constant 0 : i32
      %dma_wait3A_71 = arith.constant 0 : i32
      %dma_wait3A_72 = tpu.memref_slice %arg2[%arg0, %dma_wait3A_70, %dma_wait3A_71] : memref<2x50176x32xf32, #tpu.memory_space<hbm>> -> memref<1x50176x32xf32, #tpu.memory_space<hbm>>
      %dma_wait3A_73 = tpu.memref_squeeze %dma_wait3A_72 : memref<1x50176x32xf32, #tpu.memory_space<hbm>> -> memref<50176x32xf32, #tpu.memory_space<hbm>>
      %dma_wait3A_74 = arith.constant 0 : i32
      %dma_wait3A_75 = arith.constant 0 : i32
      %dma_wait3A_76 = tpu.memref_slice %dma_wait3A_73[%dma_wait3A_74, %dma_wait3A_75] : memref<50176x32xf32, #tpu.memory_space<hbm>> -> memref<50176x32xf32, #tpu.memory_space<hbm>>
      tpu.wait_indirect_dma semaphore(%arg14 : memref<!tpu.dma_semaphore, #tpu.memory_space<semaphore_mem>>) src(%dma_wait3A_76 : memref<50176x32xf32, #tpu.memory_space<hbm>>) dst(%arg11 : memref<256x32xf32, #tpu.memory_space<vmem>>)
      %add3A_77 = arith.constant 2 : i32
      %add3A_78 = arith.addi %mul3A_42, %add3A_77 : i32
      %lt3A_79 = arith.constant 196 : i32
      %lt3A_80 = arith.cmpi slt, %add3A_78, %lt3A_79 : i32
      %convert_element_type3A_81 = arith.extui %lt3A_80 : i1 to i32
      %cond3A_82 = arith.constant 0 : i32
      %cond3A_83 = arith.cmpi ne, %convert_element_type3A_81, %cond3A_82 : i32
      scf.if %cond3A_83 {
        %add3A_91 = arith.constant 2 : i32
        %add3A_92 = arith.addi %mul3A_42, %add3A_91 : i32
        %mul3A_93 = arith.constant 256 : i32
        %mul3A_94 = arith.muli %add3A_92, %mul3A_93 : i32
        %add3A_95 = arith.addi %mul3A_0, %mul3A_94 : i32
        %dma_wait3A_96 = tpu.memref_slice %arg3[%add3A_95] : memref<802816xi32, #tpu.memory_space<hbm>> -> memref<256xi32, #tpu.memory_space<hbm>>
        %dma_wait3A_97 = tpu.memref_slice %arg3[%add3A_95] : memref<802816xi32, #tpu.memory_space<hbm>> -> memref<256xi32, #tpu.memory_space<hbm>>
        tpu.wait_dma2 semaphore(%arg15 : memref<!tpu.dma_semaphore, #tpu.memory_space<semaphore_mem>>) src(%dma_wait3A_97 : memref<256xi32, #tpu.memory_space<hbm>>) dst(%arg6 : memref<256xi32, #tpu.memory_space<vmem>>)
        %dma_wait3A_98 = tpu.memref_slice %arg4[%add3A_95] : memref<802816xi32, #tpu.memory_space<hbm>> -> memref<256xi32, #tpu.memory_space<hbm>>
        %dma_wait3A_99 = tpu.memref_slice %arg4[%add3A_95] : memref<802816xi32, #tpu.memory_space<hbm>> -> memref<256xi32, #tpu.memory_space<hbm>>
        tpu.wait_dma2 semaphore(%arg15 : memref<!tpu.dma_semaphore, #tpu.memory_space<semaphore_mem>>) src(%dma_wait3A_99 : memref<256xi32, #tpu.memory_space<hbm>>) dst(%arg8 : memref<256xi32, #tpu.memory_space<vmem>>)
        %dma_start3A_100 = arith.constant 0 : i32
        %dma_start3A_101 = arith.constant 0 : i32
        %dma_start3A_102 = tpu.memref_slice %arg2[%arg0, %dma_start3A_100, %dma_start3A_101] : memref<2x50176x32xf32, #tpu.memory_space<hbm>> -> memref<1x50176x32xf32, #tpu.memory_space<hbm>>
        %dma_start3A_103 = tpu.memref_squeeze %dma_start3A_102 : memref<1x50176x32xf32, #tpu.memory_space<hbm>> -> memref<50176x32xf32, #tpu.memory_space<hbm>>
        %dma_start3A_104 = arith.constant 0 : i32
        %dma_start3A_105 = arith.constant 0 : i32
        %dma_start3A_106 = tpu.memref_slice %dma_start3A_103[%dma_start3A_104, %dma_start3A_105] : memref<50176x32xf32, #tpu.memory_space<hbm>> -> memref<50176x32xf32, #tpu.memory_space<hbm>>
        tpu.enqueue_indirect_dma source(%dma_start3A_106 : memref<50176x32xf32, #tpu.memory_space<hbm>>) target(%arg10 : memref<256x32xf32, #tpu.memory_space<vmem>>) offsets(%arg6 : memref<256xi32, #tpu.memory_space<vmem>>) semaphore(%arg13 : memref<!tpu.dma_semaphore, #tpu.memory_space<semaphore_mem>>)
      } else {
      }
      "tpu.region"() ({
        %run_scoped3A = tpu.sem_alloc : memref<!tpu.dma_semaphore, #tpu.memory_space<semaphore_mem>>
        %dma_start3A_91 = arith.constant 0 : i32
        %dma_start3A_92 = arith.constant 0 : i32
        %dma_start3A_93 = tpu.memref_slice %arg12[%dma_start3A_91, %dma_start3A_92] : memref<50176x32xf32, #tpu.memory_space<vmem_shared>> -> memref<50176x32xf32, #tpu.memory_space<vmem_shared>>
        tpu.enqueue_indirect_dma source(%arg11 : memref<256x32xf32, #tpu.memory_space<vmem>>) target(%dma_start3A_93 : memref<50176x32xf32, #tpu.memory_space<vmem_shared>>) offsets(%arg9 : memref<256xi32, #tpu.memory_space<vmem>>) semaphore(%run_scoped3A : memref<!tpu.dma_semaphore, #tpu.memory_space<semaphore_mem>>) {add = true}
        %dma_wait3A_94 = arith.constant 0 : i32
        %dma_wait3A_95 = arith.constant 0 : i32
        %dma_wait3A_96 = tpu.memref_slice %arg12[%dma_wait3A_94, %dma_wait3A_95] : memref<50176x32xf32, #tpu.memory_space<vmem_shared>> -> memref<50176x32xf32, #tpu.memory_space<vmem_shared>>
        tpu.wait_indirect_dma semaphore(%run_scoped3A : memref<!tpu.dma_semaphore, #tpu.memory_space<semaphore_mem>>) src(%arg11 : memref<256x32xf32, #tpu.memory_space<vmem>>) dst(%dma_wait3A_96 : memref<50176x32xf32, #tpu.memory_space<vmem_shared>>)
        tpu.yield
      }) : () -> ()
      %add3A_84 = arith.constant 3 : i32
      %add3A_85 = arith.addi %mul3A_42, %add3A_84 : i32
      %lt3A_86 = arith.constant 196 : i32
      %lt3A_87 = arith.cmpi slt, %add3A_85, %lt3A_86 : i32
      %convert_element_type3A_88 = arith.extui %lt3A_87 : i1 to i32
      %cond3A_89 = arith.constant 0 : i32
      %cond3A_90 = arith.cmpi ne, %convert_element_type3A_88, %cond3A_89 : i32
      scf.if %cond3A_90 {
        %add3A_91 = arith.constant 3 : i32
        %add3A_92 = arith.addi %mul3A_42, %add3A_91 : i32
        %mul3A_93 = arith.constant 256 : i32
        %mul3A_94 = arith.muli %add3A_92, %mul3A_93 : i32
        %add3A_95 = arith.addi %mul3A_0, %mul3A_94 : i32
        %dma_start3A_96 = tpu.memref_slice %arg3[%add3A_95] : memref<802816xi32, #tpu.memory_space<hbm>> -> memref<256xi32, #tpu.memory_space<hbm>>
        %dma_start3A_97 = tpu.memref_slice %arg3[%add3A_95] : memref<802816xi32, #tpu.memory_space<hbm>> -> memref<256xi32, #tpu.memory_space<hbm>>
        tpu.enqueue_dma source(%dma_start3A_97 : memref<256xi32, #tpu.memory_space<hbm>>) target(%arg7 : memref<256xi32, #tpu.memory_space<vmem>>) target_semaphore(%arg16 : memref<!tpu.dma_semaphore, #tpu.memory_space<semaphore_mem>>)
        %dma_start3A_98 = tpu.memref_slice %arg4[%add3A_95] : memref<802816xi32, #tpu.memory_space<hbm>> -> memref<256xi32, #tpu.memory_space<hbm>>
        %dma_start3A_99 = tpu.memref_slice %arg4[%add3A_95] : memref<802816xi32, #tpu.memory_space<hbm>> -> memref<256xi32, #tpu.memory_space<hbm>>
        tpu.enqueue_dma source(%dma_start3A_99 : memref<256xi32, #tpu.memory_space<hbm>>) target(%arg9 : memref<256xi32, #tpu.memory_space<vmem>>) target_semaphore(%arg16 : memref<!tpu.dma_semaphore, #tpu.memory_space<semaphore_mem>>)
      } else {
      }
    }
    %scan3A_30 = arith.constant 98 : i32
    %barrier3A_31 = arith.constant 0 : index
    tpu.barrier barrier_id(%barrier3A_31)
    %mul3A_32 = arith.constant 3136 : i32
    %mul3A_33 = arith.muli %arg1, %mul3A_32 : i32
    %mul3A_34 = arith.constant 3136 : i32
    %mul3A_35 = arith.muli %arg1, %mul3A_34 : i32
    "tpu.region"() ({
      %run_scoped3A = tpu.sem_alloc : memref<!tpu.dma_semaphore, #tpu.memory_space<semaphore_mem>>
      %dma_start3A_36 = arith.constant 0 : i32
      %dma_start3A_37 = tpu.memref_slice %arg5[%arg0, %mul3A_35, %dma_start3A_36] : memref<2x50176x32xf32, #tpu.memory_space<hbm>> -> memref<1x3136x32xf32, #tpu.memory_space<hbm>>
      %dma_start3A_38 = tpu.memref_squeeze %dma_start3A_37 : memref<1x3136x32xf32, #tpu.memory_space<hbm>> -> memref<3136x32xf32, #tpu.memory_space<hbm>>
      %dma_start3A_39 = arith.constant 0 : i32
      %dma_start3A_40 = tpu.memref_slice %arg12[%mul3A_33, %dma_start3A_39] : memref<50176x32xf32, #tpu.memory_space<vmem_shared>> -> memref<3136x32xf32, #tpu.memory_space<vmem_shared>>
      tpu.enqueue_dma source(%dma_start3A_40 : memref<3136x32xf32, #tpu.memory_space<vmem_shared>>) target(%dma_start3A_38 : memref<3136x32xf32, #tpu.memory_space<hbm>>) target_semaphore(%run_scoped3A : memref<!tpu.dma_semaphore, #tpu.memory_space<semaphore_mem>>)
      %dma_wait3A_41 = arith.constant 0 : i32
      %dma_wait3A_42 = tpu.memref_slice %arg5[%arg0, %mul3A_35, %dma_wait3A_41] : memref<2x50176x32xf32, #tpu.memory_space<hbm>> -> memref<1x3136x32xf32, #tpu.memory_space<hbm>>
      %dma_wait3A_43 = tpu.memref_squeeze %dma_wait3A_42 : memref<1x3136x32xf32, #tpu.memory_space<hbm>> -> memref<3136x32xf32, #tpu.memory_space<hbm>>
      %dma_wait3A_44 = arith.constant 0 : i32
      %dma_wait3A_45 = tpu.memref_slice %arg12[%mul3A_33, %dma_wait3A_44] : memref<50176x32xf32, #tpu.memory_space<vmem_shared>> -> memref<3136x32xf32, #tpu.memory_space<vmem_shared>>
      tpu.wait_dma2 semaphore(%run_scoped3A : memref<!tpu.dma_semaphore, #tpu.memory_space<semaphore_mem>>) src(%dma_wait3A_45 : memref<3136x32xf32, #tpu.memory_space<vmem_shared>>) dst(%dma_wait3A_43 : memref<3136x32xf32, #tpu.memory_space<hbm>>)
      tpu.yield
    }) : () -> ()
    return
  }
}

#map = affine_map<(d0, d1) -> (0, 0, 0)>
#map1 = affine_map<(d0, d1) -> (0)>
module attributes {stable_mosaic.version = 14 : i64} {
  func.func @_sc_pool(%arg0: i32, %arg1: i32, %arg2: memref<2x50176x32xf32, #tpu.memory_space<hbm>>, %arg3: memref<50176xi32, #tpu.memory_space<hbm>>, %arg4: memref<2x7168x32xf32, #tpu.memory_space<hbm>>, %arg5: memref<1x128xi32, #tpu.memory_space<vmem>>, %arg6: memref<1x64xi32, #tpu.memory_space<vmem>>, %arg7: memref<128x32xf32, #tpu.memory_space<vmem>>, %arg8: memref<7168x32xf32, #tpu.memory_space<vmem_shared>>) attributes {dimension_semantics = [#tpu.dimension_semantics<core_parallel>, #tpu.dimension_semantics<subcore_parallel>], iteration_bounds = array<i64: 2, 16>, scalar_prefetch = 0 : i64, scratch_operands = 4 : i64, tpu.core_type = #tpu.core_type<sc_vector_subcore>, window_params = [{transform_indices = #map}, {transform_indices = #map1}, {transform_indices = #map}]} {
    %scan3A = arith.constant 0 : i32
    %scan3A_0 = arith.constant 128 : i32
    %scan3A_1 = arith.addi %scan3A, %scan3A_0 : i32
    %scan3A_2 = arith.constant 1 : i32
    scf.for %scan3A_26 = %scan3A to %scan3A_1 step %scan3A_2  : i32 {
      %mul3A_27 = arith.constant 1 : i32
      %mul3A_28 = arith.muli %scan3A_26, %mul3A_27 : i32
      %add3A_29 = arith.constant 0 : i32
      %add3A_30 = arith.addi %add3A_29, %mul3A_28 : i32
      %scan3A_31 = arith.constant 0 : i32
      %scan3A_32 = arith.constant 2 : i32
      %scan3A_33 = arith.addi %scan3A_31, %scan3A_32 : i32
      %scan3A_34 = arith.constant 1 : i32
      scf.for %scan3A_36 = %scan3A_31 to %scan3A_33 step %scan3A_34  : i32 {
        %mul3A_37 = arith.constant 16 : i32
        %mul3A_38 = arith.muli %scan3A_36, %mul3A_37 : i32
        %add3A_39 = arith.constant 0 : i32
        %add3A_40 = arith.addi %add3A_39, %mul3A_38 : i32
        %broadcast_in_dim3A = arith.constant 0.000000e+00 : f32
        %broadcast_in_dim3A_41 = vector.broadcast %broadcast_in_dim3A : f32 to vector<16xf32>
        %swap3A = arith.index_cast %add3A_30 : i32 to index
        %swap3A_42 = arith.index_cast %add3A_40 : i32 to index
        %swap3A_43 = tpu.vector_load %arg7[%swap3A, %swap3A_42] {strides = array<i32>} : memref<128x32xf32, #tpu.memory_space<vmem>>, vector<1x16xf32>,
        %swap3A_44 = vector.shape_cast %swap3A_43 : vector<1x16xf32> to vector<16xf32>
        %swap3A_45 = vector.shape_cast %broadcast_in_dim3A_41 : vector<16xf32> to vector<1x16xf32>
        tpu.vector_store %arg7[%swap3A, %swap3A_42], %swap3A_45 {strides = array<i32>} : memref<128x32xf32, #tpu.memory_space<vmem>>, vector<1x16xf32>,
      }
      %scan3A_35 = arith.constant 2 : i32
    }
    %scan3A_3 = arith.constant 128 : i32
    %scan3A_4 = arith.constant 0 : i32
    %scan3A_5 = arith.constant 3 : i32
    %scan3A_6 = arith.addi %scan3A_4, %scan3A_5 : i32
    %scan3A_7 = arith.constant 1 : i32
    scf.for %scan3A_26 = %scan3A_4 to %scan3A_6 step %scan3A_7  : i32 {
      %mul3A_27 = arith.constant 1 : i32
      %mul3A_28 = arith.muli %scan3A_26, %mul3A_27 : i32
      %add3A_29 = arith.constant 0 : i32
      %add3A_30 = arith.addi %add3A_29, %mul3A_28 : i32
      %mul3A_31 = arith.constant 448 : i32
      %mul3A_32 = arith.muli %arg1, %mul3A_31 : i32
      %mul3A_33 = arith.constant 128 : i32
      %mul3A_34 = arith.muli %add3A_30, %mul3A_33 : i32
      %add3A_35 = arith.addi %mul3A_32, %mul3A_34 : i32
      "tpu.region"() ({
        %run_scoped3A_36 = tpu.sem_alloc : memref<!tpu.dma_semaphore, #tpu.memory_space<semaphore_mem>>
        %dma_start3A = arith.constant 0 : i32
        %dma_start3A_37 = tpu.memref_slice %arg8[%add3A_35, %dma_start3A] : memref<7168x32xf32, #tpu.memory_space<vmem_shared>> -> memref<128x32xf32, #tpu.memory_space<vmem_shared>>
        %dma_start3A_38 = arith.constant 0 : i32
        %dma_start3A_39 = tpu.memref_slice %arg8[%add3A_35, %dma_start3A_38] : memref<7168x32xf32, #tpu.memory_space<vmem_shared>> -> memref<128x32xf32, #tpu.memory_space<vmem_shared>>
        tpu.enqueue_dma source(%arg7 : memref<128x32xf32, #tpu.memory_space<vmem>>) target(%dma_start3A_39 : memref<128x32xf32, #tpu.memory_space<vmem_shared>>) target_semaphore(%run_scoped3A_36 : memref<!tpu.dma_semaphore, #tpu.memory_space<semaphore_mem>>)
        %dma_wait3A = arith.constant 0 : i32
        %dma_wait3A_40 = tpu.memref_slice %arg8[%add3A_35, %dma_wait3A] : memref<7168x32xf32, #tpu.memory_space<vmem_shared>> -> memref<128x32xf32, #tpu.memory_space<vmem_shared>>
        %dma_wait3A_41 = arith.constant 0 : i32
        %dma_wait3A_42 = tpu.memref_slice %arg8[%add3A_35, %dma_wait3A_41] : memref<7168x32xf32, #tpu.memory_space<vmem_shared>> -> memref<128x32xf32, #tpu.memory_space<vmem_shared>>
        tpu.wait_dma2 semaphore(%run_scoped3A_36 : memref<!tpu.dma_semaphore, #tpu.memory_space<semaphore_mem>>) src(%arg7 : memref<128x32xf32, #tpu.memory_space<vmem>>) dst(%dma_wait3A_42 : memref<128x32xf32, #tpu.memory_space<vmem_shared>>)
        tpu.yield
      }) : () -> ()
    }
    %scan3A_8 = arith.constant 3 : i32
    %mul3A = arith.constant 448 : i32
    %mul3A_9 = arith.muli %arg1, %mul3A : i32
    %add3A = arith.constant 384 : i32
    %add3A_10 = arith.addi %mul3A_9, %add3A : i32
    "tpu.region"() ({
      %run_scoped3A_26 = tpu.sem_alloc : memref<!tpu.dma_semaphore, #tpu.memory_space<semaphore_mem>>
      %dma_start3A = arith.constant 0 : i32
      %dma_start3A_27 = arith.constant 0 : i32
      %dma_start3A_28 = tpu.memref_slice %arg7[%dma_start3A, %dma_start3A_27] : memref<128x32xf32, #tpu.memory_space<vmem>> -> memref<64x32xf32, #tpu.memory_space<vmem>>
      %dma_start3A_29 = arith.constant 0 : i32
      %dma_start3A_30 = tpu.memref_slice %arg8[%add3A_10, %dma_start3A_29] : memref<7168x32xf32, #tpu.memory_space<vmem_shared>> -> memref<64x32xf32, #tpu.memory_space<vmem_shared>>
      %dma_start3A_31 = arith.constant 0 : i32
      %dma_start3A_32 = tpu.memref_slice %arg8[%add3A_10, %dma_start3A_31] : memref<7168x32xf32, #tpu.memory_space<vmem_shared>> -> memref<64x32xf32, #tpu.memory_space<vmem_shared>>
      %dma_start3A_33 = arith.constant 0 : i32
      %dma_start3A_34 = arith.constant 0 : i32
      %dma_start3A_35 = tpu.memref_slice %arg7[%dma_start3A_33, %dma_start3A_34] : memref<128x32xf32, #tpu.memory_space<vmem>> -> memref<64x32xf32, #tpu.memory_space<vmem>>
      tpu.enqueue_dma source(%dma_start3A_35 : memref<64x32xf32, #tpu.memory_space<vmem>>) target(%dma_start3A_32 : memref<64x32xf32, #tpu.memory_space<vmem_shared>>) target_semaphore(%run_scoped3A_26 : memref<!tpu.dma_semaphore, #tpu.memory_space<semaphore_mem>>)
      %dma_wait3A = arith.constant 0 : i32
      %dma_wait3A_36 = arith.constant 0 : i32
      %dma_wait3A_37 = tpu.memref_slice %arg7[%dma_wait3A, %dma_wait3A_36] : memref<128x32xf32, #tpu.memory_space<vmem>> -> memref<64x32xf32, #tpu.memory_space<vmem>>
      %dma_wait3A_38 = arith.constant 0 : i32
      %dma_wait3A_39 = tpu.memref_slice %arg8[%add3A_10, %dma_wait3A_38] : memref<7168x32xf32, #tpu.memory_space<vmem_shared>> -> memref<64x32xf32, #tpu.memory_space<vmem_shared>>
      %dma_wait3A_40 = arith.constant 0 : i32
      %dma_wait3A_41 = tpu.memref_slice %arg8[%add3A_10, %dma_wait3A_40] : memref<7168x32xf32, #tpu.memory_space<vmem_shared>> -> memref<64x32xf32, #tpu.memory_space<vmem_shared>>
      %dma_wait3A_42 = arith.constant 0 : i32
      %dma_wait3A_43 = arith.constant 0 : i32
      %dma_wait3A_44 = tpu.memref_slice %arg7[%dma_wait3A_42, %dma_wait3A_43] : memref<128x32xf32, #tpu.memory_space<vmem>> -> memref<64x32xf32, #tpu.memory_space<vmem>>
      tpu.wait_dma2 semaphore(%run_scoped3A_26 : memref<!tpu.dma_semaphore, #tpu.memory_space<semaphore_mem>>) src(%dma_wait3A_44 : memref<64x32xf32, #tpu.memory_space<vmem>>) dst(%dma_wait3A_41 : memref<64x32xf32, #tpu.memory_space<vmem_shared>>)
      tpu.yield
    }) : () -> ()
    %barrier3A = arith.constant 0 : index
    tpu.barrier barrier_id(%barrier3A)
    %mul3A_11 = arith.constant 3136 : i32
    %mul3A_12 = arith.muli %arg1, %mul3A_11 : i32
    %scan3A_13 = arith.constant 0 : i32
    %scan3A_14 = arith.constant 24 : i32
    %scan3A_15 = arith.addi %scan3A_13, %scan3A_14 : i32
    %scan3A_16 = arith.constant 1 : i32
    scf.for %scan3A_26 = %scan3A_13 to %scan3A_15 step %scan3A_16  : i32 {
      %mul3A_27 = arith.constant 1 : i32
      %mul3A_28 = arith.muli %scan3A_26, %mul3A_27 : i32
      %add3A_29 = arith.constant 0 : i32
      %add3A_30 = arith.addi %add3A_29, %mul3A_28 : i32
      %mul3A_31 = arith.constant 128 : i32
      %mul3A_32 = arith.muli %add3A_30, %mul3A_31 : i32
      %add3A_33 = arith.addi %mul3A_12, %mul3A_32 : i32
      "tpu.region"() ({
        %run_scoped3A_36 = tpu.sem_alloc : memref<!tpu.dma_semaphore, #tpu.memory_space<semaphore_mem>>
        %dma_start3A = arith.constant 0 : i32
        %dma_start3A_37 = arith.constant 0 : i32
        %dma_start3A_38 = tpu.memref_slice %arg2[%arg0, %dma_start3A, %dma_start3A_37] : memref<2x50176x32xf32, #tpu.memory_space<hbm>> -> memref<1x50176x32xf32, #tpu.memory_space<hbm>>
        %dma_start3A_39 = tpu.memref_squeeze %dma_start3A_38 : memref<1x50176x32xf32, #tpu.memory_space<hbm>> -> memref<50176x32xf32, #tpu.memory_space<hbm>>
        %dma_start3A_40 = arith.constant 0 : i32
        %dma_start3A_41 = tpu.memref_slice %dma_start3A_39[%add3A_33, %dma_start3A_40] : memref<50176x32xf32, #tpu.memory_space<hbm>> -> memref<128x32xf32, #tpu.memory_space<hbm>>
        %dma_start3A_42 = arith.constant 0 : i32
        %dma_start3A_43 = arith.constant 0 : i32
        %dma_start3A_44 = tpu.memref_slice %arg2[%arg0, %dma_start3A_42, %dma_start3A_43] : memref<2x50176x32xf32, #tpu.memory_space<hbm>> -> memref<1x50176x32xf32, #tpu.memory_space<hbm>>
        %dma_start3A_45 = tpu.memref_squeeze %dma_start3A_44 : memref<1x50176x32xf32, #tpu.memory_space<hbm>> -> memref<50176x32xf32, #tpu.memory_space<hbm>>
        %dma_start3A_46 = arith.constant 0 : i32
        %dma_start3A_47 = tpu.memref_slice %dma_start3A_45[%add3A_33, %dma_start3A_46] : memref<50176x32xf32, #tpu.memory_space<hbm>> -> memref<128x32xf32, #tpu.memory_space<hbm>>
        tpu.enqueue_dma source(%dma_start3A_47 : memref<128x32xf32, #tpu.memory_space<hbm>>) target(%arg7 : memref<128x32xf32, #tpu.memory_space<vmem>>) target_semaphore(%run_scoped3A_36 : memref<!tpu.dma_semaphore, #tpu.memory_space<semaphore_mem>>)
        %dma_wait3A = arith.constant 0 : i32
        %dma_wait3A_48 = arith.constant 0 : i32
        %dma_wait3A_49 = tpu.memref_slice %arg2[%arg0, %dma_wait3A, %dma_wait3A_48] : memref<2x50176x32xf32, #tpu.memory_space<hbm>> -> memref<1x50176x32xf32, #tpu.memory_space<hbm>>
        %dma_wait3A_50 = tpu.memref_squeeze %dma_wait3A_49 : memref<1x50176x32xf32, #tpu.memory_space<hbm>> -> memref<50176x32xf32, #tpu.memory_space<hbm>>
        %dma_wait3A_51 = arith.constant 0 : i32
        %dma_wait3A_52 = tpu.memref_slice %dma_wait3A_50[%add3A_33, %dma_wait3A_51] : memref<50176x32xf32, #tpu.memory_space<hbm>> -> memref<128x32xf32, #tpu.memory_space<hbm>>
        %dma_wait3A_53 = arith.constant 0 : i32
        %dma_wait3A_54 = arith.constant 0 : i32
        %dma_wait3A_55 = tpu.memref_slice %arg2[%arg0, %dma_wait3A_53, %dma_wait3A_54] : memref<2x50176x32xf32, #tpu.memory_space<hbm>> -> memref<1x50176x32xf32, #tpu.memory_space<hbm>>
        %dma_wait3A_56 = tpu.memref_squeeze %dma_wait3A_55 : memref<1x50176x32xf32, #tpu.memory_space<hbm>> -> memref<50176x32xf32, #tpu.memory_space<hbm>>
        %dma_wait3A_57 = arith.constant 0 : i32
        %dma_wait3A_58 = tpu.memref_slice %dma_wait3A_56[%add3A_33, %dma_wait3A_57] : memref<50176x32xf32, #tpu.memory_space<hbm>> -> memref<128x32xf32, #tpu.memory_space<hbm>>
        tpu.wait_dma2 semaphore(%run_scoped3A_36 : memref<!tpu.dma_semaphore, #tpu.memory_space<semaphore_mem>>) src(%dma_wait3A_58 : memref<128x32xf32, #tpu.memory_space<hbm>>) dst(%arg7 : memref<128x32xf32, #tpu.memory_space<vmem>>)
        tpu.yield
      }) : () -> ()
      %run_scoped3A_34 = arith.constant 0 : i32
      "tpu.region"() ({
        %run_scoped3A_36 = tpu.sem_alloc : memref<!tpu.dma_semaphore, #tpu.memory_space<semaphore_mem>>
        %dma_start3A = arith.constant 0 : i32
        %dma_start3A_37 = tpu.memref_slice %arg5[%run_scoped3A_34, %dma_start3A] : memref<1x128xi32, #tpu.memory_space<vmem>> -> memref<1x128xi32, #tpu.memory_space<vmem>>
        %dma_start3A_38 = tpu.memref_squeeze %dma_start3A_37 : memref<1x128xi32, #tpu.memory_space<vmem>> -> memref<128xi32, #tpu.memory_space<vmem>>
        %dma_start3A_39 = tpu.memref_slice %arg3[%add3A_33] : memref<50176xi32, #tpu.memory_space<hbm>> -> memref<128xi32, #tpu.memory_space<hbm>>
        %dma_start3A_40 = arith.constant 0 : i32
        %dma_start3A_41 = tpu.memref_slice %arg5[%run_scoped3A_34, %dma_start3A_40] : memref<1x128xi32, #tpu.memory_space<vmem>> -> memref<1x128xi32, #tpu.memory_space<vmem>>
        %dma_start3A_42 = tpu.memref_squeeze %dma_start3A_41 : memref<1x128xi32, #tpu.memory_space<vmem>> -> memref<128xi32, #tpu.memory_space<vmem>>
        %dma_start3A_43 = tpu.memref_slice %arg3[%add3A_33] : memref<50176xi32, #tpu.memory_space<hbm>> -> memref<128xi32, #tpu.memory_space<hbm>>
        tpu.enqueue_dma source(%dma_start3A_43 : memref<128xi32, #tpu.memory_space<hbm>>) target(%dma_start3A_42 : memref<128xi32, #tpu.memory_space<vmem>>) target_semaphore(%run_scoped3A_36 : memref<!tpu.dma_semaphore, #tpu.memory_space<semaphore_mem>>)
        %dma_wait3A = arith.constant 0 : i32
        %dma_wait3A_44 = tpu.memref_slice %arg5[%run_scoped3A_34, %dma_wait3A] : memref<1x128xi32, #tpu.memory_space<vmem>> -> memref<1x128xi32, #tpu.memory_space<vmem>>
        %dma_wait3A_45 = tpu.memref_squeeze %dma_wait3A_44 : memref<1x128xi32, #tpu.memory_space<vmem>> -> memref<128xi32, #tpu.memory_space<vmem>>
        %dma_wait3A_46 = tpu.memref_slice %arg3[%add3A_33] : memref<50176xi32, #tpu.memory_space<hbm>> -> memref<128xi32, #tpu.memory_space<hbm>>
        %dma_wait3A_47 = arith.constant 0 : i32
        %dma_wait3A_48 = tpu.memref_slice %arg5[%run_scoped3A_34, %dma_wait3A_47] : memref<1x128xi32, #tpu.memory_space<vmem>> -> memref<1x128xi32, #tpu.memory_space<vmem>>
        %dma_wait3A_49 = tpu.memref_squeeze %dma_wait3A_48 : memref<1x128xi32, #tpu.memory_space<vmem>> -> memref<128xi32, #tpu.memory_space<vmem>>
        %dma_wait3A_50 = tpu.memref_slice %arg3[%add3A_33] : memref<50176xi32, #tpu.memory_space<hbm>> -> memref<128xi32, #tpu.memory_space<hbm>>
        tpu.wait_dma2 semaphore(%run_scoped3A_36 : memref<!tpu.dma_semaphore, #tpu.memory_space<semaphore_mem>>) src(%dma_wait3A_50 : memref<128xi32, #tpu.memory_space<hbm>>) dst(%dma_wait3A_49 : memref<128xi32, #tpu.memory_space<vmem>>)
        tpu.yield
      }) : () -> ()
      %run_scoped3A_35 = arith.constant 0 : i32
      "tpu.region"() ({
        %run_scoped3A_36 = tpu.sem_alloc : memref<!tpu.dma_semaphore, #tpu.memory_space<semaphore_mem>>
        %dma_start3A = arith.constant 0 : i32
        %dma_start3A_37 = tpu.memref_slice %arg5[%run_scoped3A_35, %dma_start3A] : memref<1x128xi32, #tpu.memory_space<vmem>> -> memref<1x128xi32, #tpu.memory_space<vmem>>
        %dma_start3A_38 = tpu.memref_squeeze %dma_start3A_37 : memref<1x128xi32, #tpu.memory_space<vmem>> -> memref<128xi32, #tpu.memory_space<vmem>>
        %dma_start3A_39 = arith.constant 0 : i32
        %dma_start3A_40 = arith.constant 0 : i32
        %dma_start3A_41 = tpu.memref_slice %arg8[%dma_start3A_39, %dma_start3A_40] : memref<7168x32xf32, #tpu.memory_space<vmem_shared>> -> memref<7168x32xf32, #tpu.memory_space<vmem_shared>>
        tpu.enqueue_indirect_dma source(%arg7 : memref<128x32xf32, #tpu.memory_space<vmem>>) target(%dma_start3A_41 : memref<7168x32xf32, #tpu.memory_space<vmem_shared>>) offsets(%dma_start3A_38 : memref<128xi32, #tpu.memory_space<vmem>>) semaphore(%run_scoped3A_36 : memref<!tpu.dma_semaphore, #tpu.memory_space<semaphore_mem>>) {add = true}
        %dma_wait3A = arith.constant 0 : i32
        %dma_wait3A_42 = tpu.memref_slice %arg5[%run_scoped3A_35, %dma_wait3A] : memref<1x128xi32, #tpu.memory_space<vmem>> -> memref<1x128xi32, #tpu.memory_space<vmem>>
        %dma_wait3A_43 = tpu.memref_squeeze %dma_wait3A_42 : memref<1x128xi32, #tpu.memory_space<vmem>> -> memref<128xi32, #tpu.memory_space<vmem>>
        %dma_wait3A_44 = arith.constant 0 : i32
        %dma_wait3A_45 = arith.constant 0 : i32
        %dma_wait3A_46 = tpu.memref_slice %arg8[%dma_wait3A_44, %dma_wait3A_45] : memref<7168x32xf32, #tpu.memory_space<vmem_shared>> -> memref<7168x32xf32, #tpu.memory_space<vmem_shared>>
        tpu.wait_indirect_dma semaphore(%run_scoped3A_36 : memref<!tpu.dma_semaphore, #tpu.memory_space<semaphore_mem>>) src(%arg7 : memref<128x32xf32, #tpu.memory_space<vmem>>) dst(%dma_wait3A_46 : memref<7168x32xf32, #tpu.memory_space<vmem_shared>>)
        tpu.yield
      }) : () -> ()
    }
    %scan3A_17 = arith.constant 24 : i32
    %add3A_18 = arith.constant 3072 : i32
    %add3A_19 = arith.addi %mul3A_12, %add3A_18 : i32
    "tpu.region"() ({
      %run_scoped3A_26 = tpu.sem_alloc : memref<!tpu.dma_semaphore, #tpu.memory_space<semaphore_mem>>
      %dma_start3A = arith.constant 0 : i32
      %dma_start3A_27 = arith.constant 0 : i32
      %dma_start3A_28 = tpu.memref_slice %arg7[%dma_start3A, %dma_start3A_27] : memref<128x32xf32, #tpu.memory_space<vmem>> -> memref<64x32xf32, #tpu.memory_space<vmem>>
      %dma_start3A_29 = arith.constant 0 : i32
      %dma_start3A_30 = arith.constant 0 : i32
      %dma_start3A_31 = tpu.memref_slice %arg2[%arg0, %dma_start3A_29, %dma_start3A_30] : memref<2x50176x32xf32, #tpu.memory_space<hbm>> -> memref<1x50176x32xf32, #tpu.memory_space<hbm>>
      %dma_start3A_32 = tpu.memref_squeeze %dma_start3A_31 : memref<1x50176x32xf32, #tpu.memory_space<hbm>> -> memref<50176x32xf32, #tpu.memory_space<hbm>>
      %dma_start3A_33 = arith.constant 0 : i32
      %dma_start3A_34 = tpu.memref_slice %dma_start3A_32[%add3A_19, %dma_start3A_33] : memref<50176x32xf32, #tpu.memory_space<hbm>> -> memref<64x32xf32, #tpu.memory_space<hbm>>
      %dma_start3A_35 = arith.constant 0 : i32
      %dma_start3A_36 = arith.constant 0 : i32
      %dma_start3A_37 = tpu.memref_slice %arg7[%dma_start3A_35, %dma_start3A_36] : memref<128x32xf32, #tpu.memory_space<vmem>> -> memref<64x32xf32, #tpu.memory_space<vmem>>
      %dma_start3A_38 = arith.constant 0 : i32
      %dma_start3A_39 = arith.constant 0 : i32
      %dma_start3A_40 = tpu.memref_slice %arg2[%arg0, %dma_start3A_38, %dma_start3A_39] : memref<2x50176x32xf32, #tpu.memory_space<hbm>> -> memref<1x50176x32xf32, #tpu.memory_space<hbm>>
      %dma_start3A_41 = tpu.memref_squeeze %dma_start3A_40 : memref<1x50176x32xf32, #tpu.memory_space<hbm>> -> memref<50176x32xf32, #tpu.memory_space<hbm>>
      %dma_start3A_42 = arith.constant 0 : i32
      %dma_start3A_43 = tpu.memref_slice %dma_start3A_41[%add3A_19, %dma_start3A_42] : memref<50176x32xf32, #tpu.memory_space<hbm>> -> memref<64x32xf32, #tpu.memory_space<hbm>>
      tpu.enqueue_dma source(%dma_start3A_43 : memref<64x32xf32, #tpu.memory_space<hbm>>) target(%dma_start3A_37 : memref<64x32xf32, #tpu.memory_space<vmem>>) target_semaphore(%run_scoped3A_26 : memref<!tpu.dma_semaphore, #tpu.memory_space<semaphore_mem>>)
      %dma_wait3A = arith.constant 0 : i32
      %dma_wait3A_44 = arith.constant 0 : i32
      %dma_wait3A_45 = tpu.memref_slice %arg7[%dma_wait3A, %dma_wait3A_44] : memref<128x32xf32, #tpu.memory_space<vmem>> -> memref<64x32xf32, #tpu.memory_space<vmem>>
      %dma_wait3A_46 = arith.constant 0 : i32
      %dma_wait3A_47 = arith.constant 0 : i32
      %dma_wait3A_48 = tpu.memref_slice %arg2[%arg0, %dma_wait3A_46, %dma_wait3A_47] : memref<2x50176x32xf32, #tpu.memory_space<hbm>> -> memref<1x50176x32xf32, #tpu.memory_space<hbm>>
      %dma_wait3A_49 = tpu.memref_squeeze %dma_wait3A_48 : memref<1x50176x32xf32, #tpu.memory_space<hbm>> -> memref<50176x32xf32, #tpu.memory_space<hbm>>
      %dma_wait3A_50 = arith.constant 0 : i32
      %dma_wait3A_51 = tpu.memref_slice %dma_wait3A_49[%add3A_19, %dma_wait3A_50] : memref<50176x32xf32, #tpu.memory_space<hbm>> -> memref<64x32xf32, #tpu.memory_space<hbm>>
      %dma_wait3A_52 = arith.constant 0 : i32
      %dma_wait3A_53 = arith.constant 0 : i32
      %dma_wait3A_54 = tpu.memref_slice %arg7[%dma_wait3A_52, %dma_wait3A_53] : memref<128x32xf32, #tpu.memory_space<vmem>> -> memref<64x32xf32, #tpu.memory_space<vmem>>
      %dma_wait3A_55 = arith.constant 0 : i32
      %dma_wait3A_56 = arith.constant 0 : i32
      %dma_wait3A_57 = tpu.memref_slice %arg2[%arg0, %dma_wait3A_55, %dma_wait3A_56] : memref<2x50176x32xf32, #tpu.memory_space<hbm>> -> memref<1x50176x32xf32, #tpu.memory_space<hbm>>
      %dma_wait3A_58 = tpu.memref_squeeze %dma_wait3A_57 : memref<1x50176x32xf32, #tpu.memory_space<hbm>> -> memref<50176x32xf32, #tpu.memory_space<hbm>>
      %dma_wait3A_59 = arith.constant 0 : i32
      %dma_wait3A_60 = tpu.memref_slice %dma_wait3A_58[%add3A_19, %dma_wait3A_59] : memref<50176x32xf32, #tpu.memory_space<hbm>> -> memref<64x32xf32, #tpu.memory_space<hbm>>
      tpu.wait_dma2 semaphore(%run_scoped3A_26 : memref<!tpu.dma_semaphore, #tpu.memory_space<semaphore_mem>>) src(%dma_wait3A_60 : memref<64x32xf32, #tpu.memory_space<hbm>>) dst(%dma_wait3A_54 : memref<64x32xf32, #tpu.memory_space<vmem>>)
      tpu.yield
    }) : () -> ()
    %run_scoped3A = arith.constant 0 : i32
    "tpu.region"() ({
      %run_scoped3A_26 = tpu.sem_alloc : memref<!tpu.dma_semaphore, #tpu.memory_space<semaphore_mem>>
      %dma_start3A = arith.constant 0 : i32
      %dma_start3A_27 = tpu.memref_slice %arg6[%run_scoped3A, %dma_start3A] : memref<1x64xi32, #tpu.memory_space<vmem>> -> memref<1x64xi32, #tpu.memory_space<vmem>>
      %dma_start3A_28 = tpu.memref_squeeze %dma_start3A_27 : memref<1x64xi32, #tpu.memory_space<vmem>> -> memref<64xi32, #tpu.memory_space<vmem>>
      %dma_start3A_29 = tpu.memref_slice %arg3[%add3A_19] : memref<50176xi32, #tpu.memory_space<hbm>> -> memref<64xi32, #tpu.memory_space<hbm>>
      %dma_start3A_30 = arith.constant 0 : i32
      %dma_start3A_31 = tpu.memref_slice %arg6[%run_scoped3A, %dma_start3A_30] : memref<1x64xi32, #tpu.memory_space<vmem>> -> memref<1x64xi32, #tpu.memory_space<vmem>>
      %dma_start3A_32 = tpu.memref_squeeze %dma_start3A_31 : memref<1x64xi32, #tpu.memory_space<vmem>> -> memref<64xi32, #tpu.memory_space<vmem>>
      %dma_start3A_33 = tpu.memref_slice %arg3[%add3A_19] : memref<50176xi32, #tpu.memory_space<hbm>> -> memref<64xi32, #tpu.memory_space<hbm>>
      tpu.enqueue_dma source(%dma_start3A_33 : memref<64xi32, #tpu.memory_space<hbm>>) target(%dma_start3A_32 : memref<64xi32, #tpu.memory_space<vmem>>) target_semaphore(%run_scoped3A_26 : memref<!tpu.dma_semaphore, #tpu.memory_space<semaphore_mem>>)
      %dma_wait3A = arith.constant 0 : i32
      %dma_wait3A_34 = tpu.memref_slice %arg6[%run_scoped3A, %dma_wait3A] : memref<1x64xi32, #tpu.memory_space<vmem>> -> memref<1x64xi32, #tpu.memory_space<vmem>>
      %dma_wait3A_35 = tpu.memref_squeeze %dma_wait3A_34 : memref<1x64xi32, #tpu.memory_space<vmem>> -> memref<64xi32, #tpu.memory_space<vmem>>
      %dma_wait3A_36 = tpu.memref_slice %arg3[%add3A_19] : memref<50176xi32, #tpu.memory_space<hbm>> -> memref<64xi32, #tpu.memory_space<hbm>>
      %dma_wait3A_37 = arith.constant 0 : i32
      %dma_wait3A_38 = tpu.memref_slice %arg6[%run_scoped3A, %dma_wait3A_37] : memref<1x64xi32, #tpu.memory_space<vmem>> -> memref<1x64xi32, #tpu.memory_space<vmem>>
      %dma_wait3A_39 = tpu.memref_squeeze %dma_wait3A_38 : memref<1x64xi32, #tpu.memory_space<vmem>> -> memref<64xi32, #tpu.memory_space<vmem>>
      %dma_wait3A_40 = tpu.memref_slice %arg3[%add3A_19] : memref<50176xi32, #tpu.memory_space<hbm>> -> memref<64xi32, #tpu.memory_space<hbm>>
      tpu.wait_dma2 semaphore(%run_scoped3A_26 : memref<!tpu.dma_semaphore, #tpu.memory_space<semaphore_mem>>) src(%dma_wait3A_40 : memref<64xi32, #tpu.memory_space<hbm>>) dst(%dma_wait3A_39 : memref<64xi32, #tpu.memory_space<vmem>>)
      tpu.yield
    }) : () -> ()
    %run_scoped3A_20 = arith.constant 0 : i32
    "tpu.region"() ({
      %run_scoped3A_26 = tpu.sem_alloc : memref<!tpu.dma_semaphore, #tpu.memory_space<semaphore_mem>>
      %dma_start3A = arith.constant 0 : i32
      %dma_start3A_27 = arith.constant 0 : i32
      %dma_start3A_28 = tpu.memref_slice %arg7[%dma_start3A, %dma_start3A_27] : memref<128x32xf32, #tpu.memory_space<vmem>> -> memref<64x32xf32, #tpu.memory_space<vmem>>
      %dma_start3A_29 = arith.constant 0 : i32
      %dma_start3A_30 = tpu.memref_slice %arg6[%run_scoped3A_20, %dma_start3A_29] : memref<1x64xi32, #tpu.memory_space<vmem>> -> memref<1x64xi32, #tpu.memory_space<vmem>>
      %dma_start3A_31 = tpu.memref_squeeze %dma_start3A_30 : memref<1x64xi32, #tpu.memory_space<vmem>> -> memref<64xi32, #tpu.memory_space<vmem>>
      %dma_start3A_32 = arith.constant 0 : i32
      %dma_start3A_33 = arith.constant 0 : i32
      %dma_start3A_34 = tpu.memref_slice %arg8[%dma_start3A_32, %dma_start3A_33] : memref<7168x32xf32, #tpu.memory_space<vmem_shared>> -> memref<7168x32xf32, #tpu.memory_space<vmem_shared>>
      tpu.enqueue_indirect_dma source(%dma_start3A_28 : memref<64x32xf32, #tpu.memory_space<vmem>>) target(%dma_start3A_34 : memref<7168x32xf32, #tpu.memory_space<vmem_shared>>) offsets(%dma_start3A_31 : memref<64xi32, #tpu.memory_space<vmem>>) semaphore(%run_scoped3A_26 : memref<!tpu.dma_semaphore, #tpu.memory_space<semaphore_mem>>) {add = true}
      %dma_wait3A = arith.constant 0 : i32
      %dma_wait3A_35 = arith.constant 0 : i32
      %dma_wait3A_36 = tpu.memref_slice %arg7[%dma_wait3A, %dma_wait3A_35] : memref<128x32xf32, #tpu.memory_space<vmem>> -> memref<64x32xf32, #tpu.memory_space<vmem>>
      %dma_wait3A_37 = arith.constant 0 : i32
      %dma_wait3A_38 = tpu.memref_slice %arg6[%run_scoped3A_20, %dma_wait3A_37] : memref<1x64xi32, #tpu.memory_space<vmem>> -> memref<1x64xi32, #tpu.memory_space<vmem>>
      %dma_wait3A_39 = tpu.memref_squeeze %dma_wait3A_38 : memref<1x64xi32, #tpu.memory_space<vmem>> -> memref<64xi32, #tpu.memory_space<vmem>>
      %dma_wait3A_40 = arith.constant 0 : i32
      %dma_wait3A_41 = arith.constant 0 : i32
      %dma_wait3A_42 = tpu.memref_slice %arg8[%dma_wait3A_40, %dma_wait3A_41] : memref<7168x32xf32, #tpu.memory_space<vmem_shared>> -> memref<7168x32xf32, #tpu.memory_space<vmem_shared>>
      tpu.wait_indirect_dma semaphore(%run_scoped3A_26 : memref<!tpu.dma_semaphore, #tpu.memory_space<semaphore_mem>>) src(%dma_wait3A_36 : memref<64x32xf32, #tpu.memory_space<vmem>>) dst(%dma_wait3A_42 : memref<7168x32xf32, #tpu.memory_space<vmem_shared>>)
      tpu.yield
    }) : () -> ()
    %barrier3A_21 = arith.constant 0 : index
    tpu.barrier barrier_id(%barrier3A_21)
    %mul3A_22 = arith.constant 448 : i32
    %mul3A_23 = arith.muli %arg1, %mul3A_22 : i32
    %mul3A_24 = arith.constant 448 : i32
    %mul3A_25 = arith.muli %arg1, %mul3A_24 : i32
    "tpu.region"() ({
      %run_scoped3A_26 = tpu.sem_alloc : memref<!tpu.dma_semaphore, #tpu.memory_space<semaphore_mem>>
      %dma_start3A = arith.constant 0 : i32
      %dma_start3A_27 = tpu.memref_slice %arg4[%arg0, %mul3A_25, %dma_start3A] : memref<2x7168x32xf32, #tpu.memory_space<hbm>> -> memref<1x448x32xf32, #tpu.memory_space<hbm>>
      %dma_start3A_28 = tpu.memref_squeeze %dma_start3A_27 : memref<1x448x32xf32, #tpu.memory_space<hbm>> -> memref<448x32xf32, #tpu.memory_space<hbm>>
      %dma_start3A_29 = arith.constant 0 : i32
      %dma_start3A_30 = tpu.memref_slice %arg8[%mul3A_23, %dma_start3A_29] : memref<7168x32xf32, #tpu.memory_space<vmem_shared>> -> memref<448x32xf32, #tpu.memory_space<vmem_shared>>
      tpu.enqueue_dma source(%dma_start3A_30 : memref<448x32xf32, #tpu.memory_space<vmem_shared>>) target(%dma_start3A_28 : memref<448x32xf32, #tpu.memory_space<hbm>>) target_semaphore(%run_scoped3A_26 : memref<!tpu.dma_semaphore, #tpu.memory_space<semaphore_mem>>)
      %dma_wait3A = arith.constant 0 : i32
      %dma_wait3A_31 = tpu.memref_slice %arg4[%arg0, %mul3A_25, %dma_wait3A] : memref<2x7168x32xf32, #tpu.memory_space<hbm>> -> memref<1x448x32xf32, #tpu.memory_space<hbm>>
      %dma_wait3A_32 = tpu.memref_squeeze %dma_wait3A_31 : memref<1x448x32xf32, #tpu.memory_space<hbm>> -> memref<448x32xf32, #tpu.memory_space<hbm>>
      %dma_wait3A_33 = arith.constant 0 : i32
      %dma_wait3A_34 = tpu.memref_slice %arg8[%mul3A_23, %dma_wait3A_33] : memref<7168x32xf32, #tpu.memory_space<vmem_shared>> -> memref<448x32xf32, #tpu.memory_space<vmem_shared>>
      tpu.wait_dma2 semaphore(%run_scoped3A_26 : memref<!tpu.dma_semaphore, #tpu.memory_space<semaphore_mem>>) src(%dma_wait3A_34 : memref<448x32xf32, #tpu.memory_space<vmem_shared>>) dst(%dma_wait3A_32 : memref<448x32xf32, #tpu.memory_space<hbm>>)
      tpu.yield
    }) : () -> ()
    return
  }
}

#map = affine_map<(d0, d1) -> (0, 0)>
#map1 = affine_map<(d0, d1) -> (0)>
module attributes {stable_mosaic.version = 14 : i64} {
  func.func @_sc_hist_gather(%arg0: i32, %arg1: i32, %arg2: memref<6272x128xi32, #tpu.memory_space<hbm>>, %arg3: memref<50176xi32, #tpu.memory_space<hbm>>, %arg4: memref<50176xi32, #tpu.memory_space<hbm>>, %arg5: memref<10000x64xf32, #tpu.memory_space<hbm>>, %arg6: memref<100352xf32, #tpu.memory_space<hbm>>, %arg7: memref<14336xf32, #tpu.memory_space<hbm>>, %arg8: memref<50176x64xf32, #tpu.memory_space<hbm>>, %arg9: memref<128xf32, #tpu.memory_space<vmem>>, %arg10: memref<1x128xi32, #tpu.memory_space<vmem>>, %arg11: memref<1x32xi32, #tpu.memory_space<vmem>>, %arg12: memref<128xi32, #tpu.memory_space<vmem>>, %arg13: memref<32xi32, #tpu.memory_space<vmem>>, %arg14: memref<128x64xf32, #tpu.memory_space<vmem>>, %arg15: memref<3136xf32, #tpu.memory_space<vmem>>, %arg16: memref<50176xf32, #tpu.memory_space<vmem_shared>>, %arg17: memref<7168xf32, #tpu.memory_space<vmem_shared>>) attributes {dimension_semantics = [#tpu.dimension_semantics<core_parallel>, #tpu.dimension_semantics<subcore_parallel>], iteration_bounds = array<i64: 2, 16>, scalar_prefetch = 0 : i64, scratch_operands = 9 : i64, tpu.core_type = #tpu.core_type<sc_vector_subcore>, window_params = [{transform_indices = #map}, {transform_indices = #map1}, {transform_indices = #map1}, {transform_indices = #map}, {transform_indices = #map1}, {transform_indices = #map1}, {transform_indices = #map}]} {
    %mul3A = arith.constant 16 : i32
    %mul3A_0 = arith.muli %arg0, %mul3A : i32
    %add3A = arith.addi %mul3A_0, %arg1 : i32
    %scan3A = arith.constant 0 : i32
    %scan3A_1 = arith.constant 8 : i32
    %scan3A_2 = arith.addi %scan3A, %scan3A_1 : i32
    %scan3A_3 = arith.constant 1 : i32
    scf.for %scan3A_59 = %scan3A to %scan3A_2 step %scan3A_3  : i32 {
      %mul3A_60 = arith.constant 16 : i32
      %mul3A_61 = arith.muli %scan3A_59, %mul3A_60 : i32
      %add3A_62 = arith.constant 0 : i32
      %add3A_63 = arith.addi %add3A_62, %mul3A_61 : i32
      %broadcast_in_dim3A = arith.constant 1.000000e+00 : f32
      %broadcast_in_dim3A_64 = vector.broadcast %broadcast_in_dim3A : f32 to vector<16xf32>
      %swap3A = arith.index_cast %add3A_63 : i32 to index
      %swap3A_65 = tpu.vector_load %arg9[%swap3A] {strides = array<i32>} : memref<128xf32, #tpu.memory_space<vmem>>, vector<16xf32>,
      %swap3A_66 = vector.shape_cast %swap3A_65 : vector<16xf32> to vector<16xf32>
      %swap3A_67 = vector.shape_cast %broadcast_in_dim3A_64 : vector<16xf32> to vector<16xf32>
      tpu.vector_store %arg9[%swap3A], %swap3A_67 {strides = array<i32>} : memref<128xf32, #tpu.memory_space<vmem>>, vector<16xf32>,
    }
    %scan3A_4 = arith.constant 8 : i32
    %scan3A_5 = arith.constant 0 : i32
    %scan3A_6 = arith.constant 196 : i32
    %scan3A_7 = arith.addi %scan3A_5, %scan3A_6 : i32
    %scan3A_8 = arith.constant 1 : i32
    scf.for %scan3A_59 = %scan3A_5 to %scan3A_7 step %scan3A_8  : i32 {
      %mul3A_60 = arith.constant 16 : i32
      %mul3A_61 = arith.muli %scan3A_59, %mul3A_60 : i32
      %add3A_62 = arith.constant 0 : i32
      %add3A_63 = arith.addi %add3A_62, %mul3A_61 : i32
      %broadcast_in_dim3A = arith.constant 0.000000e+00 : f32
      %broadcast_in_dim3A_64 = vector.broadcast %broadcast_in_dim3A : f32 to vector<16xf32>
      %swap3A = arith.index_cast %add3A_63 : i32 to index
      %swap3A_65 = tpu.vector_load %arg15[%swap3A] {strides = array<i32>} : memref<3136xf32, #tpu.memory_space<vmem>>, vector<16xf32>,
      %swap3A_66 = vector.shape_cast %swap3A_65 : vector<16xf32> to vector<16xf32>
      %swap3A_67 = vector.shape_cast %broadcast_in_dim3A_64 : vector<16xf32> to vector<16xf32>
      tpu.vector_store %arg15[%swap3A], %swap3A_67 {strides = array<i32>} : memref<3136xf32, #tpu.memory_space<vmem>>, vector<16xf32>,
    }
    %scan3A_9 = arith.constant 196 : i32
    %mul3A_10 = arith.constant 3136 : i32
    %mul3A_11 = arith.muli %arg1, %mul3A_10 : i32
    "tpu.region"() ({
      %run_scoped3A_59 = tpu.sem_alloc : memref<!tpu.dma_semaphore, #tpu.memory_space<semaphore_mem>>
      %dma_start3A = tpu.memref_slice %arg16[%mul3A_11] : memref<50176xf32, #tpu.memory_space<vmem_shared>> -> memref<3136xf32, #tpu.memory_space<vmem_shared>>
      %dma_start3A_60 = tpu.memref_slice %arg16[%mul3A_11] : memref<50176xf32, #tpu.memory_space<vmem_shared>> -> memref<3136xf32, #tpu.memory_space<vmem_shared>>
      tpu.enqueue_dma source(%arg15 : memref<3136xf32, #tpu.memory_space<vmem>>) target(%dma_start3A_60 : memref<3136xf32, #tpu.memory_space<vmem_shared>>) target_semaphore(%run_scoped3A_59 : memref<!tpu.dma_semaphore, #tpu.memory_space<semaphore_mem>>)
      %dma_wait3A = tpu.memref_slice %arg16[%mul3A_11] : memref<50176xf32, #tpu.memory_space<vmem_shared>> -> memref<3136xf32, #tpu.memory_space<vmem_shared>>
      %dma_wait3A_61 = tpu.memref_slice %arg16[%mul3A_11] : memref<50176xf32, #tpu.memory_space<vmem_shared>> -> memref<3136xf32, #tpu.memory_space<vmem_shared>>
      tpu.wait_dma2 semaphore(%run_scoped3A_59 : memref<!tpu.dma_semaphore, #tpu.memory_space<semaphore_mem>>) src(%arg15 : memref<3136xf32, #tpu.memory_space<vmem>>) dst(%dma_wait3A_61 : memref<3136xf32, #tpu.memory_space<vmem_shared>>)
      tpu.yield
    }) : () -> ()
    %mul3A_12 = arith.constant 448 : i32
    %mul3A_13 = arith.muli %arg1, %mul3A_12 : i32
    "tpu.region"() ({
      %run_scoped3A_59 = tpu.sem_alloc : memref<!tpu.dma_semaphore, #tpu.memory_space<semaphore_mem>>
      %dma_start3A = arith.constant 0 : i32
      %dma_start3A_60 = tpu.memref_slice %arg15[%dma_start3A] : memref<3136xf32, #tpu.memory_space<vmem>> -> memref<448xf32, #tpu.memory_space<vmem>>
      %dma_start3A_61 = tpu.memref_slice %arg17[%mul3A_13] : memref<7168xf32, #tpu.memory_space<vmem_shared>> -> memref<448xf32, #tpu.memory_space<vmem_shared>>
      %dma_start3A_62 = tpu.memref_slice %arg17[%mul3A_13] : memref<7168xf32, #tpu.memory_space<vmem_shared>> -> memref<448xf32, #tpu.memory_space<vmem_shared>>
      %dma_start3A_63 = arith.constant 0 : i32
      %dma_start3A_64 = tpu.memref_slice %arg15[%dma_start3A_63] : memref<3136xf32, #tpu.memory_space<vmem>> -> memref<448xf32, #tpu.memory_space<vmem>>
      tpu.enqueue_dma source(%dma_start3A_64 : memref<448xf32, #tpu.memory_space<vmem>>) target(%dma_start3A_62 : memref<448xf32, #tpu.memory_space<vmem_shared>>) target_semaphore(%run_scoped3A_59 : memref<!tpu.dma_semaphore, #tpu.memory_space<semaphore_mem>>)
      %dma_wait3A = arith.constant 0 : i32
      %dma_wait3A_65 = tpu.memref_slice %arg15[%dma_wait3A] : memref<3136xf32, #tpu.memory_space<vmem>> -> memref<448xf32, #tpu.memory_space<vmem>>
      %dma_wait3A_66 = tpu.memref_slice %arg17[%mul3A_13] : memref<7168xf32, #tpu.memory_space<vmem_shared>> -> memref<448xf32, #tpu.memory_space<vmem_shared>>
      %dma_wait3A_67 = tpu.memref_slice %arg17[%mul3A_13] : memref<7168xf32, #tpu.memory_space<vmem_shared>> -> memref<448xf32, #tpu.memory_space<vmem_shared>>
      %dma_wait3A_68 = arith.constant 0 : i32
      %dma_wait3A_69 = tpu.memref_slice %arg15[%dma_wait3A_68] : memref<3136xf32, #tpu.memory_space<vmem>> -> memref<448xf32, #tpu.memory_space<vmem>>
      tpu.wait_dma2 semaphore(%run_scoped3A_59 : memref<!tpu.dma_semaphore, #tpu.memory_space<semaphore_mem>>) src(%dma_wait3A_69 : memref<448xf32, #tpu.memory_space<vmem>>) dst(%dma_wait3A_67 : memref<448xf32, #tpu.memory_space<vmem_shared>>)
      tpu.yield
    }) : () -> ()
    %barrier3A = arith.constant 0 : index
    tpu.barrier barrier_id(%barrier3A)
    %scan3A_14 = arith.constant 0 : i32
    %scan3A_15 = arith.constant 196 : i32
    %scan3A_16 = arith.addi %scan3A_14, %scan3A_15 : i32
    %scan3A_17 = arith.constant 1 : i32
    scf.for %scan3A_59 = %scan3A_14 to %scan3A_16 step %scan3A_17  : i32 {
      %mul3A_60 = arith.constant 1 : i32
      %mul3A_61 = arith.muli %scan3A_59, %mul3A_60 : i32
      %add3A_62 = arith.constant 0 : i32
      %add3A_63 = arith.addi %add3A_62, %mul3A_61 : i32
      %mul3A_64 = arith.constant 196 : i32
      %mul3A_65 = arith.muli %add3A, %mul3A_64 : i32
      %add3A_66 = arith.addi %mul3A_65, %add3A_63 : i32
      %run_scoped3A_67 = arith.constant 0 : i32
      "tpu.region"() ({
        %run_scoped3A_69 = tpu.sem_alloc : memref<!tpu.dma_semaphore, #tpu.memory_space<semaphore_mem>>
        %dma_start3A = arith.constant 0 : i32
        %dma_start3A_70 = tpu.memref_slice %arg10[%run_scoped3A_67, %dma_start3A] : memref<1x128xi32, #tpu.memory_space<vmem>> -> memref<1x128xi32, #tpu.memory_space<vmem>>
        %dma_start3A_71 = tpu.memref_squeeze %dma_start3A_70 : memref<1x128xi32, #tpu.memory_space<vmem>> -> memref<128xi32, #tpu.memory_space<vmem>>
        %dma_start3A_72 = arith.constant 0 : i32
        %dma_start3A_73 = tpu.memref_slice %arg2[%add3A_66, %dma_start3A_72] : memref<6272x128xi32, #tpu.memory_space<hbm>> -> memref<1x128xi32, #tpu.memory_space<hbm>>
        %dma_start3A_74 = tpu.memref_squeeze %dma_start3A_73 : memref<1x128xi32, #tpu.memory_space<hbm>> -> memref<128xi32, #tpu.memory_space<hbm>>
        %dma_start3A_75 = arith.constant 0 : i32
        %dma_start3A_76 = tpu.memref_slice %arg10[%run_scoped3A_67, %dma_start3A_75] : memref<1x128xi32, #tpu.memory_space<vmem>> -> memref<1x128xi32, #tpu.memory_space<vmem>>
        %dma_start3A_77 = tpu.memref_squeeze %dma_start3A_76 : memref<1x128xi32, #tpu.memory_space<vmem>> -> memref<128xi32, #tpu.memory_space<vmem>>
        %dma_start3A_78 = arith.constant 0 : i32
        %dma_start3A_79 = tpu.memref_slice %arg2[%add3A_66, %dma_start3A_78] : memref<6272x128xi32, #tpu.memory_space<hbm>> -> memref<1x128xi32, #tpu.memory_space<hbm>>
        %dma_start3A_80 = tpu.memref_squeeze %dma_start3A_79 : memref<1x128xi32, #tpu.memory_space<hbm>> -> memref<128xi32, #tpu.memory_space<hbm>>
        tpu.enqueue_dma source(%dma_start3A_80 : memref<128xi32, #tpu.memory_space<hbm>>) target(%dma_start3A_77 : memref<128xi32, #tpu.memory_space<vmem>>) target_semaphore(%run_scoped3A_69 : memref<!tpu.dma_semaphore, #tpu.memory_space<semaphore_mem>>)
        %dma_wait3A = arith.constant 0 : i32
        %dma_wait3A_81 = tpu.memref_slice %arg10[%run_scoped3A_67, %dma_wait3A] : memref<1x128xi32, #tpu.memory_space<vmem>> -> memref<1x128xi32, #tpu.memory_space<vmem>>
        %dma_wait3A_82 = tpu.memref_squeeze %dma_wait3A_81 : memref<1x128xi32, #tpu.memory_space<vmem>> -> memref<128xi32, #tpu.memory_space<vmem>>
        %dma_wait3A_83 = arith.constant 0 : i32
        %dma_wait3A_84 = tpu.memref_slice %arg2[%add3A_66, %dma_wait3A_83] : memref<6272x128xi32, #tpu.memory_space<hbm>> -> memref<1x128xi32, #tpu.memory_space<hbm>>
        %dma_wait3A_85 = tpu.memref_squeeze %dma_wait3A_84 : memref<1x128xi32, #tpu.memory_space<hbm>> -> memref<128xi32, #tpu.memory_space<hbm>>
        %dma_wait3A_86 = arith.constant 0 : i32
        %dma_wait3A_87 = tpu.memref_slice %arg10[%run_scoped3A_67, %dma_wait3A_86] : memref<1x128xi32, #tpu.memory_space<vmem>> -> memref<1x128xi32, #tpu.memory_space<vmem>>
        %dma_wait3A_88 = tpu.memref_squeeze %dma_wait3A_87 : memref<1x128xi32, #tpu.memory_space<vmem>> -> memref<128xi32, #tpu.memory_space<vmem>>
        %dma_wait3A_89 = arith.constant 0 : i32
        %dma_wait3A_90 = tpu.memref_slice %arg2[%add3A_66, %dma_wait3A_89] : memref<6272x128xi32, #tpu.memory_space<hbm>> -> memref<1x128xi32, #tpu.memory_space<hbm>>
        %dma_wait3A_91 = tpu.memref_squeeze %dma_wait3A_90 : memref<1x128xi32, #tpu.memory_space<hbm>> -> memref<128xi32, #tpu.memory_space<hbm>>
        tpu.wait_dma2 semaphore(%run_scoped3A_69 : memref<!tpu.dma_semaphore, #tpu.memory_space<semaphore_mem>>) src(%dma_wait3A_91 : memref<128xi32, #tpu.memory_space<hbm>>) dst(%dma_wait3A_88 : memref<128xi32, #tpu.memory_space<vmem>>)
        tpu.yield
      }) : () -> ()
      %run_scoped3A_68 = arith.constant 0 : i32
      "tpu.region"() ({
        %run_scoped3A_69 = tpu.sem_alloc : memref<!tpu.dma_semaphore, #tpu.memory_space<semaphore_mem>>
        %dma_start3A = arith.constant 0 : i32
        %dma_start3A_70 = tpu.memref_slice %arg10[%run_scoped3A_68, %dma_start3A] : memref<1x128xi32, #tpu.memory_space<vmem>> -> memref<1x128xi32, #tpu.memory_space<vmem>>
        %dma_start3A_71 = tpu.memref_squeeze %dma_start3A_70 : memref<1x128xi32, #tpu.memory_space<vmem>> -> memref<128xi32, #tpu.memory_space<vmem>>
        %dma_start3A_72 = arith.constant 0 : i32
        %dma_start3A_73 = tpu.memref_slice %arg16[%dma_start3A_72] : memref<50176xf32, #tpu.memory_space<vmem_shared>> -> memref<50176xf32, #tpu.memory_space<vmem_shared>>
        tpu.enqueue_indirect_dma source(%arg9 : memref<128xf32, #tpu.memory_space<vmem>>) target(%dma_start3A_73 : memref<50176xf32, #tpu.memory_space<vmem_shared>>) offsets(%dma_start3A_71 : memref<128xi32, #tpu.memory_space<vmem>>) semaphore(%run_scoped3A_69 : memref<!tpu.dma_semaphore, #tpu.memory_space<semaphore_mem>>) {add = true}
        %dma_wait3A = arith.constant 0 : i32
        %dma_wait3A_74 = tpu.memref_slice %arg10[%run_scoped3A_68, %dma_wait3A] : memref<1x128xi32, #tpu.memory_space<vmem>> -> memref<1x128xi32, #tpu.memory_space<vmem>>
        %dma_wait3A_75 = tpu.memref_squeeze %dma_wait3A_74 : memref<1x128xi32, #tpu.memory_space<vmem>> -> memref<128xi32, #tpu.memory_space<vmem>>
        %dma_wait3A_76 = arith.constant 0 : i32
        %dma_wait3A_77 = tpu.memref_slice %arg16[%dma_wait3A_76] : memref<50176xf32, #tpu.memory_space<vmem_shared>> -> memref<50176xf32, #tpu.memory_space<vmem_shared>>
        tpu.wait_indirect_dma semaphore(%run_scoped3A_69 : memref<!tpu.dma_semaphore, #tpu.memory_space<semaphore_mem>>) src(%arg9 : memref<128xf32, #tpu.memory_space<vmem>>) dst(%dma_wait3A_77 : memref<50176xf32, #tpu.memory_space<vmem_shared>>)
        tpu.yield
      }) : () -> ()
    }
    %scan3A_18 = arith.constant 196 : i32
    %mul3A_19 = arith.constant 25088 : i32
    %mul3A_20 = arith.muli %arg0, %mul3A_19 : i32
    %mul3A_21 = arith.constant 1568 : i32
    %mul3A_22 = arith.muli %arg1, %mul3A_21 : i32
    %add3A_23 = arith.addi %mul3A_20, %mul3A_22 : i32
    %scan3A_24 = arith.constant 0 : i32
    %scan3A_25 = arith.constant 12 : i32
    %scan3A_26 = arith.addi %scan3A_24, %scan3A_25 : i32
    %scan3A_27 = arith.constant 1 : i32
    scf.for %scan3A_59 = %scan3A_24 to %scan3A_26 step %scan3A_27  : i32 {
      %mul3A_60 = arith.constant 1 : i32
      %mul3A_61 = arith.muli %scan3A_59, %mul3A_60 : i32
      %add3A_62 = arith.constant 0 : i32
      %add3A_63 = arith.addi %add3A_62, %mul3A_61 : i32
      %mul3A_64 = arith.constant 128 : i32
      %mul3A_65 = arith.muli %add3A_63, %mul3A_64 : i32
      %add3A_66 = arith.addi %add3A_23, %mul3A_65 : i32
      %run_scoped3A_67 = arith.constant 0 : i32
      "tpu.region"() ({
        %run_scoped3A_69 = tpu.sem_alloc : memref<!tpu.dma_semaphore, #tpu.memory_space<semaphore_mem>>
        %dma_start3A = arith.constant 0 : i32
        %dma_start3A_70 = tpu.memref_slice %arg10[%run_scoped3A_67, %dma_start3A] : memref<1x128xi32, #tpu.memory_space<vmem>> -> memref<1x128xi32, #tpu.memory_space<vmem>>
        %dma_start3A_71 = tpu.memref_squeeze %dma_start3A_70 : memref<1x128xi32, #tpu.memory_space<vmem>> -> memref<128xi32, #tpu.memory_space<vmem>>
        %dma_start3A_72 = tpu.memref_slice %arg3[%add3A_66] : memref<50176xi32, #tpu.memory_space<hbm>> -> memref<128xi32, #tpu.memory_space<hbm>>
        %dma_start3A_73 = arith.constant 0 : i32
        %dma_start3A_74 = tpu.memref_slice %arg10[%run_scoped3A_67, %dma_start3A_73] : memref<1x128xi32, #tpu.memory_space<vmem>> -> memref<1x128xi32, #tpu.memory_space<vmem>>
        %dma_start3A_75 = tpu.memref_squeeze %dma_start3A_74 : memref<1x128xi32, #tpu.memory_space<vmem>> -> memref<128xi32, #tpu.memory_space<vmem>>
        %dma_start3A_76 = tpu.memref_slice %arg3[%add3A_66] : memref<50176xi32, #tpu.memory_space<hbm>> -> memref<128xi32, #tpu.memory_space<hbm>>
        tpu.enqueue_dma source(%dma_start3A_76 : memref<128xi32, #tpu.memory_space<hbm>>) target(%dma_start3A_75 : memref<128xi32, #tpu.memory_space<vmem>>) target_semaphore(%run_scoped3A_69 : memref<!tpu.dma_semaphore, #tpu.memory_space<semaphore_mem>>)
        %dma_wait3A = arith.constant 0 : i32
        %dma_wait3A_77 = tpu.memref_slice %arg10[%run_scoped3A_67, %dma_wait3A] : memref<1x128xi32, #tpu.memory_space<vmem>> -> memref<1x128xi32, #tpu.memory_space<vmem>>
        %dma_wait3A_78 = tpu.memref_squeeze %dma_wait3A_77 : memref<1x128xi32, #tpu.memory_space<vmem>> -> memref<128xi32, #tpu.memory_space<vmem>>
        %dma_wait3A_79 = tpu.memref_slice %arg3[%add3A_66] : memref<50176xi32, #tpu.memory_space<hbm>> -> memref<128xi32, #tpu.memory_space<hbm>>
        %dma_wait3A_80 = arith.constant 0 : i32
        %dma_wait3A_81 = tpu.memref_slice %arg10[%run_scoped3A_67, %dma_wait3A_80] : memref<1x128xi32, #tpu.memory_space<vmem>> -> memref<1x128xi32, #tpu.memory_space<vmem>>
        %dma_wait3A_82 = tpu.memref_squeeze %dma_wait3A_81 : memref<1x128xi32, #tpu.memory_space<vmem>> -> memref<128xi32, #tpu.memory_space<vmem>>
        %dma_wait3A_83 = tpu.memref_slice %arg3[%add3A_66] : memref<50176xi32, #tpu.memory_space<hbm>> -> memref<128xi32, #tpu.memory_space<hbm>>
        tpu.wait_dma2 semaphore(%run_scoped3A_69 : memref<!tpu.dma_semaphore, #tpu.memory_space<semaphore_mem>>) src(%dma_wait3A_83 : memref<128xi32, #tpu.memory_space<hbm>>) dst(%dma_wait3A_82 : memref<128xi32, #tpu.memory_space<vmem>>)
        tpu.yield
      }) : () -> ()
      %run_scoped3A_68 = arith.constant 0 : i32
      "tpu.region"() ({
        %run_scoped3A_69 = tpu.sem_alloc : memref<!tpu.dma_semaphore, #tpu.memory_space<semaphore_mem>>
        %dma_start3A = arith.constant 0 : i32
        %dma_start3A_70 = tpu.memref_slice %arg10[%run_scoped3A_68, %dma_start3A] : memref<1x128xi32, #tpu.memory_space<vmem>> -> memref<1x128xi32, #tpu.memory_space<vmem>>
        %dma_start3A_71 = tpu.memref_squeeze %dma_start3A_70 : memref<1x128xi32, #tpu.memory_space<vmem>> -> memref<128xi32, #tpu.memory_space<vmem>>
        %dma_start3A_72 = arith.constant 0 : i32
        %dma_start3A_73 = tpu.memref_slice %arg17[%dma_start3A_72] : memref<7168xf32, #tpu.memory_space<vmem_shared>> -> memref<7168xf32, #tpu.memory_space<vmem_shared>>
        tpu.enqueue_indirect_dma source(%arg9 : memref<128xf32, #tpu.memory_space<vmem>>) target(%dma_start3A_73 : memref<7168xf32, #tpu.memory_space<vmem_shared>>) offsets(%dma_start3A_71 : memref<128xi32, #tpu.memory_space<vmem>>) semaphore(%run_scoped3A_69 : memref<!tpu.dma_semaphore, #tpu.memory_space<semaphore_mem>>) {add = true}
        %dma_wait3A = arith.constant 0 : i32
        %dma_wait3A_74 = tpu.memref_slice %arg10[%run_scoped3A_68, %dma_wait3A] : memref<1x128xi32, #tpu.memory_space<vmem>> -> memref<1x128xi32, #tpu.memory_space<vmem>>
        %dma_wait3A_75 = tpu.memref_squeeze %dma_wait3A_74 : memref<1x128xi32, #tpu.memory_space<vmem>> -> memref<128xi32, #tpu.memory_space<vmem>>
        %dma_wait3A_76 = arith.constant 0 : i32
        %dma_wait3A_77 = tpu.memref_slice %arg17[%dma_wait3A_76] : memref<7168xf32, #tpu.memory_space<vmem_shared>> -> memref<7168xf32, #tpu.memory_space<vmem_shared>>
        tpu.wait_indirect_dma semaphore(%run_scoped3A_69 : memref<!tpu.dma_semaphore, #tpu.memory_space<semaphore_mem>>) src(%arg9 : memref<128xf32, #tpu.memory_space<vmem>>) dst(%dma_wait3A_77 : memref<7168xf32, #tpu.memory_space<vmem_shared>>)
        tpu.yield
      }) : () -> ()
    }
    %scan3A_28 = arith.constant 12 : i32
    %add3A_29 = arith.constant 1536 : i32
    %add3A_30 = arith.addi %add3A_23, %add3A_29 : i32
    %run_scoped3A = arith.constant 0 : i32
    "tpu.region"() ({
      %run_scoped3A_59 = tpu.sem_alloc : memref<!tpu.dma_semaphore, #tpu.memory_space<semaphore_mem>>
      %dma_start3A = arith.constant 0 : i32
      %dma_start3A_60 = tpu.memref_slice %arg11[%run_scoped3A, %dma_start3A] : memref<1x32xi32, #tpu.memory_space<vmem>> -> memref<1x32xi32, #tpu.memory_space<vmem>>
      %dma_start3A_61 = tpu.memref_squeeze %dma_start3A_60 : memref<1x32xi32, #tpu.memory_space<vmem>> -> memref<32xi32, #tpu.memory_space<vmem>>
      %dma_start3A_62 = tpu.memref_slice %arg3[%add3A_30] : memref<50176xi32, #tpu.memory_space<hbm>> -> memref<32xi32, #tpu.memory_space<hbm>>
      %dma_start3A_63 = arith.constant 0 : i32
      %dma_start3A_64 = tpu.memref_slice %arg11[%run_scoped3A, %dma_start3A_63] : memref<1x32xi32, #tpu.memory_space<vmem>> -> memref<1x32xi32, #tpu.memory_space<vmem>>
      %dma_start3A_65 = tpu.memref_squeeze %dma_start3A_64 : memref<1x32xi32, #tpu.memory_space<vmem>> -> memref<32xi32, #tpu.memory_space<vmem>>
      %dma_start3A_66 = tpu.memref_slice %arg3[%add3A_30] : memref<50176xi32, #tpu.memory_space<hbm>> -> memref<32xi32, #tpu.memory_space<hbm>>
      tpu.enqueue_dma source(%dma_start3A_66 : memref<32xi32, #tpu.memory_space<hbm>>) target(%dma_start3A_65 : memref<32xi32, #tpu.memory_space<vmem>>) target_semaphore(%run_scoped3A_59 : memref<!tpu.dma_semaphore, #tpu.memory_space<semaphore_mem>>)
      %dma_wait3A = arith.constant 0 : i32
      %dma_wait3A_67 = tpu.memref_slice %arg11[%run_scoped3A, %dma_wait3A] : memref<1x32xi32, #tpu.memory_space<vmem>> -> memref<1x32xi32, #tpu.memory_space<vmem>>
      %dma_wait3A_68 = tpu.memref_squeeze %dma_wait3A_67 : memref<1x32xi32, #tpu.memory_space<vmem>> -> memref<32xi32, #tpu.memory_space<vmem>>
      %dma_wait3A_69 = tpu.memref_slice %arg3[%add3A_30] : memref<50176xi32, #tpu.memory_space<hbm>> -> memref<32xi32, #tpu.memory_space<hbm>>
      %dma_wait3A_70 = arith.constant 0 : i32
      %dma_wait3A_71 = tpu.memref_slice %arg11[%run_scoped3A, %dma_wait3A_70] : memref<1x32xi32, #tpu.memory_space<vmem>> -> memref<1x32xi32, #tpu.memory_space<vmem>>
      %dma_wait3A_72 = tpu.memref_squeeze %dma_wait3A_71 : memref<1x32xi32, #tpu.memory_space<vmem>> -> memref<32xi32, #tpu.memory_space<vmem>>
      %dma_wait3A_73 = tpu.memref_slice %arg3[%add3A_30] : memref<50176xi32, #tpu.memory_space<hbm>> -> memref<32xi32, #tpu.memory_space<hbm>>
      tpu.wait_dma2 semaphore(%run_scoped3A_59 : memref<!tpu.dma_semaphore, #tpu.memory_space<semaphore_mem>>) src(%dma_wait3A_73 : memref<32xi32, #tpu.memory_space<hbm>>) dst(%dma_wait3A_72 : memref<32xi32, #tpu.memory_space<vmem>>)
      tpu.yield
    }) : () -> ()
    %run_scoped3A_31 = arith.constant 0 : i32
    "tpu.region"() ({
      %run_scoped3A_59 = tpu.sem_alloc : memref<!tpu.dma_semaphore, #tpu.memory_space<semaphore_mem>>
      %dma_start3A = arith.constant 0 : i32
      %dma_start3A_60 = tpu.memref_slice %arg9[%dma_start3A] : memref<128xf32, #tpu.memory_space<vmem>> -> memref<32xf32, #tpu.memory_space<vmem>>
      %dma_start3A_61 = arith.constant 0 : i32
      %dma_start3A_62 = tpu.memref_slice %arg11[%run_scoped3A_31, %dma_start3A_61] : memref<1x32xi32, #tpu.memory_space<vmem>> -> memref<1x32xi32, #tpu.memory_space<vmem>>
      %dma_start3A_63 = tpu.memref_squeeze %dma_start3A_62 : memref<1x32xi32, #tpu.memory_space<vmem>> -> memref<32xi32, #tpu.memory_space<vmem>>
      %dma_start3A_64 = arith.constant 0 : i32
      %dma_start3A_65 = tpu.memref_slice %arg17[%dma_start3A_64] : memref<7168xf32, #tpu.memory_space<vmem_shared>> -> memref<7168xf32, #tpu.memory_space<vmem_shared>>
      tpu.enqueue_indirect_dma source(%dma_start3A_60 : memref<32xf32, #tpu.memory_space<vmem>>) target(%dma_start3A_65 : memref<7168xf32, #tpu.memory_space<vmem_shared>>) offsets(%dma_start3A_63 : memref<32xi32, #tpu.memory_space<vmem>>) semaphore(%run_scoped3A_59 : memref<!tpu.dma_semaphore, #tpu.memory_space<semaphore_mem>>) {add = true}
      %dma_wait3A = arith.constant 0 : i32
      %dma_wait3A_66 = tpu.memref_slice %arg9[%dma_wait3A] : memref<128xf32, #tpu.memory_space<vmem>> -> memref<32xf32, #tpu.memory_space<vmem>>
      %dma_wait3A_67 = arith.constant 0 : i32
      %dma_wait3A_68 = tpu.memref_slice %arg11[%run_scoped3A_31, %dma_wait3A_67] : memref<1x32xi32, #tpu.memory_space<vmem>> -> memref<1x32xi32, #tpu.memory_space<vmem>>
      %dma_wait3A_69 = tpu.memref_squeeze %dma_wait3A_68 : memref<1x32xi32, #tpu.memory_space<vmem>> -> memref<32xi32, #tpu.memory_space<vmem>>
      %dma_wait3A_70 = arith.constant 0 : i32
      %dma_wait3A_71 = tpu.memref_slice %arg17[%dma_wait3A_70] : memref<7168xf32, #tpu.memory_space<vmem_shared>> -> memref<7168xf32, #tpu.memory_space<vmem_shared>>
      tpu.wait_indirect_dma semaphore(%run_scoped3A_59 : memref<!tpu.dma_semaphore, #tpu.memory_space<semaphore_mem>>) src(%dma_wait3A_66 : memref<32xf32, #tpu.memory_space<vmem>>) dst(%dma_wait3A_71 : memref<7168xf32, #tpu.memory_space<vmem_shared>>)
      tpu.yield
    }) : () -> ()
    %mul3A_32 = arith.constant 25088 : i32
    %mul3A_33 = arith.muli %arg0, %mul3A_32 : i32
    %mul3A_34 = arith.constant 1568 : i32
    %mul3A_35 = arith.muli %arg1, %mul3A_34 : i32
    %add3A_36 = arith.addi %mul3A_33, %mul3A_35 : i32
    %scan3A_37 = arith.constant 0 : i32
    %scan3A_38 = arith.constant 12 : i32
    %scan3A_39 = arith.addi %scan3A_37, %scan3A_38 : i32
    %scan3A_40 = arith.constant 1 : i32
    scf.for %scan3A_59 = %scan3A_37 to %scan3A_39 step %scan3A_40  : i32 {
      %mul3A_60 = arith.constant 1 : i32
      %mul3A_61 = arith.muli %scan3A_59, %mul3A_60 : i32
      %add3A_62 = arith.constant 0 : i32
      %add3A_63 = arith.addi %add3A_62, %mul3A_61 : i32
      %mul3A_64 = arith.constant 128 : i32
      %mul3A_65 = arith.muli %add3A_63, %mul3A_64 : i32
      %add3A_66 = arith.addi %add3A_36, %mul3A_65 : i32
      "tpu.region"() ({
        %run_scoped3A_67 = tpu.sem_alloc : memref<!tpu.dma_semaphore, #tpu.memory_space<semaphore_mem>>
        %dma_start3A = tpu.memref_slice %arg4[%add3A_66] : memref<50176xi32, #tpu.memory_space<hbm>> -> memref<128xi32, #tpu.memory_space<hbm>>
        %dma_start3A_68 = tpu.memref_slice %arg4[%add3A_66] : memref<50176xi32, #tpu.memory_space<hbm>> -> memref<128xi32, #tpu.memory_space<hbm>>
        tpu.enqueue_dma source(%dma_start3A_68 : memref<128xi32, #tpu.memory_space<hbm>>) target(%arg12 : memref<128xi32, #tpu.memory_space<vmem>>) target_semaphore(%run_scoped3A_67 : memref<!tpu.dma_semaphore, #tpu.memory_space<semaphore_mem>>)
        %dma_wait3A = tpu.memref_slice %arg4[%add3A_66] : memref<50176xi32, #tpu.memory_space<hbm>> -> memref<128xi32, #tpu.memory_space<hbm>>
        %dma_wait3A_69 = tpu.memref_slice %arg4[%add3A_66] : memref<50176xi32, #tpu.memory_space<hbm>> -> memref<128xi32, #tpu.memory_space<hbm>>
        tpu.wait_dma2 semaphore(%run_scoped3A_67 : memref<!tpu.dma_semaphore, #tpu.memory_space<semaphore_mem>>) src(%dma_wait3A_69 : memref<128xi32, #tpu.memory_space<hbm>>) dst(%arg12 : memref<128xi32, #tpu.memory_space<vmem>>)
        tpu.yield
      }) : () -> ()
      "tpu.region"() ({
        %run_scoped3A_67 = tpu.sem_alloc : memref<!tpu.dma_semaphore, #tpu.memory_space<semaphore_mem>>
        %dma_start3A = arith.constant 0 : i32
        %dma_start3A_68 = arith.constant 0 : i32
        %dma_start3A_69 = tpu.memref_slice %arg5[%dma_start3A, %dma_start3A_68] : memref<10000x64xf32, #tpu.memory_space<hbm>> -> memref<10000x64xf32, #tpu.memory_space<hbm>>
        tpu.enqueue_indirect_dma source(%dma_start3A_69 : memref<10000x64xf32, #tpu.memory_space<hbm>>) target(%arg14 : memref<128x64xf32, #tpu.memory_space<vmem>>) offsets(%arg12 : memref<128xi32, #tpu.memory_space<vmem>>) semaphore(%run_scoped3A_67 : memref<!tpu.dma_semaphore, #tpu.memory_space<semaphore_mem>>)
        %dma_wait3A = arith.constant 0 : i32
        %dma_wait3A_70 = arith.constant 0 : i32
        %dma_wait3A_71 = tpu.memref_slice %arg5[%dma_wait3A, %dma_wait3A_70] : memref<10000x64xf32, #tpu.memory_space<hbm>> -> memref<10000x64xf32, #tpu.memory_space<hbm>>
        tpu.wait_indirect_dma semaphore(%run_scoped3A_67 : memref<!tpu.dma_semaphore, #tpu.memory_space<semaphore_mem>>) src(%dma_wait3A_71 : memref<10000x64xf32, #tpu.memory_space<hbm>>) dst(%arg14 : memref<128x64xf32, #tpu.memory_space<vmem>>)
        tpu.yield
      }) : () -> ()
      "tpu.region"() ({
        %run_scoped3A_67 = tpu.sem_alloc : memref<!tpu.dma_semaphore, #tpu.memory_space<semaphore_mem>>
        %dma_start3A = arith.constant 0 : i32
        %dma_start3A_68 = tpu.memref_slice %arg8[%add3A_66, %dma_start3A] : memref<50176x64xf32, #tpu.memory_space<hbm>> -> memref<128x64xf32, #tpu.memory_space<hbm>>
        %dma_start3A_69 = arith.constant 0 : i32
        %dma_start3A_70 = tpu.memref_slice %arg8[%add3A_66, %dma_start3A_69] : memref<50176x64xf32, #tpu.memory_space<hbm>> -> memref<128x64xf32, #tpu.memory_space<hbm>>
        tpu.enqueue_dma source(%arg14 : memref<128x64xf32, #tpu.memory_space<vmem>>) target(%dma_start3A_70 : memref<128x64xf32, #tpu.memory_space<hbm>>) target_semaphore(%run_scoped3A_67 : memref<!tpu.dma_semaphore, #tpu.memory_space<semaphore_mem>>)
        %dma_wait3A = arith.constant 0 : i32
        %dma_wait3A_71 = tpu.memref_slice %arg8[%add3A_66, %dma_wait3A] : memref<50176x64xf32, #tpu.memory_space<hbm>> -> memref<128x64xf32, #tpu.memory_space<hbm>>
        %dma_wait3A_72 = arith.constant 0 : i32
        %dma_wait3A_73 = tpu.memref_slice %arg8[%add3A_66, %dma_wait3A_72] : memref<50176x64xf32, #tpu.memory_space<hbm>> -> memref<128x64xf32, #tpu.memory_space<hbm>>
        tpu.wait_dma2 semaphore(%run_scoped3A_67 : memref<!tpu.dma_semaphore, #tpu.memory_space<semaphore_mem>>) src(%arg14 : memref<128x64xf32, #tpu.memory_space<vmem>>) dst(%dma_wait3A_73 : memref<128x64xf32, #tpu.memory_space<hbm>>)
        tpu.yield
      }) : () -> ()
    }
    %scan3A_41 = arith.constant 12 : i32
    %add3A_42 = arith.constant 1536 : i32
    %add3A_43 = arith.addi %add3A_36, %add3A_42 : i32
    "tpu.region"() ({
      %run_scoped3A_59 = tpu.sem_alloc : memref<!tpu.dma_semaphore, #tpu.memory_space<semaphore_mem>>
      %dma_start3A = tpu.memref_slice %arg4[%add3A_43] : memref<50176xi32, #tpu.memory_space<hbm>> -> memref<32xi32, #tpu.memory_space<hbm>>
      %dma_start3A_60 = tpu.memref_slice %arg4[%add3A_43] : memref<50176xi32, #tpu.memory_space<hbm>> -> memref<32xi32, #tpu.memory_space<hbm>>
      tpu.enqueue_dma source(%dma_start3A_60 : memref<32xi32, #tpu.memory_space<hbm>>) target(%arg13 : memref<32xi32, #tpu.memory_space<vmem>>) target_semaphore(%run_scoped3A_59 : memref<!tpu.dma_semaphore, #tpu.memory_space<semaphore_mem>>)
      %dma_wait3A = tpu.memref_slice %arg4[%add3A_43] : memref<50176xi32, #tpu.memory_space<hbm>> -> memref<32xi32, #tpu.memory_space<hbm>>
      %dma_wait3A_61 = tpu.memref_slice %arg4[%add3A_43] : memref<50176xi32, #tpu.memory_space<hbm>> -> memref<32xi32, #tpu.memory_space<hbm>>
      tpu.wait_dma2 semaphore(%run_scoped3A_59 : memref<!tpu.dma_semaphore, #tpu.memory_space<semaphore_mem>>) src(%dma_wait3A_61 : memref<32xi32, #tpu.memory_space<hbm>>) dst(%arg13 : memref<32xi32, #tpu.memory_space<vmem>>)
      tpu.yield
    }) : () -> ()
    "tpu.region"() ({
      %run_scoped3A_59 = tpu.sem_alloc : memref<!tpu.dma_semaphore, #tpu.memory_space<semaphore_mem>>
      %dma_start3A = arith.constant 0 : i32
      %dma_start3A_60 = arith.constant 0 : i32
      %dma_start3A_61 = tpu.memref_slice %arg14[%dma_start3A, %dma_start3A_60] : memref<128x64xf32, #tpu.memory_space<vmem>> -> memref<32x64xf32, #tpu.memory_space<vmem>>
      %dma_start3A_62 = arith.constant 0 : i32
      %dma_start3A_63 = arith.constant 0 : i32
      %dma_start3A_64 = tpu.memref_slice %arg5[%dma_start3A_62, %dma_start3A_63] : memref<10000x64xf32, #tpu.memory_space<hbm>> -> memref<10000x64xf32, #tpu.memory_space<hbm>>
      tpu.enqueue_indirect_dma source(%dma_start3A_64 : memref<10000x64xf32, #tpu.memory_space<hbm>>) target(%dma_start3A_61 : memref<32x64xf32, #tpu.memory_space<vmem>>) offsets(%arg13 : memref<32xi32, #tpu.memory_space<vmem>>) semaphore(%run_scoped3A_59 : memref<!tpu.dma_semaphore, #tpu.memory_space<semaphore_mem>>)
      %dma_wait3A = arith.constant 0 : i32
      %dma_wait3A_65 = arith.constant 0 : i32
      %dma_wait3A_66 = tpu.memref_slice %arg14[%dma_wait3A, %dma_wait3A_65] : memref<128x64xf32, #tpu.memory_space<vmem>> -> memref<32x64xf32, #tpu.memory_space<vmem>>
      %dma_wait3A_67 = arith.constant 0 : i32
      %dma_wait3A_68 = arith.constant 0 : i32
      %dma_wait3A_69 = tpu.memref_slice %arg5[%dma_wait3A_67, %dma_wait3A_68] : memref<10000x64xf32, #tpu.memory_space<hbm>> -> memref<10000x64xf32, #tpu.memory_space<hbm>>
      tpu.wait_indirect_dma semaphore(%run_scoped3A_59 : memref<!tpu.dma_semaphore, #tpu.memory_space<semaphore_mem>>) src(%dma_wait3A_69 : memref<10000x64xf32, #tpu.memory_space<hbm>>) dst(%dma_wait3A_66 : memref<32x64xf32, #tpu.memory_space<vmem>>)
      tpu.yield
    }) : () -> ()
    "tpu.region"() ({
      %run_scoped3A_59 = tpu.sem_alloc : memref<!tpu.dma_semaphore, #tpu.memory_space<semaphore_mem>>
      %dma_start3A = arith.constant 0 : i32
      %dma_start3A_60 = arith.constant 0 : i32
      %dma_start3A_61 = tpu.memref_slice %arg14[%dma_start3A, %dma_start3A_60] : memref<128x64xf32, #tpu.memory_space<vmem>> -> memref<32x64xf32, #tpu.memory_space<vmem>>
      %dma_start3A_62 = arith.constant 0 : i32
      %dma_start3A_63 = tpu.memref_slice %arg8[%add3A_43, %dma_start3A_62] : memref<50176x64xf32, #tpu.memory_space<hbm>> -> memref<32x64xf32, #tpu.memory_space<hbm>>
      %dma_start3A_64 = arith.constant 0 : i32
      %dma_start3A_65 = tpu.memref_slice %arg8[%add3A_43, %dma_start3A_64] : memref<50176x64xf32, #tpu.memory_space<hbm>> -> memref<32x64xf32, #tpu.memory_space<hbm>>
      %dma_start3A_66 = arith.constant 0 : i32
      %dma_start3A_67 = arith.constant 0 : i32
      %dma_start3A_68 = tpu.memref_slice %arg14[%dma_start3A_66, %dma_start3A_67] : memref<128x64xf32, #tpu.memory_space<vmem>> -> memref<32x64xf32, #tpu.memory_space<vmem>>
      tpu.enqueue_dma source(%dma_start3A_68 : memref<32x64xf32, #tpu.memory_space<vmem>>) target(%dma_start3A_65 : memref<32x64xf32, #tpu.memory_space<hbm>>) target_semaphore(%run_scoped3A_59 : memref<!tpu.dma_semaphore, #tpu.memory_space<semaphore_mem>>)
      %dma_wait3A = arith.constant 0 : i32
      %dma_wait3A_69 = arith.constant 0 : i32
      %dma_wait3A_70 = tpu.memref_slice %arg14[%dma_wait3A, %dma_wait3A_69] : memref<128x64xf32, #tpu.memory_space<vmem>> -> memref<32x64xf32, #tpu.memory_space<vmem>>
      %dma_wait3A_71 = arith.constant 0 : i32
      %dma_wait3A_72 = tpu.memref_slice %arg8[%add3A_43, %dma_wait3A_71] : memref<50176x64xf32, #tpu.memory_space<hbm>> -> memref<32x64xf32, #tpu.memory_space<hbm>>
      %dma_wait3A_73 = arith.constant 0 : i32
      %dma_wait3A_74 = tpu.memref_slice %arg8[%add3A_43, %dma_wait3A_73] : memref<50176x64xf32, #tpu.memory_space<hbm>> -> memref<32x64xf32, #tpu.memory_space<hbm>>
      %dma_wait3A_75 = arith.constant 0 : i32
      %dma_wait3A_76 = arith.constant 0 : i32
      %dma_wait3A_77 = tpu.memref_slice %arg14[%dma_wait3A_75, %dma_wait3A_76] : memref<128x64xf32, #tpu.memory_space<vmem>> -> memref<32x64xf32, #tpu.memory_space<vmem>>
      tpu.wait_dma2 semaphore(%run_scoped3A_59 : memref<!tpu.dma_semaphore, #tpu.memory_space<semaphore_mem>>) src(%dma_wait3A_77 : memref<32x64xf32, #tpu.memory_space<vmem>>) dst(%dma_wait3A_74 : memref<32x64xf32, #tpu.memory_space<hbm>>)
      tpu.yield
    }) : () -> ()
    %barrier3A_44 = arith.constant 0 : index
    tpu.barrier barrier_id(%barrier3A_44)
    %mul3A_45 = arith.constant 3136 : i32
    %mul3A_46 = arith.muli %arg1, %mul3A_45 : i32
    %mul3A_47 = arith.constant 50176 : i32
    %mul3A_48 = arith.muli %arg0, %mul3A_47 : i32
    %mul3A_49 = arith.constant 3136 : i32
    %mul3A_50 = arith.muli %arg1, %mul3A_49 : i32
    %add3A_51 = arith.addi %mul3A_48, %mul3A_50 : i32
    "tpu.region"() ({
      %run_scoped3A_59 = tpu.sem_alloc : memref<!tpu.dma_semaphore, #tpu.memory_space<semaphore_mem>>
      %dma_start3A = tpu.memref_slice %arg6[%add3A_51] : memref<100352xf32, #tpu.memory_space<hbm>> -> memref<3136xf32, #tpu.memory_space<hbm>>
      %dma_start3A_60 = tpu.memref_slice %arg16[%mul3A_46] : memref<50176xf32, #tpu.memory_space<vmem_shared>> -> memref<3136xf32, #tpu.memory_space<vmem_shared>>
      tpu.enqueue_dma source(%dma_start3A_60 : memref<3136xf32, #tpu.memory_space<vmem_shared>>) target(%dma_start3A : memref<3136xf32, #tpu.memory_space<hbm>>) target_semaphore(%run_scoped3A_59 : memref<!tpu.dma_semaphore, #tpu.memory_space<semaphore_mem>>)
      %dma_wait3A = tpu.memref_slice %arg6[%add3A_51] : memref<100352xf32, #tpu.memory_space<hbm>> -> memref<3136xf32, #tpu.memory_space<hbm>>
      %dma_wait3A_61 = tpu.memref_slice %arg16[%mul3A_46] : memref<50176xf32, #tpu.memory_space<vmem_shared>> -> memref<3136xf32, #tpu.memory_space<vmem_shared>>
      tpu.wait_dma2 semaphore(%run_scoped3A_59 : memref<!tpu.dma_semaphore, #tpu.memory_space<semaphore_mem>>) src(%dma_wait3A_61 : memref<3136xf32, #tpu.memory_space<vmem_shared>>) dst(%dma_wait3A : memref<3136xf32, #tpu.memory_space<hbm>>)
      tpu.yield
    }) : () -> ()
    %mul3A_52 = arith.constant 448 : i32
    %mul3A_53 = arith.muli %arg1, %mul3A_52 : i32
    %mul3A_54 = arith.constant 7168 : i32
    %mul3A_55 = arith.muli %arg0, %mul3A_54 : i32
    %mul3A_56 = arith.constant 448 : i32
    %mul3A_57 = arith.muli %arg1, %mul3A_56 : i32
    %add3A_58 = arith.addi %mul3A_55, %mul3A_57 : i32
    "tpu.region"() ({
      %run_scoped3A_59 = tpu.sem_alloc : memref<!tpu.dma_semaphore, #tpu.memory_space<semaphore_mem>>
      %dma_start3A = tpu.memref_slice %arg7[%add3A_58] : memref<14336xf32, #tpu.memory_space<hbm>> -> memref<448xf32, #tpu.memory_space<hbm>>
      %dma_start3A_60 = tpu.memref_slice %arg17[%mul3A_53] : memref<7168xf32, #tpu.memory_space<vmem_shared>> -> memref<448xf32, #tpu.memory_space<vmem_shared>>
      tpu.enqueue_dma source(%dma_start3A_60 : memref<448xf32, #tpu.memory_space<vmem_shared>>) target(%dma_start3A : memref<448xf32, #tpu.memory_space<hbm>>) target_semaphore(%run_scoped3A_59 : memref<!tpu.dma_semaphore, #tpu.memory_space<semaphore_mem>>)
      %dma_wait3A = tpu.memref_slice %arg7[%add3A_58] : memref<14336xf32, #tpu.memory_space<hbm>> -> memref<448xf32, #tpu.memory_space<hbm>>
      %dma_wait3A_61 = tpu.memref_slice %arg17[%mul3A_53] : memref<7168xf32, #tpu.memory_space<vmem_shared>> -> memref<448xf32, #tpu.memory_space<vmem_shared>>
      tpu.wait_dma2 semaphore(%run_scoped3A_59 : memref<!tpu.dma_semaphore, #tpu.memory_space<semaphore_mem>>) src(%dma_wait3A_61 : memref<448xf32, #tpu.memory_space<vmem_shared>>) dst(%dma_wait3A : memref<448xf32, #tpu.memory_space<hbm>>)
      tpu.yield
    }) : () -> ()
    return
  }
}

#map = affine_map<(d0, d1) -> (0, 0, 0)>
#map1 = affine_map<(d0, d1) -> (0)>
module attributes {stable_mosaic.version = 14 : i64} {
  func.func @_sc_edge_agg(%arg0: i32, %arg1: i32, %arg2: memref<2x50176x32xf32, #tpu.memory_space<hbm>>, %arg3: memref<802816xi32, #tpu.memory_space<hbm>>, %arg4: memref<802816xi32, #tpu.memory_space<hbm>>, %arg5: memref<2x50176x32xf32, #tpu.memory_space<hbm>>, %arg6: memref<256xi32, #tpu.memory_space<vmem>>, %arg7: memref<256xi32, #tpu.memory_space<vmem>>, %arg8: memref<256xi32, #tpu.memory_space<vmem>>, %arg9: memref<256xi32, #tpu.memory_space<vmem>>, %arg10: memref<256x32xf32, #tpu.memory_space<vmem>>, %arg11: memref<256x32xf32, #tpu.memory_space<vmem>>, %arg12: memref<50176x32xf32, #tpu.memory_space<vmem_shared>>, %arg13: memref<!tpu.dma_semaphore, #tpu.memory_space<semaphore_mem>>, %arg14: memref<!tpu.dma_semaphore, #tpu.memory_space<semaphore_mem>>, %arg15: memref<!tpu.dma_semaphore, #tpu.memory_space<semaphore_mem>>, %arg16: memref<!tpu.dma_semaphore, #tpu.memory_space<semaphore_mem>>) attributes {dimension_semantics = [#tpu.dimension_semantics<core_parallel>, #tpu.dimension_semantics<subcore_parallel>], iteration_bounds = array<i64: 2, 16>, scalar_prefetch = 0 : i64, scratch_operands = 11 : i64, tpu.core_type = #tpu.core_type<sc_vector_subcore>, window_params = [{transform_indices = #map}, {transform_indices = #map1}, {transform_indices = #map1}, {transform_indices = #map}]} {
    %mul3A = arith.constant 50176 : i32
    %mul3A_0 = arith.muli %arg1, %mul3A : i32
    %mul3A_1 = arith.constant 3136 : i32
    %mul3A_2 = arith.muli %arg1, %mul3A_1 : i32
    %mul3A_3 = arith.constant 3136 : i32
    %mul3A_4 = arith.muli %arg1, %mul3A_3 : i32
    "tpu.region"() ({
      %run_scoped3A = tpu.sem_alloc : memref<!tpu.dma_semaphore, #tpu.memory_space<semaphore_mem>>
      %dma_start3A_36 = arith.constant 0 : i32
      %dma_start3A_37 = tpu.memref_slice %arg12[%mul3A_4, %dma_start3A_36] : memref<50176x32xf32, #tpu.memory_space<vmem_shared>> -> memref<3136x32xf32, #tpu.memory_space<vmem_shared>>
      %dma_start3A_38 = arith.constant 0 : i32
      %dma_start3A_39 = arith.constant 0 : i32
      %dma_start3A_40 = tpu.memref_slice %arg2[%arg0, %dma_start3A_38, %dma_start3A_39] : memref<2x50176x32xf32, #tpu.memory_space<hbm>> -> memref<1x50176x32xf32, #tpu.memory_space<hbm>>
      %dma_start3A_41 = tpu.memref_squeeze %dma_start3A_40 : memref<1x50176x32xf32, #tpu.memory_space<hbm>> -> memref<50176x32xf32, #tpu.memory_space<hbm>>
      %dma_start3A_42 = arith.constant 0 : i32
      %dma_start3A_43 = tpu.memref_slice %dma_start3A_41[%mul3A_2, %dma_start3A_42] : memref<50176x32xf32, #tpu.memory_space<hbm>> -> memref<3136x32xf32, #tpu.memory_space<hbm>>
      tpu.enqueue_dma source(%dma_start3A_43 : memref<3136x32xf32, #tpu.memory_space<hbm>>) target(%dma_start3A_37 : memref<3136x32xf32, #tpu.memory_space<vmem_shared>>) target_semaphore(%run_scoped3A : memref<!tpu.dma_semaphore, #tpu.memory_space<semaphore_mem>>)
      %dma_wait3A_44 = arith.constant 0 : i32
      %dma_wait3A_45 = tpu.memref_slice %arg12[%mul3A_4, %dma_wait3A_44] : memref<50176x32xf32, #tpu.memory_space<vmem_shared>> -> memref<3136x32xf32, #tpu.memory_space<vmem_shared>>
      %dma_wait3A_46 = arith.constant 0 : i32
      %dma_wait3A_47 = arith.constant 0 : i32
      %dma_wait3A_48 = tpu.memref_slice %arg2[%arg0, %dma_wait3A_46, %dma_wait3A_47] : memref<2x50176x32xf32, #tpu.memory_space<hbm>> -> memref<1x50176x32xf32, #tpu.memory_space<hbm>>
      %dma_wait3A_49 = tpu.memref_squeeze %dma_wait3A_48 : memref<1x50176x32xf32, #tpu.memory_space<hbm>> -> memref<50176x32xf32, #tpu.memory_space<hbm>>
      %dma_wait3A_50 = arith.constant 0 : i32
      %dma_wait3A_51 = tpu.memref_slice %dma_wait3A_49[%mul3A_2, %dma_wait3A_50] : memref<50176x32xf32, #tpu.memory_space<hbm>> -> memref<3136x32xf32, #tpu.memory_space<hbm>>
      tpu.wait_dma2 semaphore(%run_scoped3A : memref<!tpu.dma_semaphore, #tpu.memory_space<semaphore_mem>>) src(%dma_wait3A_51 : memref<3136x32xf32, #tpu.memory_space<hbm>>) dst(%dma_wait3A_45 : memref<3136x32xf32, #tpu.memory_space<vmem_shared>>)
      tpu.yield
    }) : () -> ()
    %barrier3A = arith.constant 0 : index
    tpu.barrier barrier_id(%barrier3A)
    %add3A = arith.constant 0 : i32
    %add3A_5 = arith.addi %mul3A_0, %add3A : i32
    %dma_start3A = tpu.memref_slice %arg3[%add3A_5] : memref<802816xi32, #tpu.memory_space<hbm>> -> memref<256xi32, #tpu.memory_space<hbm>>
    %dma_start3A_6 = tpu.memref_slice %arg3[%add3A_5] : memref<802816xi32, #tpu.memory_space<hbm>> -> memref<256xi32, #tpu.memory_space<hbm>>
    tpu.enqueue_dma source(%dma_start3A_6 : memref<256xi32, #tpu.memory_space<hbm>>) target(%arg6 : memref<256xi32, #tpu.memory_space<vmem>>) target_semaphore(%arg15 : memref<!tpu.dma_semaphore, #tpu.memory_space<semaphore_mem>>)
    %dma_start3A_7 = tpu.memref_slice %arg4[%add3A_5] : memref<802816xi32, #tpu.memory_space<hbm>> -> memref<256xi32, #tpu.memory_space<hbm>>
    %dma_start3A_8 = tpu.memref_slice %arg4[%add3A_5] : memref<802816xi32, #tpu.memory_space<hbm>> -> memref<256xi32, #tpu.memory_space<hbm>>
    tpu.enqueue_dma source(%dma_start3A_8 : memref<256xi32, #tpu.memory_space<hbm>>) target(%arg8 : memref<256xi32, #tpu.memory_space<vmem>>) target_semaphore(%arg15 : memref<!tpu.dma_semaphore, #tpu.memory_space<semaphore_mem>>)
    %add3A_9 = arith.constant 0 : i32
    %add3A_10 = arith.addi %mul3A_0, %add3A_9 : i32
    %dma_wait3A = tpu.memref_slice %arg3[%add3A_10] : memref<802816xi32, #tpu.memory_space<hbm>> -> memref<256xi32, #tpu.memory_space<hbm>>
    %dma_wait3A_11 = tpu.memref_slice %arg3[%add3A_10] : memref<802816xi32, #tpu.memory_space<hbm>> -> memref<256xi32, #tpu.memory_space<hbm>>
    tpu.wait_dma2 semaphore(%arg15 : memref<!tpu.dma_semaphore, #tpu.memory_space<semaphore_mem>>) src(%dma_wait3A_11 : memref<256xi32, #tpu.memory_space<hbm>>) dst(%arg6 : memref<256xi32, #tpu.memory_space<vmem>>)
    %dma_wait3A_12 = tpu.memref_slice %arg4[%add3A_10] : memref<802816xi32, #tpu.memory_space<hbm>> -> memref<256xi32, #tpu.memory_space<hbm>>
    %dma_wait3A_13 = tpu.memref_slice %arg4[%add3A_10] : memref<802816xi32, #tpu.memory_space<hbm>> -> memref<256xi32, #tpu.memory_space<hbm>>
    tpu.wait_dma2 semaphore(%arg15 : memref<!tpu.dma_semaphore, #tpu.memory_space<semaphore_mem>>) src(%dma_wait3A_13 : memref<256xi32, #tpu.memory_space<hbm>>) dst(%arg8 : memref<256xi32, #tpu.memory_space<vmem>>)
    %dma_start3A_14 = arith.constant 0 : i32
    %dma_start3A_15 = arith.constant 0 : i32
    %dma_start3A_16 = tpu.memref_slice %arg2[%arg0, %dma_start3A_14, %dma_start3A_15] : memref<2x50176x32xf32, #tpu.memory_space<hbm>> -> memref<1x50176x32xf32, #tpu.memory_space<hbm>>
    %dma_start3A_17 = tpu.memref_squeeze %dma_start3A_16 : memref<1x50176x32xf32, #tpu.memory_space<hbm>> -> memref<50176x32xf32, #tpu.memory_space<hbm>>
    %dma_start3A_18 = arith.constant 0 : i32
    %dma_start3A_19 = arith.constant 0 : i32
    %dma_start3A_20 = tpu.memref_slice %dma_start3A_17[%dma_start3A_18, %dma_start3A_19] : memref<50176x32xf32, #tpu.memory_space<hbm>> -> memref<50176x32xf32, #tpu.memory_space<hbm>>
    tpu.enqueue_indirect_dma source(%dma_start3A_20 : memref<50176x32xf32, #tpu.memory_space<hbm>>) target(%arg10 : memref<256x32xf32, #tpu.memory_space<vmem>>) offsets(%arg6 : memref<256xi32, #tpu.memory_space<vmem>>) semaphore(%arg13 : memref<!tpu.dma_semaphore, #tpu.memory_space<semaphore_mem>>)
    %add3A_21 = arith.constant 256 : i32
    %add3A_22 = arith.addi %mul3A_0, %add3A_21 : i32
    %dma_start3A_23 = tpu.memref_slice %arg3[%add3A_22] : memref<802816xi32, #tpu.memory_space<hbm>> -> memref<256xi32, #tpu.memory_space<hbm>>
    %dma_start3A_24 = tpu.memref_slice %arg3[%add3A_22] : memref<802816xi32, #tpu.memory_space<hbm>> -> memref<256xi32, #tpu.memory_space<hbm>>
    tpu.enqueue_dma source(%dma_start3A_24 : memref<256xi32, #tpu.memory_space<hbm>>) target(%arg7 : memref<256xi32, #tpu.memory_space<vmem>>) target_semaphore(%arg16 : memref<!tpu.dma_semaphore, #tpu.memory_space<semaphore_mem>>)
    %dma_start3A_25 = tpu.memref_slice %arg4[%add3A_22] : memref<802816xi32, #tpu.memory_space<hbm>> -> memref<256xi32, #tpu.memory_space<hbm>>
    %dma_start3A_26 = tpu.memref_slice %arg4[%add3A_22] : memref<802816xi32, #tpu.memory_space<hbm>> -> memref<256xi32, #tpu.memory_space<hbm>>
    tpu.enqueue_dma source(%dma_start3A_26 : memref<256xi32, #tpu.memory_space<hbm>>) target(%arg9 : memref<256xi32, #tpu.memory_space<vmem>>) target_semaphore(%arg16 : memref<!tpu.dma_semaphore, #tpu.memory_space<semaphore_mem>>)
    %scan3A = arith.constant 0 : i32
    %scan3A_27 = arith.constant 98 : i32
    %scan3A_28 = arith.addi %scan3A, %scan3A_27 : i32
    %scan3A_29 = arith.constant 1 : i32
    scf.for %scan3A_36 = %scan3A to %scan3A_28 step %scan3A_29  : i32 {
      %mul3A_37 = arith.constant 1 : i32
      %mul3A_38 = arith.muli %scan3A_36, %mul3A_37 : i32
      %add3A_39 = arith.constant 0 : i32
      %add3A_40 = arith.addi %add3A_39, %mul3A_38 : i32
      %mul3A_41 = arith.constant 2 : i32
      %mul3A_42 = arith.muli %mul3A_41, %add3A_40 : i32
      %dma_wait3A_43 = arith.constant 0 : i32
      %dma_wait3A_44 = arith.constant 0 : i32
      %dma_wait3A_45 = tpu.memref_slice %arg2[%arg0, %dma_wait3A_43, %dma_wait3A_44] : memref<2x50176x32xf32, #tpu.memory_space<hbm>> -> memref<1x50176x32xf32, #tpu.memory_space<hbm>>
      %dma_wait3A_46 = tpu.memref_squeeze %dma_wait3A_45 : memref<1x50176x32xf32, #tpu.memory_space<hbm>> -> memref<50176x32xf32, #tpu.memory_space<hbm>>
      %dma_wait3A_47 = arith.constant 0 : i32
      %dma_wait3A_48 = arith.constant 0 : i32
      %dma_wait3A_49 = tpu.memref_slice %dma_wait3A_46[%dma_wait3A_47, %dma_wait3A_48] : memref<50176x32xf32, #tpu.memory_space<hbm>> -> memref<50176x32xf32, #tpu.memory_space<hbm>>
      tpu.wait_indirect_dma semaphore(%arg13 : memref<!tpu.dma_semaphore, #tpu.memory_space<semaphore_mem>>) src(%dma_wait3A_49 : memref<50176x32xf32, #tpu.memory_space<hbm>>) dst(%arg10 : memref<256x32xf32, #tpu.memory_space<vmem>>)
      %add3A_50 = arith.constant 1 : i32
      %add3A_51 = arith.addi %mul3A_42, %add3A_50 : i32
      %mul3A_52 = arith.constant 256 : i32
      %mul3A_53 = arith.muli %add3A_51, %mul3A_52 : i32
      %add3A_54 = arith.addi %mul3A_0, %mul3A_53 : i32
      %dma_wait3A_55 = tpu.memref_slice %arg3[%add3A_54] : memref<802816xi32, #tpu.memory_space<hbm>> -> memref<256xi32, #tpu.memory_space<hbm>>
      %dma_wait3A_56 = tpu.memref_slice %arg3[%add3A_54] : memref<802816xi32, #tpu.memory_space<hbm>> -> memref<256xi32, #tpu.memory_space<hbm>>
      tpu.wait_dma2 semaphore(%arg16 : memref<!tpu.dma_semaphore, #tpu.memory_space<semaphore_mem>>) src(%dma_wait3A_56 : memref<256xi32, #tpu.memory_space<hbm>>) dst(%arg7 : memref<256xi32, #tpu.memory_space<vmem>>)
      %dma_wait3A_57 = tpu.memref_slice %arg4[%add3A_54] : memref<802816xi32, #tpu.memory_space<hbm>> -> memref<256xi32, #tpu.memory_space<hbm>>
      %dma_wait3A_58 = tpu.memref_slice %arg4[%add3A_54] : memref<802816xi32, #tpu.memory_space<hbm>> -> memref<256xi32, #tpu.memory_space<hbm>>
      tpu.wait_dma2 semaphore(%arg16 : memref<!tpu.dma_semaphore, #tpu.memory_space<semaphore_mem>>) src(%dma_wait3A_58 : memref<256xi32, #tpu.memory_space<hbm>>) dst(%arg9 : memref<256xi32, #tpu.memory_space<vmem>>)
      %dma_start3A_59 = arith.constant 0 : i32
      %dma_start3A_60 = arith.constant 0 : i32
      %dma_start3A_61 = tpu.memref_slice %arg2[%arg0, %dma_start3A_59, %dma_start3A_60] : memref<2x50176x32xf32, #tpu.memory_space<hbm>> -> memref<1x50176x32xf32, #tpu.memory_space<hbm>>
      %dma_start3A_62 = tpu.memref_squeeze %dma_start3A_61 : memref<1x50176x32xf32, #tpu.memory_space<hbm>> -> memref<50176x32xf32, #tpu.memory_space<hbm>>
      %dma_start3A_63 = arith.constant 0 : i32
      %dma_start3A_64 = arith.constant 0 : i32
      %dma_start3A_65 = tpu.memref_slice %dma_start3A_62[%dma_start3A_63, %dma_start3A_64] : memref<50176x32xf32, #tpu.memory_space<hbm>> -> memref<50176x32xf32, #tpu.memory_space<hbm>>
      tpu.enqueue_indirect_dma source(%dma_start3A_65 : memref<50176x32xf32, #tpu.memory_space<hbm>>) target(%arg11 : memref<256x32xf32, #tpu.memory_space<vmem>>) offsets(%arg7 : memref<256xi32, #tpu.memory_space<vmem>>) semaphore(%arg14 : memref<!tpu.dma_semaphore, #tpu.memory_space<semaphore_mem>>)
      "tpu.region"() ({
        %run_scoped3A = tpu.sem_alloc : memref<!tpu.dma_semaphore, #tpu.memory_space<semaphore_mem>>
        %dma_start3A_91 = arith.constant 0 : i32
        %dma_start3A_92 = arith.constant 0 : i32
        %dma_start3A_93 = tpu.memref_slice %arg12[%dma_start3A_91, %dma_start3A_92] : memref<50176x32xf32, #tpu.memory_space<vmem_shared>> -> memref<50176x32xf32, #tpu.memory_space<vmem_shared>>
        tpu.enqueue_indirect_dma source(%arg10 : memref<256x32xf32, #tpu.memory_space<vmem>>) target(%dma_start3A_93 : memref<50176x32xf32, #tpu.memory_space<vmem_shared>>) offsets(%arg8 : memref<256xi32, #tpu.memory_space<vmem>>) semaphore(%run_scoped3A : memref<!tpu.dma_semaphore, #tpu.memory_space<semaphore_mem>>) {add = true}
        %dma_wait3A_94 = arith.constant 0 : i32
        %dma_wait3A_95 = arith.constant 0 : i32
        %dma_wait3A_96 = tpu.memref_slice %arg12[%dma_wait3A_94, %dma_wait3A_95] : memref<50176x32xf32, #tpu.memory_space<vmem_shared>> -> memref<50176x32xf32, #tpu.memory_space<vmem_shared>>
        tpu.wait_indirect_dma semaphore(%run_scoped3A : memref<!tpu.dma_semaphore, #tpu.memory_space<semaphore_mem>>) src(%arg10 : memref<256x32xf32, #tpu.memory_space<vmem>>) dst(%dma_wait3A_96 : memref<50176x32xf32, #tpu.memory_space<vmem_shared>>)
        tpu.yield
      }) : () -> ()
      %add3A_66 = arith.constant 2 : i32
      %add3A_67 = arith.addi %mul3A_42, %add3A_66 : i32
      %lt3A = arith.constant 196 : i32
      %lt3A_68 = arith.cmpi slt, %add3A_67, %lt3A : i32
      %convert_element_type3A = arith.extui %lt3A_68 : i1 to i32
      %cond3A = arith.constant 0 : i32
      %cond3A_69 = arith.cmpi ne, %convert_element_type3A, %cond3A : i32
      scf.if %cond3A_69 {
        %add3A_91 = arith.constant 2 : i32
        %add3A_92 = arith.addi %mul3A_42, %add3A_91 : i32
        %mul3A_93 = arith.constant 256 : i32
        %mul3A_94 = arith.muli %add3A_92, %mul3A_93 : i32
        %add3A_95 = arith.addi %mul3A_0, %mul3A_94 : i32
        %dma_start3A_96 = tpu.memref_slice %arg3[%add3A_95] : memref<802816xi32, #tpu.memory_space<hbm>> -> memref<256xi32, #tpu.memory_space<hbm>>
        %dma_start3A_97 = tpu.memref_slice %arg3[%add3A_95] : memref<802816xi32, #tpu.memory_space<hbm>> -> memref<256xi32, #tpu.memory_space<hbm>>
        tpu.enqueue_dma source(%dma_start3A_97 : memref<256xi32, #tpu.memory_space<hbm>>) target(%arg6 : memref<256xi32, #tpu.memory_space<vmem>>) target_semaphore(%arg15 : memref<!tpu.dma_semaphore, #tpu.memory_space<semaphore_mem>>)
        %dma_start3A_98 = tpu.memref_slice %arg4[%add3A_95] : memref<802816xi32, #tpu.memory_space<hbm>> -> memref<256xi32, #tpu.memory_space<hbm>>
        %dma_start3A_99 = tpu.memref_slice %arg4[%add3A_95] : memref<802816xi32, #tpu.memory_space<hbm>> -> memref<256xi32, #tpu.memory_space<hbm>>
        tpu.enqueue_dma source(%dma_start3A_99 : memref<256xi32, #tpu.memory_space<hbm>>) target(%arg8 : memref<256xi32, #tpu.memory_space<vmem>>) target_semaphore(%arg15 : memref<!tpu.dma_semaphore, #tpu.memory_space<semaphore_mem>>)
      } else {
      }
      %dma_wait3A_70 = arith.constant 0 : i32
      %dma_wait3A_71 = arith.constant 0 : i32
      %dma_wait3A_72 = tpu.memref_slice %arg2[%arg0, %dma_wait3A_70, %dma_wait3A_71] : memref<2x50176x32xf32, #tpu.memory_space<hbm>> -> memref<1x50176x32xf32, #tpu.memory_space<hbm>>
      %dma_wait3A_73 = tpu.memref_squeeze %dma_wait3A_72 : memref<1x50176x32xf32, #tpu.memory_space<hbm>> -> memref<50176x32xf32, #tpu.memory_space<hbm>>
      %dma_wait3A_74 = arith.constant 0 : i32
      %dma_wait3A_75 = arith.constant 0 : i32
      %dma_wait3A_76 = tpu.memref_slice %dma_wait3A_73[%dma_wait3A_74, %dma_wait3A_75] : memref<50176x32xf32, #tpu.memory_space<hbm>> -> memref<50176x32xf32, #tpu.memory_space<hbm>>
      tpu.wait_indirect_dma semaphore(%arg14 : memref<!tpu.dma_semaphore, #tpu.memory_space<semaphore_mem>>) src(%dma_wait3A_76 : memref<50176x32xf32, #tpu.memory_space<hbm>>) dst(%arg11 : memref<256x32xf32, #tpu.memory_space<vmem>>)
      %add3A_77 = arith.constant 2 : i32
      %add3A_78 = arith.addi %mul3A_42, %add3A_77 : i32
      %lt3A_79 = arith.constant 196 : i32
      %lt3A_80 = arith.cmpi slt, %add3A_78, %lt3A_79 : i32
      %convert_element_type3A_81 = arith.extui %lt3A_80 : i1 to i32
      %cond3A_82 = arith.constant 0 : i32
      %cond3A_83 = arith.cmpi ne, %convert_element_type3A_81, %cond3A_82 : i32
      scf.if %cond3A_83 {
        %add3A_91 = arith.constant 2 : i32
        %add3A_92 = arith.addi %mul3A_42, %add3A_91 : i32
        %mul3A_93 = arith.constant 256 : i32
        %mul3A_94 = arith.muli %add3A_92, %mul3A_93 : i32
        %add3A_95 = arith.addi %mul3A_0, %mul3A_94 : i32
        %dma_wait3A_96 = tpu.memref_slice %arg3[%add3A_95] : memref<802816xi32, #tpu.memory_space<hbm>> -> memref<256xi32, #tpu.memory_space<hbm>>
        %dma_wait3A_97 = tpu.memref_slice %arg3[%add3A_95] : memref<802816xi32, #tpu.memory_space<hbm>> -> memref<256xi32, #tpu.memory_space<hbm>>
        tpu.wait_dma2 semaphore(%arg15 : memref<!tpu.dma_semaphore, #tpu.memory_space<semaphore_mem>>) src(%dma_wait3A_97 : memref<256xi32, #tpu.memory_space<hbm>>) dst(%arg6 : memref<256xi32, #tpu.memory_space<vmem>>)
        %dma_wait3A_98 = tpu.memref_slice %arg4[%add3A_95] : memref<802816xi32, #tpu.memory_space<hbm>> -> memref<256xi32, #tpu.memory_space<hbm>>
        %dma_wait3A_99 = tpu.memref_slice %arg4[%add3A_95] : memref<802816xi32, #tpu.memory_space<hbm>> -> memref<256xi32, #tpu.memory_space<hbm>>
        tpu.wait_dma2 semaphore(%arg15 : memref<!tpu.dma_semaphore, #tpu.memory_space<semaphore_mem>>) src(%dma_wait3A_99 : memref<256xi32, #tpu.memory_space<hbm>>) dst(%arg8 : memref<256xi32, #tpu.memory_space<vmem>>)
        %dma_start3A_100 = arith.constant 0 : i32
        %dma_start3A_101 = arith.constant 0 : i32
        %dma_start3A_102 = tpu.memref_slice %arg2[%arg0, %dma_start3A_100, %dma_start3A_101] : memref<2x50176x32xf32, #tpu.memory_space<hbm>> -> memref<1x50176x32xf32, #tpu.memory_space<hbm>>
        %dma_start3A_103 = tpu.memref_squeeze %dma_start3A_102 : memref<1x50176x32xf32, #tpu.memory_space<hbm>> -> memref<50176x32xf32, #tpu.memory_space<hbm>>
        %dma_start3A_104 = arith.constant 0 : i32
        %dma_start3A_105 = arith.constant 0 : i32
        %dma_start3A_106 = tpu.memref_slice %dma_start3A_103[%dma_start3A_104, %dma_start3A_105] : memref<50176x32xf32, #tpu.memory_space<hbm>> -> memref<50176x32xf32, #tpu.memory_space<hbm>>
        tpu.enqueue_indirect_dma source(%dma_start3A_106 : memref<50176x32xf32, #tpu.memory_space<hbm>>) target(%arg10 : memref<256x32xf32, #tpu.memory_space<vmem>>) offsets(%arg6 : memref<256xi32, #tpu.memory_space<vmem>>) semaphore(%arg13 : memref<!tpu.dma_semaphore, #tpu.memory_space<semaphore_mem>>)
      } else {
      }
      "tpu.region"() ({
        %run_scoped3A = tpu.sem_alloc : memref<!tpu.dma_semaphore, #tpu.memory_space<semaphore_mem>>
        %dma_start3A_91 = arith.constant 0 : i32
        %dma_start3A_92 = arith.constant 0 : i32
        %dma_start3A_93 = tpu.memref_slice %arg12[%dma_start3A_91, %dma_start3A_92] : memref<50176x32xf32, #tpu.memory_space<vmem_shared>> -> memref<50176x32xf32, #tpu.memory_space<vmem_shared>>
        tpu.enqueue_indirect_dma source(%arg11 : memref<256x32xf32, #tpu.memory_space<vmem>>) target(%dma_start3A_93 : memref<50176x32xf32, #tpu.memory_space<vmem_shared>>) offsets(%arg9 : memref<256xi32, #tpu.memory_space<vmem>>) semaphore(%run_scoped3A : memref<!tpu.dma_semaphore, #tpu.memory_space<semaphore_mem>>) {add = true}
        %dma_wait3A_94 = arith.constant 0 : i32
        %dma_wait3A_95 = arith.constant 0 : i32
        %dma_wait3A_96 = tpu.memref_slice %arg12[%dma_wait3A_94, %dma_wait3A_95] : memref<50176x32xf32, #tpu.memory_space<vmem_shared>> -> memref<50176x32xf32, #tpu.memory_space<vmem_shared>>
        tpu.wait_indirect_dma semaphore(%run_scoped3A : memref<!tpu.dma_semaphore, #tpu.memory_space<semaphore_mem>>) src(%arg11 : memref<256x32xf32, #tpu.memory_space<vmem>>) dst(%dma_wait3A_96 : memref<50176x32xf32, #tpu.memory_space<vmem_shared>>)
        tpu.yield
      }) : () -> ()
      %add3A_84 = arith.constant 3 : i32
      %add3A_85 = arith.addi %mul3A_42, %add3A_84 : i32
      %lt3A_86 = arith.constant 196 : i32
      %lt3A_87 = arith.cmpi slt, %add3A_85, %lt3A_86 : i32
      %convert_element_type3A_88 = arith.extui %lt3A_87 : i1 to i32
      %cond3A_89 = arith.constant 0 : i32
      %cond3A_90 = arith.cmpi ne, %convert_element_type3A_88, %cond3A_89 : i32
      scf.if %cond3A_90 {
        %add3A_91 = arith.constant 3 : i32
        %add3A_92 = arith.addi %mul3A_42, %add3A_91 : i32
        %mul3A_93 = arith.constant 256 : i32
        %mul3A_94 = arith.muli %add3A_92, %mul3A_93 : i32
        %add3A_95 = arith.addi %mul3A_0, %mul3A_94 : i32
        %dma_start3A_96 = tpu.memref_slice %arg3[%add3A_95] : memref<802816xi32, #tpu.memory_space<hbm>> -> memref<256xi32, #tpu.memory_space<hbm>>
        %dma_start3A_97 = tpu.memref_slice %arg3[%add3A_95] : memref<802816xi32, #tpu.memory_space<hbm>> -> memref<256xi32, #tpu.memory_space<hbm>>
        tpu.enqueue_dma source(%dma_start3A_97 : memref<256xi32, #tpu.memory_space<hbm>>) target(%arg7 : memref<256xi32, #tpu.memory_space<vmem>>) target_semaphore(%arg16 : memref<!tpu.dma_semaphore, #tpu.memory_space<semaphore_mem>>)
        %dma_start3A_98 = tpu.memref_slice %arg4[%add3A_95] : memref<802816xi32, #tpu.memory_space<hbm>> -> memref<256xi32, #tpu.memory_space<hbm>>
        %dma_start3A_99 = tpu.memref_slice %arg4[%add3A_95] : memref<802816xi32, #tpu.memory_space<hbm>> -> memref<256xi32, #tpu.memory_space<hbm>>
        tpu.enqueue_dma source(%dma_start3A_99 : memref<256xi32, #tpu.memory_space<hbm>>) target(%arg9 : memref<256xi32, #tpu.memory_space<vmem>>) target_semaphore(%arg16 : memref<!tpu.dma_semaphore, #tpu.memory_space<semaphore_mem>>)
      } else {
      }
    }
    %scan3A_30 = arith.constant 98 : i32
    %barrier3A_31 = arith.constant 0 : index
    tpu.barrier barrier_id(%barrier3A_31)
    %mul3A_32 = arith.constant 3136 : i32
    %mul3A_33 = arith.muli %arg1, %mul3A_32 : i32
    %mul3A_34 = arith.constant 3136 : i32
    %mul3A_35 = arith.muli %arg1, %mul3A_34 : i32
    "tpu.region"() ({
      %run_scoped3A = tpu.sem_alloc : memref<!tpu.dma_semaphore, #tpu.memory_space<semaphore_mem>>
      %dma_start3A_36 = arith.constant 0 : i32
      %dma_start3A_37 = tpu.memref_slice %arg5[%arg0, %mul3A_35, %dma_start3A_36] : memref<2x50176x32xf32, #tpu.memory_space<hbm>> -> memref<1x3136x32xf32, #tpu.memory_space<hbm>>
      %dma_start3A_38 = tpu.memref_squeeze %dma_start3A_37 : memref<1x3136x32xf32, #tpu.memory_space<hbm>> -> memref<3136x32xf32, #tpu.memory_space<hbm>>
      %dma_start3A_39 = arith.constant 0 : i32
      %dma_start3A_40 = tpu.memref_slice %arg12[%mul3A_33, %dma_start3A_39] : memref<50176x32xf32, #tpu.memory_space<vmem_shared>> -> memref<3136x32xf32, #tpu.memory_space<vmem_shared>>
      tpu.enqueue_dma source(%dma_start3A_40 : memref<3136x32xf32, #tpu.memory_space<vmem_shared>>) target(%dma_start3A_38 : memref<3136x32xf32, #tpu.memory_space<hbm>>) target_semaphore(%run_scoped3A : memref<!tpu.dma_semaphore, #tpu.memory_space<semaphore_mem>>)
      %dma_wait3A_41 = arith.constant 0 : i32
      %dma_wait3A_42 = tpu.memref_slice %arg5[%arg0, %mul3A_35, %dma_wait3A_41] : memref<2x50176x32xf32, #tpu.memory_space<hbm>> -> memref<1x3136x32xf32, #tpu.memory_space<hbm>>
      %dma_wait3A_43 = tpu.memref_squeeze %dma_wait3A_42 : memref<1x3136x32xf32, #tpu.memory_space<hbm>> -> memref<3136x32xf32, #tpu.memory_space<hbm>>
      %dma_wait3A_44 = arith.constant 0 : i32
      %dma_wait3A_45 = tpu.memref_slice %arg12[%mul3A_33, %dma_wait3A_44] : memref<50176x32xf32, #tpu.memory_space<vmem_shared>> -> memref<3136x32xf32, #tpu.memory_space<vmem_shared>>
      tpu.wait_dma2 semaphore(%run_scoped3A : memref<!tpu.dma_semaphore, #tpu.memory_space<semaphore_mem>>) src(%dma_wait3A_45 : memref<3136x32xf32, #tpu.memory_space<vmem_shared>>) dst(%dma_wait3A_43 : memref<3136x32xf32, #tpu.memory_space<hbm>>)
      tpu.yield
    }) : () -> ()
    return
  }
}

module attributes {stable_mosaic.version = 14 : i64} {
  func.func @_tc_prep_body(%arg0: i32, %arg1: memref<512x1xf32, #tpu.memory_space<vmem>>, %arg2: memref<512x1xf32, #tpu.memory_space<vmem>>, %arg3: memref<512x64xf32, #tpu.memory_space<vmem>>, %arg4: memref<64x64xf32, #tpu.memory_space<vmem>>, %arg5: memref<512x1xf32, #tpu.memory_space<vmem>>, %arg6: memref<2x512x32xf32, #tpu.memory_space<vmem>>) attributes {dimension_semantics = [#tpu.dimension_semantics<arbitrary>], iteration_bounds = array<i64: 98>, scalar_prefetch = 0 : i64, scratch_operands = 0 : i64, tpu.core_type = #tpu.core_type<tc>, window_params = [{transform_indices = @transform_0, window_bounds = array<i64: 512, 1>}, {transform_indices = @transform_1, window_bounds = array<i64: 512, 1>}, {transform_indices = @transform_2, window_bounds = array<i64: 512, 64>}, {pipeline_mode = #tpu.pipeline_mode<synchronous>, transform_indices = @transform_3, window_bounds = array<i64: 64, 64>}, {transform_indices = @transform_4, window_bounds = array<i64: 512, 1>}, {transform_indices = @transform_5, window_bounds = array<i64: 2, 512, 32>}]} {
    %get3A = arith.constant 0 : index
    %get3A_0 = arith.constant 0 : index
    %get3A_1 = vector.load %arg1[%get3A, %get3A_0] : memref<512x1xf32, #tpu.memory_space<vmem>>, vector<512x1xf32>
    %get3A_2 = arith.constant 0 : index
    %get3A_3 = arith.constant 0 : index
    %get3A_4 = vector.load %arg2[%get3A_2, %get3A_3] : memref<512x1xf32, #tpu.memory_space<vmem>>, vector<512x1xf32>
    %add3A = arith.addf %get3A_1, %get3A_4 : vector<512x1xf32>
    %add3A_5 = arith.constant 1.000000e+00 : f32
    %add3A_6 = vector.broadcast %add3A_5 : f32 to vector<512x1xf32>
    %add3A_7 = arith.addf %add3A, %add3A_6 : vector<512x1xf32>
    %rsqrt3A = math.rsqrt %add3A_7 : vector<512x1xf32>
    %swap3A = arith.constant 0 : index
    %swap3A_8 = arith.constant 0 : index
    %swap3A_9 = vector.load %arg5[%swap3A, %swap3A_8] : memref<512x1xf32, #tpu.memory_space<vmem>>, vector<512x1xf32>
    tpu.vector_store %arg5[%swap3A, %swap3A_8], %rsqrt3A {strides = array<i32>} : memref<512x1xf32, #tpu.memory_space<vmem>>, vector<512x1xf32>,
    %get3A_10 = arith.constant 0 : index
    %get3A_11 = arith.constant 0 : index
    %get3A_12 = vector.load %arg3[%get3A_10, %get3A_11] : memref<512x64xf32, #tpu.memory_space<vmem>>, vector<512x64xf32>
    %get3A_13 = arith.constant 0 : index
    %get3A_14 = arith.constant 0 : index
    %get3A_15 = vector.load %arg4[%get3A_13, %get3A_14] : memref<64x64xf32, #tpu.memory_space<vmem>>, vector<64x64xf32>
    %dot_general3A = arith.constant dense<0.000000e+00> : vector<512x64xf32>
    %dot_general3A_16 = tpu.matmul %get3A_12, %get3A_15, %dot_general3A {dimension_numbers = #tpu.dot_dimension_numbers<[1], [0], [0], [1], [0, 0, 1, 1], [], []>, transpose_lhs_hint = false} : vector<512x64xf32>, vector<64x64xf32>, vector<512x64xf32> -> vector<512x64xf32>
    %mul3A = vector.broadcast %rsqrt3A : vector<512x1xf32> to vector<512x64xf32>
    %mul3A_17 = arith.mulf %dot_general3A_16, %mul3A : vector<512x64xf32>
    %slice3A = vector.extract_strided_slice %mul3A_17 {offsets = [0, 0], sizes = [512, 32], strides = [1, 1]} : vector<512x64xf32> to vector<512x32xf32>
    %swap3A_18 = arith.constant 0 : index
    %swap3A_19 = arith.constant 0 : index
    %swap3A_20 = arith.constant 0 : index
    %swap3A_21 = vector.load %arg6[%swap3A_18, %swap3A_19, %swap3A_20] : memref<2x512x32xf32, #tpu.memory_space<vmem>>, vector<1x512x32xf32>
    %swap3A_22 = vector.shape_cast %swap3A_21 : vector<1x512x32xf32> to vector<512x32xf32>
    %swap3A_23 = vector.shape_cast %slice3A : vector<512x32xf32> to vector<1x512x32xf32>
    tpu.vector_store %arg6[%swap3A_18, %swap3A_19, %swap3A_20], %swap3A_23 {strides = array<i32>} : memref<2x512x32xf32, #tpu.memory_space<vmem>>, vector<1x512x32xf32>,
    %slice3A_24 = vector.extract_strided_slice %mul3A_17 {offsets = [0, 32], sizes = [512, 32], strides = [1, 1]} : vector<512x64xf32> to vector<512x32xf32>
    %swap3A_25 = arith.constant 1 : index
    %swap3A_26 = arith.constant 0 : index
    %swap3A_27 = arith.constant 0 : index
    %swap3A_28 = vector.load %arg6[%swap3A_25, %swap3A_26, %swap3A_27] : memref<2x512x32xf32, #tpu.memory_space<vmem>>, vector<1x512x32xf32>
    %swap3A_29 = vector.shape_cast %swap3A_28 : vector<1x512x32xf32> to vector<512x32xf32>
    %swap3A_30 = vector.shape_cast %slice3A_24 : vector<512x32xf32> to vector<1x512x32xf32>
    tpu.vector_store %arg6[%swap3A_25, %swap3A_26, %swap3A_27], %swap3A_30 {strides = array<i32>} : memref<2x512x32xf32, #tpu.memory_space<vmem>>, vector<1x512x32xf32>,
    return
  }
  func.func @transform_0(%arg0: i32) -> (i32, i32) {
    %c0_i32 = arith.constant 0 : i32
    %c0_i32_0 = arith.constant 0 : i32
    return %arg0, %c0_i32 : i32, i32
  }
  func.func @transform_1(%arg0: i32) -> (i32, i32) {
    %c0_i32 = arith.constant 0 : i32
    %c0_i32_0 = arith.constant 0 : i32
    return %arg0, %c0_i32 : i32, i32
  }
  func.func @transform_2(%arg0: i32) -> (i32, i32) {
    %c0_i32 = arith.constant 0 : i32
    %c0_i32_0 = arith.constant 0 : i32
    return %arg0, %c0_i32 : i32, i32
  }
  func.func @transform_3(%arg0: i32) -> (i32, i32) {
    %c0_i32 = arith.constant 0 : i32
    %c0_i32_0 = arith.constant 0 : i32
    %c0_i32_1 = arith.constant 0 : i32
    return %c0_i32, %c0_i32_0 : i32, i32
  }
  func.func @transform_4(%arg0: i32) -> (i32, i32) {
    %c0_i32 = arith.constant 0 : i32
    %c0_i32_0 = arith.constant 0 : i32
    return %arg0, %c0_i32 : i32, i32
  }
  func.func @transform_5(%arg0: i32) -> (i32, i32, i32) {
    %c0_i32 = arith.constant 0 : i32
    %c0_i32_0 = arith.constant 0 : i32
    %c0_i32_1 = arith.constant 0 : i32
    return %c0_i32, %arg0, %c0_i32_0 : i32, i32, i32
  }
}

module attributes {stable_mosaic.version = 14 : i64} {
  func.func @_tc_layer_body(%arg0: i32, %arg1: memref<2x512x32xf32, #tpu.memory_space<vmem>>, %arg2: memref<512x1xf32, #tpu.memory_space<vmem>>, %arg3: memref<64xf32, #tpu.memory_space<vmem>>, %arg4: memref<64x64xf32, #tpu.memory_space<vmem>>, %arg5: memref<2x512x32xf32, #tpu.memory_space<vmem>>) attributes {dimension_semantics = [#tpu.dimension_semantics<arbitrary>], iteration_bounds = array<i64: 98>, scalar_prefetch = 0 : i64, scratch_operands = 0 : i64, tpu.core_type = #tpu.core_type<tc>, window_params = [{transform_indices = @transform_0, window_bounds = array<i64: 2, 512, 32>}, {transform_indices = @transform_1, window_bounds = array<i64: 512, 1>}, {pipeline_mode = #tpu.pipeline_mode<synchronous>, transform_indices = @transform_2, window_bounds = array<i64: 64>}, {pipeline_mode = #tpu.pipeline_mode<synchronous>, transform_indices = @transform_3, window_bounds = array<i64: 64, 64>}, {transform_indices = @transform_4, window_bounds = array<i64: 2, 512, 32>}]} {
    %get3A = arith.constant 0 : index
    %get3A_0 = arith.constant 0 : index
    %get3A_1 = vector.load %arg2[%get3A, %get3A_0] : memref<512x1xf32, #tpu.memory_space<vmem>>, vector<512x1xf32>
    %get3A_2 = arith.constant 0 : index
    %get3A_3 = arith.constant 0 : index
    %get3A_4 = arith.constant 0 : index
    %get3A_5 = vector.load %arg1[%get3A_2, %get3A_3, %get3A_4] : memref<2x512x32xf32, #tpu.memory_space<vmem>>, vector<1x512x32xf32>
    %get3A_6 = vector.shape_cast %get3A_5 : vector<1x512x32xf32> to vector<512x32xf32>
    %get3A_7 = arith.constant 1 : index
    %get3A_8 = arith.constant 0 : index
    %get3A_9 = arith.constant 0 : index
    %get3A_10 = vector.load %arg1[%get3A_7, %get3A_8, %get3A_9] : memref<2x512x32xf32, #tpu.memory_space<vmem>>, vector<1x512x32xf32>
    %get3A_11 = vector.shape_cast %get3A_10 : vector<1x512x32xf32> to vector<512x32xf32>
    %concatenate3A = tpu.concatenate %get3A_6, %get3A_11 in 1 : vector<512x32xf32>, vector<512x32xf32> -> vector<512x64xf32>
    %mul3A = vector.broadcast %get3A_1 : vector<512x1xf32> to vector<512x64xf32>
    %mul3A_12 = arith.mulf %concatenate3A, %mul3A : vector<512x64xf32>
    %get3A_13 = arith.constant 0 : index
    %get3A_14 = vector.load %arg3[%get3A_13] : memref<64xf32, #tpu.memory_space<vmem>>, vector<64xf32>
    %broadcast_in_dim3A = vector.shape_cast %get3A_14 : vector<64xf32> to vector<1x64xf32>
    %add3A = vector.broadcast %broadcast_in_dim3A : vector<1x64xf32> to vector<512x64xf32>
    %add3A_15 = arith.addf %mul3A_12, %add3A : vector<512x64xf32>
    %max3A = arith.constant 0.000000e+00 : f32
    %max3A_16 = vector.broadcast %max3A : f32 to vector<512x64xf32>
    %max3A_17 = arith.maximumf %add3A_15, %max3A_16 : vector<512x64xf32>
    %get3A_18 = arith.constant 0 : index
    %get3A_19 = arith.constant 0 : index
    %get3A_20 = vector.load %arg4[%get3A_18, %get3A_19] : memref<64x64xf32, #tpu.memory_space<vmem>>, vector<64x64xf32>
    %dot_general3A = arith.constant dense<0.000000e+00> : vector<512x64xf32>
    %dot_general3A_21 = tpu.matmul %max3A_17, %get3A_20, %dot_general3A {dimension_numbers = #tpu.dot_dimension_numbers<[1], [0], [0], [1], [0, 0, 1, 1], [], []>, transpose_lhs_hint = false} : vector<512x64xf32>, vector<64x64xf32>, vector<512x64xf32> -> vector<512x64xf32>
    %mul3A_22 = vector.broadcast %get3A_1 : vector<512x1xf32> to vector<512x64xf32>
    %mul3A_23 = arith.mulf %dot_general3A_21, %mul3A_22 : vector<512x64xf32>
    %slice3A = vector.extract_strided_slice %mul3A_23 {offsets = [0, 0], sizes = [512, 32], strides = [1, 1]} : vector<512x64xf32> to vector<512x32xf32>
    %swap3A = arith.constant 0 : index
    %swap3A_24 = arith.constant 0 : index
    %swap3A_25 = arith.constant 0 : index
    %swap3A_26 = vector.load %arg5[%swap3A, %swap3A_24, %swap3A_25] : memref<2x512x32xf32, #tpu.memory_space<vmem>>, vector<1x512x32xf32>
    %swap3A_27 = vector.shape_cast %swap3A_26 : vector<1x512x32xf32> to vector<512x32xf32>
    %swap3A_28 = vector.shape_cast %slice3A : vector<512x32xf32> to vector<1x512x32xf32>
    tpu.vector_store %arg5[%swap3A, %swap3A_24, %swap3A_25], %swap3A_28 {strides = array<i32>} : memref<2x512x32xf32, #tpu.memory_space<vmem>>, vector<1x512x32xf32>,
    %slice3A_29 = vector.extract_strided_slice %mul3A_23 {offsets = [0, 32], sizes = [512, 32], strides = [1, 1]} : vector<512x64xf32> to vector<512x32xf32>
    %swap3A_30 = arith.constant 1 : index
    %swap3A_31 = arith.constant 0 : index
    %swap3A_32 = arith.constant 0 : index
    %swap3A_33 = vector.load %arg5[%swap3A_30, %swap3A_31, %swap3A_32] : memref<2x512x32xf32, #tpu.memory_space<vmem>>, vector<1x512x32xf32>
    %swap3A_34 = vector.shape_cast %swap3A_33 : vector<1x512x32xf32> to vector<512x32xf32>
    %swap3A_35 = vector.shape_cast %slice3A_29 : vector<512x32xf32> to vector<1x512x32xf32>
    tpu.vector_store %arg5[%swap3A_30, %swap3A_31, %swap3A_32], %swap3A_35 {strides = array<i32>} : memref<2x512x32xf32, #tpu.memory_space<vmem>>, vector<1x512x32xf32>,
    return
  }
  func.func @transform_0(%arg0: i32) -> (i32, i32, i32) {
    %c0_i32 = arith.constant 0 : i32
    %c0_i32_0 = arith.constant 0 : i32
    %c0_i32_1 = arith.constant 0 : i32
    return %c0_i32, %arg0, %c0_i32_0 : i32, i32, i32
  }
  func.func @transform_1(%arg0: i32) -> (i32, i32) {
    %c0_i32 = arith.constant 0 : i32
    %c0_i32_0 = arith.constant 0 : i32
    return %arg0, %c0_i32 : i32, i32
  }
  func.func @transform_2(%arg0: i32) -> i32 {
    %c0_i32 = arith.constant 0 : i32
    %c0_i32_0 = arith.constant 0 : i32
    return %c0_i32 : i32
  }
  func.func @transform_3(%arg0: i32) -> (i32, i32) {
    %c0_i32 = arith.constant 0 : i32
    %c0_i32_0 = arith.constant 0 : i32
    %c0_i32_1 = arith.constant 0 : i32
    return %c0_i32, %c0_i32_0 : i32, i32
  }
  func.func @transform_4(%arg0: i32) -> (i32, i32, i32) {
    %c0_i32 = arith.constant 0 : i32
    %c0_i32_0 = arith.constant 0 : i32
    %c0_i32_1 = arith.constant 0 : i32
    return %c0_i32, %arg0, %c0_i32_0 : i32, i32, i32
  }
}

module attributes {stable_mosaic.version = 14 : i64} {
  func.func @_tc_act_body(%arg0: i32, %arg1: memref<2x512x32xf32, #tpu.memory_space<vmem>>, %arg2: memref<512x1xf32, #tpu.memory_space<vmem>>, %arg3: memref<64xf32, #tpu.memory_space<vmem>>, %arg4: memref<2x512x32xf32, #tpu.memory_space<vmem>>) attributes {dimension_semantics = [#tpu.dimension_semantics<arbitrary>], iteration_bounds = array<i64: 98>, scalar_prefetch = 0 : i64, scratch_operands = 0 : i64, tpu.core_type = #tpu.core_type<tc>, window_params = [{transform_indices = @transform_0, window_bounds = array<i64: 2, 512, 32>}, {transform_indices = @transform_1, window_bounds = array<i64: 512, 1>}, {pipeline_mode = #tpu.pipeline_mode<synchronous>, transform_indices = @transform_2, window_bounds = array<i64: 64>}, {transform_indices = @transform_3, window_bounds = array<i64: 2, 512, 32>}]} {
    %get3A = arith.constant 0 : index
    %get3A_0 = arith.constant 0 : index
    %get3A_1 = arith.constant 0 : index
    %get3A_2 = vector.load %arg1[%get3A, %get3A_0, %get3A_1] : memref<2x512x32xf32, #tpu.memory_space<vmem>>, vector<1x512x32xf32>
    %get3A_3 = vector.shape_cast %get3A_2 : vector<1x512x32xf32> to vector<512x32xf32>
    %get3A_4 = arith.constant 1 : index
    %get3A_5 = arith.constant 0 : index
    %get3A_6 = arith.constant 0 : index
    %get3A_7 = vector.load %arg1[%get3A_4, %get3A_5, %get3A_6] : memref<2x512x32xf32, #tpu.memory_space<vmem>>, vector<1x512x32xf32>
    %get3A_8 = vector.shape_cast %get3A_7 : vector<1x512x32xf32> to vector<512x32xf32>
    %concatenate3A = tpu.concatenate %get3A_3, %get3A_8 in 1 : vector<512x32xf32>, vector<512x32xf32> -> vector<512x64xf32>
    %get3A_9 = arith.constant 0 : index
    %get3A_10 = arith.constant 0 : index
    %get3A_11 = vector.load %arg2[%get3A_9, %get3A_10] : memref<512x1xf32, #tpu.memory_space<vmem>>, vector<512x1xf32>
    %mul3A = vector.broadcast %get3A_11 : vector<512x1xf32> to vector<512x64xf32>
    %mul3A_12 = arith.mulf %concatenate3A, %mul3A : vector<512x64xf32>
    %get3A_13 = arith.constant 0 : index
    %get3A_14 = vector.load %arg3[%get3A_13] : memref<64xf32, #tpu.memory_space<vmem>>, vector<64xf32>
    %broadcast_in_dim3A = vector.shape_cast %get3A_14 : vector<64xf32> to vector<1x64xf32>
    %add3A = vector.broadcast %broadcast_in_dim3A : vector<1x64xf32> to vector<512x64xf32>
    %add3A_15 = arith.addf %mul3A_12, %add3A : vector<512x64xf32>
    %max3A = arith.constant 0.000000e+00 : f32
    %max3A_16 = vector.broadcast %max3A : f32 to vector<512x64xf32>
    %max3A_17 = arith.maximumf %add3A_15, %max3A_16 : vector<512x64xf32>
    %slice3A = vector.extract_strided_slice %max3A_17 {offsets = [0, 0], sizes = [512, 32], strides = [1, 1]} : vector<512x64xf32> to vector<512x32xf32>
    %swap3A = arith.constant 0 : index
    %swap3A_18 = arith.constant 0 : index
    %swap3A_19 = arith.constant 0 : index
    %swap3A_20 = vector.load %arg4[%swap3A, %swap3A_18, %swap3A_19] : memref<2x512x32xf32, #tpu.memory_space<vmem>>, vector<1x512x32xf32>
    %swap3A_21 = vector.shape_cast %swap3A_20 : vector<1x512x32xf32> to vector<512x32xf32>
    %swap3A_22 = vector.shape_cast %slice3A : vector<512x32xf32> to vector<1x512x32xf32>
    tpu.vector_store %arg4[%swap3A, %swap3A_18, %swap3A_19], %swap3A_22 {strides = array<i32>} : memref<2x512x32xf32, #tpu.memory_space<vmem>>, vector<1x512x32xf32>,
    %slice3A_23 = vector.extract_strided_slice %max3A_17 {offsets = [0, 32], sizes = [512, 32], strides = [1, 1]} : vector<512x64xf32> to vector<512x32xf32>
    %swap3A_24 = arith.constant 1 : index
    %swap3A_25 = arith.constant 0 : index
    %swap3A_26 = arith.constant 0 : index
    %swap3A_27 = vector.load %arg4[%swap3A_24, %swap3A_25, %swap3A_26] : memref<2x512x32xf32, #tpu.memory_space<vmem>>, vector<1x512x32xf32>
    %swap3A_28 = vector.shape_cast %swap3A_27 : vector<1x512x32xf32> to vector<512x32xf32>
    %swap3A_29 = vector.shape_cast %slice3A_23 : vector<512x32xf32> to vector<1x512x32xf32>
    tpu.vector_store %arg4[%swap3A_24, %swap3A_25, %swap3A_26], %swap3A_29 {strides = array<i32>} : memref<2x512x32xf32, #tpu.memory_space<vmem>>, vector<1x512x32xf32>,
    return
  }
  func.func @transform_0(%arg0: i32) -> (i32, i32, i32) {
    %c0_i32 = arith.constant 0 : i32
    %c0_i32_0 = arith.constant 0 : i32
    %c0_i32_1 = arith.constant 0 : i32
    return %c0_i32, %arg0, %c0_i32_0 : i32, i32, i32
  }
  func.func @transform_1(%arg0: i32) -> (i32, i32) {
    %c0_i32 = arith.constant 0 : i32
    %c0_i32_0 = arith.constant 0 : i32
    return %arg0, %c0_i32 : i32, i32
  }
  func.func @transform_2(%arg0: i32) -> i32 {
    %c0_i32 = arith.constant 0 : i32
    %c0_i32_0 = arith.constant 0 : i32
    return %c0_i32 : i32
  }
  func.func @transform_3(%arg0: i32) -> (i32, i32, i32) {
    %c0_i32 = arith.constant 0 : i32
    %c0_i32_0 = arith.constant 0 : i32
    %c0_i32_1 = arith.constant 0 : i32
    return %c0_i32, %arg0, %c0_i32_0 : i32, i32, i32
  }
}

module attributes {stable_mosaic.version = 14 : i64} {
  func.func @_tc_head_body(%arg0: i32, %arg1: memref<2x1000x32xf32, #tpu.memory_space<vmem>>, %arg2: memref<1000x1xf32, #tpu.memory_space<vmem>>, %arg3: memref<1000x1xf32, #tpu.memory_space<vmem>>, %arg4: memref<64x8xf32, #tpu.memory_space<vmem>>, %arg5: memref<8xf32, #tpu.memory_space<vmem>>, %arg6: memref<1000x8xf32, #tpu.memory_space<vmem>>) attributes {dimension_semantics = [#tpu.dimension_semantics<arbitrary>], iteration_bounds = array<i64: 7>, scalar_prefetch = 0 : i64, scratch_operands = 0 : i64, tpu.core_type = #tpu.core_type<tc>, window_params = [{transform_indices = @transform_0, window_bounds = array<i64: 2, 1000, 32>}, {transform_indices = @transform_1, window_bounds = array<i64: 1000, 1>}, {transform_indices = @transform_2, window_bounds = array<i64: 1000, 1>}, {pipeline_mode = #tpu.pipeline_mode<synchronous>, transform_indices = @transform_3, window_bounds = array<i64: 64, 8>}, {pipeline_mode = #tpu.pipeline_mode<synchronous>, transform_indices = @transform_4, window_bounds = array<i64: 8>}, {transform_indices = @transform_5, window_bounds = array<i64: 1000, 8>}]} {
    %get3A = arith.constant 0 : index
    %get3A_0 = arith.constant 0 : index
    %get3A_1 = vector.load %arg2[%get3A, %get3A_0] : memref<1000x1xf32, #tpu.memory_space<vmem>>, vector<1000x1xf32>
    %get3A_2 = arith.constant 0 : index
    %get3A_3 = arith.constant 0 : index
    %get3A_4 = vector.load %arg3[%get3A_2, %get3A_3] : memref<1000x1xf32, #tpu.memory_space<vmem>>, vector<1000x1xf32>
    %add3A = arith.addf %get3A_1, %get3A_4 : vector<1000x1xf32>
    %max3A = arith.constant 1.000000e+00 : f32
    %max3A_5 = vector.broadcast %max3A : f32 to vector<1000x1xf32>
    %max3A_6 = arith.maximumf %add3A, %max3A_5 : vector<1000x1xf32>
    %get3A_7 = arith.constant 0 : index
    %get3A_8 = arith.constant 0 : index
    %get3A_9 = arith.constant 0 : index
    %get3A_10 = vector.load %arg1[%get3A_7, %get3A_8, %get3A_9] : memref<2x1000x32xf32, #tpu.memory_space<vmem>>, vector<1x1000x32xf32>
    %get3A_11 = vector.shape_cast %get3A_10 : vector<1x1000x32xf32> to vector<1000x32xf32>
    %get3A_12 = arith.constant 1 : index
    %get3A_13 = arith.constant 0 : index
    %get3A_14 = arith.constant 0 : index
    %get3A_15 = vector.load %arg1[%get3A_12, %get3A_13, %get3A_14] : memref<2x1000x32xf32, #tpu.memory_space<vmem>>, vector<1x1000x32xf32>
    %get3A_16 = vector.shape_cast %get3A_15 : vector<1x1000x32xf32> to vector<1000x32xf32>
    %concatenate3A = tpu.concatenate %get3A_11, %get3A_16 in 1 : vector<1000x32xf32>, vector<1000x32xf32> -> vector<1000x64xf32>
    %div3A = vector.broadcast %max3A_6 : vector<1000x1xf32> to vector<1000x64xf32>
    %div3A_17 = arith.divf %concatenate3A, %div3A : vector<1000x64xf32>
    %get3A_18 = arith.constant 0 : index
    %get3A_19 = arith.constant 0 : index
    %get3A_20 = vector.load %arg4[%get3A_18, %get3A_19] : memref<64x8xf32, #tpu.memory_space<vmem>>, vector<64x8xf32>
    %dot_general3A = arith.constant dense<0.000000e+00> : vector<1000x8xf32>
    %dot_general3A_21 = tpu.matmul %div3A_17, %get3A_20, %dot_general3A {dimension_numbers = #tpu.dot_dimension_numbers<[1], [0], [0], [1], [0, 0, 1, 1], [], []>, transpose_lhs_hint = false} : vector<1000x64xf32>, vector<64x8xf32>, vector<1000x8xf32> -> vector<1000x8xf32>
    %get3A_22 = arith.constant 0 : index
    %get3A_23 = vector.load %arg5[%get3A_22] : memref<8xf32, #tpu.memory_space<vmem>>, vector<8xf32>
    %broadcast_in_dim3A = vector.shape_cast %get3A_23 : vector<8xf32> to vector<1x8xf32>
    %add3A_24 = vector.broadcast %broadcast_in_dim3A : vector<1x8xf32> to vector<1000x8xf32>
    %add3A_25 = arith.addf %dot_general3A_21, %add3A_24 : vector<1000x8xf32>
    %swap3A = arith.constant 0 : index
    %swap3A_26 = arith.constant 0 : index
    %swap3A_27 = vector.load %arg6[%swap3A, %swap3A_26] : memref<1000x8xf32, #tpu.memory_space<vmem>>, vector<1000x8xf32>
    tpu.vector_store %arg6[%swap3A, %swap3A_26], %add3A_25 {strides = array<i32>} : memref<1000x8xf32, #tpu.memory_space<vmem>>, vector<1000x8xf32>,
    return
  }
  func.func @transform_0(%arg0: i32) -> (i32, i32, i32) {
    %c0_i32 = arith.constant 0 : i32
    %c0_i32_0 = arith.constant 0 : i32
    %c0_i32_1 = arith.constant 0 : i32
    return %c0_i32, %arg0, %c0_i32_0 : i32, i32, i32
  }
  func.func @transform_1(%arg0: i32) -> (i32, i32) {
    %c0_i32 = arith.constant 0 : i32
    %c0_i32_0 = arith.constant 0 : i32
    return %arg0, %c0_i32 : i32, i32
  }
  func.func @transform_2(%arg0: i32) -> (i32, i32) {
    %c0_i32 = arith.constant 0 : i32
    %c0_i32_0 = arith.constant 0 : i32
    return %arg0, %c0_i32 : i32, i32
  }
  func.func @transform_3(%arg0: i32) -> (i32, i32) {
    %c0_i32 = arith.constant 0 : i32
    %c0_i32_0 = arith.constant 0 : i32
    %c0_i32_1 = arith.constant 0 : i32
    return %c0_i32, %c0_i32_0 : i32, i32
  }
  func.func @transform_4(%arg0: i32) -> i32 {
    %c0_i32 = arith.constant 0 : i32
    %c0_i32_0 = arith.constant 0 : i32
    return %c0_i32 : i32
  }
  func.func @transform_5(%arg0: i32) -> (i32, i32) {
    %c0_i32 = arith.constant 0 : i32
    %c0_i32_0 = arith.constant 0 : i32
    return %arg0, %c0_i32 : i32, i32
  }
}

</mosaic_0001>

<sc_bundles>
// kernel: kernel.10.cloned.1.call-start
scs
__scs_entry_jumppad:
0x0: {  	(pc) =	sbr.rel $0x88, $3  }
0x1: {  	(tag) =	ssettag $0x0;
	lr =	simm.s32 $0x1  }
0x2: {  	[smem:$0x3F97] =	sst lr;
	_ =	strace $0xD0000000  }
0x3: {  	_ = 	snop  }
0x4: {  	_ = 	snop  }
0x5: {  	_ = 	snop  }
0x6: {  	_ = 	snop  }
0x7: {  	_ = 	snop  }
__scs_overlays_trampoline_lowered:
0x8: {  	[smem:$0x3FA6] =	sst s0  }
0x9: {  	[smem:$0x3FA7] =	sst s1  }
0xa: {  	[smem:$0x3FA8] =	sst s2  }
0xb: {  	[smem:$0x3FA9] =	sst s3  }
0xc: {  	[smem:$0x3FAA] =	sst s4  }
0xd: {  	[smem:$0x3FAB] =	sst s5  }
0xe: {  	[smem:$0x3FAC] =	sst s6  }
0xf: {  	[smem:$0x3FAD] =	sst s7  }
0x10: {  	[smem:$0x3FAE] =	sst s8  }
0x11: {  	[smem:$0x3FAF] =	sst s9;
	s0 =	simm.s32 @!p0 $0x0  }
0x12: {  	s1 =	sld [smem:$0x3F95];
	s0 =	simm.s32 @p0 $0x1  }
0x13: {  	[smem:$0x3FB0] =	sst s0;
	s0 =	simm.s32 @!p1 $0x0  }
0x14: {  	s2 =	sld [smem:$0x3F94];
	s0 =	simm.s32 @p1 $0x1  }
0x15: {  	[smem:$0x3FB1] =	sst s0;
	s0 =	simm.s32 @!p2 $0x0  }
0x16: {  	s3 =	sld [smem:$0x3FDB];
	s0 =	simm.s32 @p2 $0x1  }
0x17: {  	s4 =	simm.s32 $0x1BF5;
	[smem:$0x3FB3] =	sst s0  }
0x18: {  	s0 =	sld [smem:$0x3F96];
	_ =	swait.ge [sflag:s4], $0x0  }
0x19: {  	s7 =	sld [smem:$0x3F97]  }
0x1a: {  	s8 =	sadd.s32 $0xFFFFE003, lr  }
0x1b: {  	s9 =	sadd.s32 $0xFFFFFEF7, lr;
	s5 =	simm.s32 $0xFFFFFFFF;
	p2 =	slt.u32 s8, $0xFFFFF086  }
0x1c: {  	p1 =	slt.u32 s9, $0xF7A;
	s5 =	simm.s32 @!p2 $0x0  }
0x1d: {  	s5 =	simm.s32 @p1 $0x1;
	p0 =	seq.s32 s7, s2  }
0x1e: {  	s7 =	smul.u32 @!p0 $0xF7A, s2;
	p2 =	seq.s32 @!p0 s5, $0x0  }
0x1f: {  	s9 =	smul.u32 $0xF7A, s1;
	s8 =	simm.s32 @!p0 $0x1BF5;
	p2 =	por !p2, p0  }
0x20: {  	[sflag:s8] =	ssyncset.s32 @!p0 $0xFFFFF086;
	s6 =	sadd.s32 @!p0 s3, s7;
	s7 =	simm.s32 @!p0 $0x108  }
0x21: {  	s3 =	sadd.s32 s3, s9;
	s6 =	sadd.s32 @!p0 $0x88, s6;
	s7 =	simm.s32 @p2 $0x1082  }
0x22: {  	[simem:s7], [sflag:s8] =	dma.local @!p0 [hbm:s6], $0xF7A  }
0x23: {  	s9 =	sor.u32 $0xD0000000, s2;
	s6 =	simm.s32 $0x108;
	_ =	swait.ge @!p0 [sflag:s8], $0x0  }
0x24: {  	s3 =	sadd.s32 $0x88, s3;
	s6 =	simm.s32 @!p1 $0x1082;
	[sflag:s4] =	ssyncset.s32 $0xFFFFF086  }
0x25: {  	[simem:s6], [sflag:s4] =	dma.local [hbm:s3], $0xF7A  }
0x26: {  	[smem:$0x3F97] =	sst s1;
	(tag) =	ssettag s2;
	_ =	strace s9  }
0x27: {  	s1 =	sld [smem:$0x3FA7]  }
0x28: {  	s2 =	sld [smem:$0x3FA8]  }
0x29: {  	s4 =	sld [smem:$0x3FAA]  }
0x2a: {  	p0 =	seq.s32 s5, $0x0;
	s5 =	sld [smem:$0x3FAB]  }
0x2b: {  	s6 =	sld [smem:$0x3FAC]  }
0x2c: {  	s7 =	sld [smem:$0x3FAD]  }
0x2d: {  	s3 =	simm.s32 $0x108;
	s8 =	sld [smem:$0x3FAE]  }
0x2e: {  	s3 =	simm.s32 @!p0 $0x1082;
	s9 =	sld [smem:$0x3FAF]  }
0x2f: {  	lr =	sadd.s32 s0, s3;
	s0 =	sld [smem:$0x3FA6]  }
0x30: {  	s3 =	sld [smem:$0x3FA9]  }
0x31: {  	[smem:$0x3FB2] =	sst s10  }
0x32: {  	s10 =	sld [smem:$0x3FB0];
	_ =	sdelay $0x3  }
0x33: {  	p0 =	seq.s32 s10, $0x1;
	s10 =	sld [smem:$0x3FB2];
	_ =	sdelay $0x3  }
0x34: {  	[smem:$0x3FB2] =	sst s10  }
0x35: {  	s10 =	sld [smem:$0x3FB1];
	_ =	sdelay $0x3  }
0x36: {  	p1 =	seq.s32 s10, $0x1;
	s10 =	sld [smem:$0x3FB2];
	_ =	sdelay $0x3  }
0x37: {  	[smem:$0x3FB2] =	sst s10  }
0x38: {  	s10 =	sld [smem:$0x3FB3]  }
0x39: {  	_ = 	snop;
	(pc) =	sbr.ind lr, $3  }
0x3a: {  	_ = 	snop  }
0x3b: {  	_ = 	snop  }
0x3c: {  	p2 =	seq.s32 s10, $0x1;
	s10 =	sld [smem:$0x3FB2]  }
0x3d: {  	_ =	shalt  }
0x3e: {  	_ =	shalt  }
0x3f: {  	_ =	shalt  }
0x40: {  	_ =	shalt  }
0x41: {  	_ =	shalt  }
0x42: {  	_ =	shalt  }
0x43: {  	_ =	shalt  }
0x44: {  	_ =	shalt  }
0x45: {  	_ =	shalt  }
0x46: {  	_ =	shalt  }
0x47: {  	_ =	shalt  }
0x48: {  	_ =	shalt  }
0x49: {  	_ =	shalt  }
0x4a: {  	_ =	shalt  }
0x4b: {  	_ =	shalt  }
0x4c: {  	_ =	shalt  }
0x4d: {  	_ =	shalt  }
0x4e: {  	_ =	shalt  }
0x4f: {  	_ =	shalt  }
0x50: {  	_ =	shalt  }
0x51: {  	_ =	shalt  }
0x52: {  	_ =	shalt  }
0x53: {  	_ =	shalt  }
0x54: {  	_ =	shalt  }
0x55: {  	_ =	shalt  }
0x56: {  	_ =	shalt  }
0x57: {  	_ =	shalt  }
0x58: {  	_ =	shalt  }
0x59: {  	_ =	shalt  }
0x5a: {  	_ =	shalt  }
0x5b: {  	_ =	shalt  }
0x5c: {  	_ =	shalt  }
0x5d: {  	_ =	shalt  }
0x5e: {  	_ =	shalt  }
0x5f: {  	_ =	shalt  }
0x60: {  	_ =	shalt  }
0x61: {  	_ =	shalt  }
0x62: {  	_ =	shalt  }
0x63: {  	_ =	shalt  }
0x64: {  	_ =	shalt  }
0x65: {  	_ =	shalt  }
0x66: {  	_ =	shalt  }
0x67: {  	_ =	shalt  }
0x68: {  	_ =	shalt  }
0x69: {  	_ =	shalt  }
0x6a: {  	_ =	shalt  }
0x6b: {  	_ =	shalt  }
0x6c: {  	_ =	shalt  }
0x6d: {  	_ =	shalt  }
0x6e: {  	_ =	shalt  }
0x6f: {  	_ =	shalt  }
0x70: {  	_ =	shalt  }
0x71: {  	_ =	shalt  }
0x72: {  	_ =	shalt  }
0x73: {  	_ =	shalt  }
0x74: {  	_ =	shalt  }
0x75: {  	_ =	shalt  }
0x76: {  	_ =	shalt  }
0x77: {  	_ =	shalt  }
0x78: {  	_ =	shalt  }
0x79: {  	_ =	shalt  }
0x7a: {  	_ =	shalt  }
0x7b: {  	_ =	shalt  }
0x7c: {  	_ =	shalt  }
0x7d: {  	_ =	shalt  }
0x7e: {  	_ =	shalt  }
0x7f: {  	_ =	shalt  }
0x80: {  	_ =	shalt  }
0x81: {  	_ =	shalt  }
0x82: {  	_ =	shalt  }
0x83: {  	_ =	shalt  }
0x84: {  	_ =	shalt  }
0x85: {  	_ =	shalt  }
0x86: {  	_ =	shalt  }
0x87: {  	_ =	shalt  }
.Lfunc_end0:
.L_simem_size_0:
called_computation_lowered:
.L_overlay_start_0:
0x88: {  	s2 =	sld [smem:$0x3FD9]  }
0x89: {  	s3 =	sld [smem:$0x3FFE];
	_ =	sdelay $0x1  }
0x8a: {  	s1 =	srdreg.scid  }
0x8b: {  	s0 =	sand.u32 $0x1, s1  }
0x8c: {  	s17 =	sshll.u32 s0, $0xA;
	s2 =	sadd.s32 s3, s2  }
0x8d: {  	s2 =	sadd.s32 s2, s17  }
0x8e: {  	[smem:$0x3FBE] =	sst s2  }
0x8f: {  	_ = 	snop  }
0x90: {  	s2 =	sld [smem:$0x3FD0];
	(tm) =	ssettm $0x1  }
0x91: {  	s18 =	sld [smem:$0x3FFB];
	_ =	sdelay $0x3  }
0x92: {  	_ =	strace s18  }
0x93: {  	s3 =	sld [smem:$0x3FFC];
	_ =	sdelay $0x3  }
0x94: {  	_ =	strace s3  }
0x95: {  	s3 =	sld [smem:$0x3FFD];
	_ =	sdelay $0x3  }
0x96: {  	_ =	strace s3  }
0x97: {  	_ =	strace $0x8FFFFFFF  }
0x98: {  	s19 =	sld [smem:$0x3FDB];
	_ =	sdelay $0x1  }
0x99: {  	s4 =	simm.s32 $_scs_section_size  }
0x9a: {  	s5 =	simm.s32 $_size__tile_overlayer_lowered;
	s6 =	simm.s32 $_tile_overlayer_lowered  }
0x9b: {  	s22 =	simm.s32 $0x1BFF;
	s21 =	sshll.u32 s6, $0x1;
	s3 =	sadd.s32 s4, s19  }
0x9c: {  	s7 =	simm.s32 $0x0;
	s20 =	sshll.u32 s5, $0x1;
	s5 =	sadd.s32 s21, s3  }
0x9d: {  	[timem:s7], [sflag:s22] =	dma.local [hbm:s5], s20  }
0x9e: {  	_ =	swait.ge [sflag:s22], s20  }
0x9f: {  	s4 =	ssub.s32 $0x0, s20;
	[sflag:s22] =	ssyncset.done $0x0  }
0xa0: {  	[sflag:s22] =	ssyncadd.s32 s4;
	_ =	sdelay $0x1  }
0xa1: {  	s23 =	simm.s32 $0x1B8B  }
0xa2: {  	_ =	swait.ge [sflag:s23], $0x1  }
0xa3: {  	[sflag:s23] =	ssyncset.done $0x0  }
0xa4: {  	s25 =	simm.s32 $0x1B8E;
	s24 =	sld [smem:$0x3FFE];
	[sflag:s23] =	ssyncadd.s32 $0xFFFFFFFF  }
0xa5: {  	s26 =	simm.s32 $execute0_lowered;
	[smem:$0x3FD2] =	sst s25  }
0xa6: {  	s5 =	sshll.u32 s26, $0x1;
	_ =	strace $0x80000046;
	[dreg:$0x1] =	wrdreg $0xFFFFFFFF  }
0xa7: {  	s28 =	simm.s32 $_size_execute0_lowered;
	s3 =	sadd.s32 s3, s5;
	[dreg:$0x0] =	wrdreg $0x0  }
0xa8: {  	s5 =	sshll.u32 s28, $0x1;
	[dreg:$0x2] =	wrdreg s3  }
0xa9: {  	[dreg:$0x3] =	wrdreg s5  }
0xaa: {  	[dreg:$0x4] =	wrdreg $0xC0  }
0xab: {  	_ =	task [dreg:s7], $0x5FFFF  }
0xac: {  	[dreg:$0x1] =	wrdreg $0xFFFFFFFF  }
0xad: {  	[dreg:$0x0] =	wrdreg $0x60  }
0xae: {  	[dreg:$0x2] =	wrdreg s24  }
0xaf: {  	[dreg:$0x3] =	wrdreg s2  }
0xb0: {  	[dreg:$0x4] =	wrdreg $0x2E000  }
0xb1: {  	[dreg:$0x5] =	wrdreg $0x3A400  }
0xb2: {  	[dreg:$0x6] =	wrdreg $0x9  }
0xb3: {  	_ =	task.clear_ibuf [dreg:s7], $0x7FFFF;
	_ =	strace $0x90000046  }
0xb4: {  	s29 =	simm.s32 $0x9;
	_ =	strace $0x80000048  }
0xb5: {  	_ =	swait.ge [sflag:s29], $0x1  }
0xb6: {  	[sflag:s29] =	ssyncadd.s32 $0xFFFFFFFF  }
0xb7: {  	_ =	strace $0x90000048  }
0xb8: {  	_ =	sfence  }
0xb9: {  	s30 =	sld [smem:$0x0];
	_ =	sdelay $0x2  }
0xba: {  	s31 =	sshll.u32 s1, $0xD;
	s1 =	sshrl.u32 s1, $0x2  }
0xbb: {  	s3 =	sand.u32 $0x4000, s31;
	s1 =	sadd.s32 s1, s30  }
0xbc: {  	s0 =	sor.u32 s3, s0;
	s1 =	sshll.u32 s1, $0x11  }
0xbd: {  	s0 =	sor.u32 s1, s0  }
0xbe: {  	s0 =	sadd.s32 $0x8F2B, s0  }
0xbf: {  	[sflag:s0] =	ssyncadd.remote.s32 $0x1  }
0xc0: {  	_ =	sfence.sel $0xFFFF  }
0xc1: {  	[dreg:$0x0] =	wrdreg $0xFFFFFFFF;
	(pc) =	sbr.abs _section_cstart, $3  }
0xc2: {  	[dreg:$0x1] =	wrdreg $0xFFFFFFFF  }
0xc3: {  	_ =	task.clear_ibuf [dreg:s7], $0x2FFFF;
	_ =	strace $0x9FFFFFFF  }
0xc4: {  	(tm) =	ssettm $0x7FFFFFFF  }
0xc5: {  	_ =	shalt  }
tec
execute0_lowered:
.L_overlay_start_1:
0x0: {  	(tag) =	ssettag $0x1  }
0x1: {  	s6 =	rddreg [dreg:$0x0]  }
0x2: {  	s15 =	rddreg [dreg:$0x1];
	s0 =	stileid.u32  }
0x3: {  	s1 =	srdreg.scid;
	s7 =	smul.u32 $0xC40, s0  }
0x4: {  	s2 =	rddreg [dreg:$0x2];
	s9 =	smul.u32 $0x1C0, s0  }
0x5: {  	s3 =	rddreg [dreg:$0x3];
	s4 =	simm.s32 $0x0;
	s13 =	smul.u32 $0x620, s0  }
0x6: {  	s21 =	simm.s32 $0x100;
	s12 =	sand.u32 $0x1, s1;
	s31 =	smul.u32 $0x3100, s0  }
0x7: {  	s22 =	simm.s32 $0x20;
	[smem:$0x7FF] =	sst s4;
	s5 =	smul.u32 $0xC400, s12  }
0x8: {  	s17 =	sadd.s32 $0x2EA00, s6;
	s20 =	sadd.s32 $0x33600, s6;
	s10 =	smul.u32 $0x1C00, s12  }
0x9: {  	_ =	strace $0x80000047;
	s11 =	smul.u32 $0x6200, s12;
	s24 =	ssub.s32 $0x2, s12  }
0xa: {  	s30 =	smul.u32 $0x31000, s12;
	s25 =	sshrl.u32 s24, $0x1;
	s8 =	sadd.s32 s7, s5  }
0xb: {  	s5 =	sadd.s32 $0x2800, s6;
	s10 =	sadd.s32 s9, s10;
	s19 =	sadd.s32 s13, s11  }
0xc: {  	s26 =	ssub.s32 s24, s25;
	s24 =	simm.s32 $0x1C0;
	s25 =	simm.s32 $0x1A0  }
0xd: {  	s14 =	sadd.s32 s8, s6;
	s8 =	sshrl.u32 s8, $0x3;
	s23 =	sshrl.u32 s10, $0x3  }
0xe: {  	s28 =	sadd.s32 $0x600, s19;
	s13 =	smax.u32 s26, $0x1;
	s19 =	sshrl.u32 s19, $0x3  }
0xf: {  	s26 =	simm.s32 $0x0;
	s16 =	sadd.s32 s8, s6;
	s18 =	sadd.s32 s23, s6  }
0x10: {  	s6 =	sadd.s32 s7, s2;
	s7 =	sadd.s32 s9, s3;
	s29 =	sshrl.u32 s28, $0x3  }
0x11: {  	s10 =	sshll.u32 s28, $0x3;
	s14 =	sadd.s32 $0x16200, s14;
	s23 =	simm.s32 $0x120  }
0x12: {  	s8 =	sadd.s32 s15, s29;
	s9 =	sadd.s32 s17, s29;
	s10 =	sadd.s32 s20, s10  }
0x13: {  	s11 =	sadd.s32 $0x30400, s16;
	s12 =	sadd.s32 $0x95600, s18;
	s16 =	sadd.s32 s30, s20  }
0x14: {  	s15 =	sadd.s32 s19, s15;
	s17 =	sadd.s32 s19, s17;
	s18 =	simm.s32 $0x21C0  }
0x15: {  	v0 =	vimm.f32 $1.000000000e+00;
	v1 =	vimm.f32 $0.0e+00;
	s19 =	simm.s32 $0x1;
	s20 =	simm.s32 $0x80;
	s16 =	sadd.s32 s31, s16  }
.LBB2_1:
0x16: {  	[tilespmem:$0x0] =	vst v0  }
0x17: {  	[tilespmem:$0x10] =	vst v0  }
0x18: {  	[tilespmem:$0x20] =	vst v0  }
0x19: {  	[tilespmem:$0x30] =	vst v0  }
0x1a: {  	[tilespmem:$0x40] =	vst v0  }
0x1b: {  	[tilespmem:$0x50] =	vst v0  }
0x1c: {  	[tilespmem:$0x60] =	vst v0  }
0x1d: {  	[tilespmem:$0x70] =	vst v0;
	s28 =	simm.s32 $0x40;
	s29 =	simm.s32 $0x0  }
.LBB2_2:
0x1e: {  	p0 =	sne.s32 s28, $0x30C0;
	[tilespmem:s29+$0x21C0] =	vst v1;
	s29 =	smov.u32 s28;
	s28 =	sadd.s32 $0x40, s28  }
.Ltmp0:
0x1f: {  	(pc) =	sbr.rel @p0 .LBB2_2-.Ltmp0, $2  }
0x20: {  	_ =	sdelay $0x2  }
0x21: {  	s29 =	sshra.s32 s29, $0x2  }
0x22: {  	[tilespmem:s29+$0x21C0] =	vst v1  }
0x23: {  	[spmem:s6] =	stream.linear.scatter [tilespmem:s18], [sflag:$0x1], $0xC40, $0x38;
	[tilespmem:$0x3C00] =	vst v63  }
0x24: {  	_ =	swait.ge [sflag:s19], $0xC40  }
0x25: {  	[sflag:s19] =	ssyncset.done $0x0  }
0x26: {  	[sflag:s19] =	ssyncadd.s32 $0xFFFFF3C0  }
0x27: {  	[spmem:s7] =	stream.linear.scatter [tilespmem:s18], [sflag:$0x1], $0x1C0, $0x38;
	[tilespmem:$0x3C00] =	vst v63  }
0x28: {  	_ =	swait.ge [sflag:s19], $0x1C0  }
0x29: {  	[sflag:s19] =	ssyncset.done $0x0  }
0x2a: {  	[sflag:s19] =	ssyncadd.s32 $0xFFFFFE40  }
0x2b: {  	s29 =	simm.s32 $0x0;
	s28 =	sadd.s32 $0x0, s14;
	[bflag:$0x0] =	sbarrier.arrive $0xFFFF  }
0x2c: {  	[tilespmem:s20], [sflag:$0x1] =	stream.linear.gather [hbm4b:s28+s29], $0x80, $0x38;
	[tilespmem:$0x3C00] =	vst v63  }
0x2d: {  	_ =	swait.ge [sflag:s19], $0x80  }
0x2e: {  	[sflag:s19] =	ssyncset.done $0x0  }
0x2f: {  	[sflag:s19] =	ssyncadd.s32 $0xFFFFFF80  }
0x30: {  	[spmem:s2] =	stream.indirect.scatter.add.f32 [tilespmem:s29], [sflag:$0x1], $0x1, s20, s20, $0xb8;
	[tilespmem:$0x3C00] =	vst v63  }
0x31: {  	s31 =	simm.s32 $0x20;
	_ =	swait.ge [sflag:s19], $0x80  }
0x32: {  	s30 =	simm.s32 $0x10;
	s28 =	simm.s32 $0x10;
	[sflag:s19] =	ssyncset.done $0x0  }
.LBB2_4:
0x33: {  	s1 =	sadd.s32 s30, s14  }
0x34: {  	[sflag:s19] =	ssyncadd.s32 $0xFFFFFF80;
	s30 =	smov.u32 s31;
	s0 =	sadd.s32 $0x10, s31  }
0x35: {  	[tilespmem:s20], [sflag:$0x1] =	stream.linear.gather [hbm4b:s1+s29], $0x80, $0x38;
	[tilespmem:$0x3C00] =	vst v63  }
0x36: {  	p0 =	sne.s32 s31, $0xC30;
	_ =	swait.ge [sflag:s19], $0x80  }
.Ltmp1:
0x37: {  	[sflag:s19] =	ssyncset.done $0x0;
	(pc) =	sbr.rel @p0 .LBB2_4-.Ltmp1, $4  }
0x38: {  	[sflag:s19] =	ssyncadd.s32 $0xFFFFFF80  }
0x39: {  	[spmem:s2] =	stream.indirect.scatter.add.f32 [tilespmem:s29], [sflag:$0x1], $0x1, s20, s20, $0xb8;
	[tilespmem:$0x3C00] =	vst v63  }
0x3a: {  	_ =	swait.ge [sflag:s19], $0x80  }
0x3b: {  	s31 =	smov.u32 s0;
	[sflag:s19] =	ssyncset.done $0x0  }
0x3c: {  	s0 =	sadd.s32 s30, s14;
	[sflag:s19] =	ssyncadd.s32 $0xFFFFFF80  }
0x3d: {  	[tilespmem:s20], [sflag:$0x1] =	stream.linear.gather [hbm4b:s0+s29], $0x80, $0x38;
	[tilespmem:$0x3C00] =	vst v63  }
0x3e: {  	_ =	swait.ge [sflag:s19], $0x80  }
0x3f: {  	[sflag:s19] =	ssyncset.done $0x0  }
0x40: {  	[sflag:s19] =	ssyncadd.s32 $0xFFFFFF80  }
0x41: {  	[spmem:s2] =	stream.indirect.scatter.add.f32 [tilespmem:s29], [sflag:$0x1], $0x1, s20, s20, $0xb8;
	[tilespmem:$0x3C00] =	vst v63  }
0x42: {  	_ =	swait.ge [sflag:s19], $0x80  }
0x43: {  	[sflag:s19] =	ssyncset.done $0x0  }
0x44: {  	s31 =	sadd.s32 $0x0, s15;
	[sflag:s19] =	ssyncadd.s32 $0xFFFFFF80  }
0x45: {  	[tilespmem:s20], [sflag:$0x1] =	stream.linear.gather [hbm4b:s31+s4], $0x80, $0x38;
	[tilespmem:$0x3C00] =	vst v63  }
0x46: {  	_ =	swait.ge [sflag:s19], $0x80  }
0x47: {  	[sflag:s19] =	ssyncset.done $0x0  }
0x48: {  	[sflag:s19] =	ssyncadd.s32 $0xFFFFFF80  }
0x49: {  	[spmem:s3] =	stream.indirect.scatter.add.f32 [tilespmem:s4], [sflag:$0x1], $0x1, s20, s20, $0xb8;
	[tilespmem:$0x3C00] =	vst v63  }
0x4a: {  	_ =	swait.ge [sflag:s19], $0x80  }
0x4b: {  	s29 =	simm.s32 $0x20;
	[sflag:s19] =	ssyncset.done $0x0  }
.LBB2_6:
0x4c: {  	s0 =	sadd.s32 s28, s15  }
0x4d: {  	[sflag:s19] =	ssyncadd.s32 $0xFFFFFF80;
	s28 =	smov.u32 s29;
	s1 =	sadd.s32 $0x10, s29  }
0x4e: {  	[tilespmem:s20], [sflag:$0x1] =	stream.linear.gather [hbm4b:s0+s4], $0x80, $0x38;
	[tilespmem:$0x3C00] =	vst v63  }
0x4f: {  	p0 =	sne.s32 s29, $0xB0;
	_ =	swait.ge [sflag:s19], $0x80  }
.Ltmp2:
0x50: {  	[sflag:s19] =	ssyncset.done $0x0;
	(pc) =	sbr.rel @p0 .LBB2_6-.Ltmp2, $4  }
0x51: {  	[sflag:s19] =	ssyncadd.s32 $0xFFFFFF80  }
0x52: {  	[spmem:s3] =	stream.indirect.scatter.add.f32 [tilespmem:s4], [sflag:$0x1], $0x1, s20, s20, $0xb8;
	[tilespmem:$0x3C00] =	vst v63  }
0x53: {  	_ =	swait.ge [sflag:s19], $0x80  }
0x54: {  	s29 =	smov.u32 s1;
	[sflag:s19] =	ssyncset.done $0x0  }
0x55: {  	s0 =	sadd.s32 s28, s15;
	[sflag:s19] =	ssyncadd.s32 $0xFFFFFF80  }
0x56: {  	[tilespmem:s20], [sflag:$0x1] =	stream.linear.gather [hbm4b:s0+s4], $0x80, $0x38;
	[tilespmem:$0x3C00] =	vst v63  }
0x57: {  	_ =	swait.ge [sflag:s19], $0x80  }
0x58: {  	[sflag:s19] =	ssyncset.done $0x0  }
0x59: {  	[sflag:s19] =	ssyncadd.s32 $0xFFFFFF80  }
0x5a: {  	[spmem:s3] =	stream.indirect.scatter.add.f32 [tilespmem:s4], [sflag:$0x1], $0x1, s20, s20, $0xb8;
	[tilespmem:$0x3C00] =	vst v63  }
0x5b: {  	_ =	swait.ge [sflag:s19], $0x80  }
0x5c: {  	[sflag:s19] =	ssyncset.done $0x0  }
0x5d: {  	s1 =	simm.s32 $0x0;
	[sflag:s19] =	ssyncadd.s32 $0xFFFFFF80  }
0x5e: {  	[tilespmem:s21], [sflag:$0x1] =	stream.linear.gather [hbm4b:s8+s1], $0x20, $0x38;
	[tilespmem:$0x3C00] =	vst v63  }
0x5f: {  	_ =	swait.ge [sflag:s19], $0x20  }
0x60: {  	[sflag:s19] =	ssyncset.done $0x0  }
0x61: {  	[sflag:s19] =	ssyncadd.s32 $0xFFFFFFE0  }
0x62: {  	[spmem:s3] =	stream.indirect.scatter.add.f32 [tilespmem:s1], [sflag:$0x1], $0x1, s21, s22, $0xb8;
	[tilespmem:$0x3C00] =	vst v63  }
0x63: {  	_ =	swait.ge [sflag:s19], $0x20  }
0x64: {  	[sflag:s19] =	ssyncset.done $0x0  }
0x65: {  	s31 =	sadd.s32 $0x0, s17;
	[sflag:s19] =	ssyncadd.s32 $0xFFFFFFE0  }
0x66: {  	[tilespmem:s23], [sflag:$0x1] =	stream.linear.gather [hbm4b:s31+s4], $0x80, $0x38;
	[tilespmem:$0x3C00] =	vst v63  }
0x67: {  	_ =	swait.ge [sflag:s19], $0x80  }
0x68: {  	[sflag:s19] =	ssyncset.done $0x0  }
0x69: {  	[sflag:s19] =	ssyncadd.s32 $0xFFFFFF80  }
0x6a: {  	[tilespmem:s24], [sflag:$0x1] =	stream.indirect.gather [hbm4b:s5+s20], $0x40, s23, s20, $0xb8;
	[tilespmem:$0x3C00] =	vst v63  }
0x6b: {  	_ =	swait.ge [sflag:s19], $0x2000  }
0x6c: {  	[sflag:s19] =	ssyncset.done $0x0  }
0x6d: {  	[sflag:s19] =	ssyncadd.s32 $0xFFFFE000  }
0x6e: {  	[hbm4b:s16+s4] =	stream.linear.scatter [tilespmem:s24], [sflag:$0x1], $0x2000, $0x38;
	[tilespmem:$0x3C00] =	vst v63  }
0x6f: {  	s29 =	simm.s32 $0x10;
	_ =	swait.ge [sflag:s19], $0x2000  }
0x70: {  	s30 =	simm.s32 $0x20;
	s28 =	sadd.s32 $0x400, s16;
	[sflag:s19] =	ssyncset.done $0x0  }
.LBB2_8:
0x71: {  	s0 =	sadd.s32 s29, s17  }
0x72: {  	[sflag:s19] =	ssyncadd.s32 $0xFFFFE000;
	s29 =	smov.u32 s30;
	s1 =	sadd.s32 $0x10, s30  }
0x73: {  	[tilespmem:s23], [sflag:$0x1] =	stream.linear.gather [hbm4b:s0+s4], $0x80, $0x38;
	[tilespmem:$0x3C00] =	vst v63  }
0x74: {  	p0 =	sne.s32 s30, $0xB0;
	_ =	swait.ge [sflag:s19], $0x80  }
0x75: {  	[sflag:s19] =	ssyncset.done $0x0  }
0x76: {  	[sflag:s19] =	ssyncadd.s32 $0xFFFFFF80  }
0x77: {  	[tilespmem:s24], [sflag:$0x1] =	stream.indirect.gather [hbm4b:s5+s20], $0x40, s23, s20, $0xb8;
	[tilespmem:$0x3C00] =	vst v63  }
0x78: {  	_ =	swait.ge [sflag:s19], $0x2000  }
.Ltmp3:
0x79: {  	[sflag:s19] =	ssyncset.done $0x0;
	(pc) =	sbr.rel @p0 .LBB2_8-.Ltmp3, $4  }
0x7a: {  	[sflag:s19] =	ssyncadd.s32 $0xFFFFE000  }
0x7b: {  	[hbm4b:s28+s4] =	stream.linear.scatter [tilespmem:s24], [sflag:$0x1], $0x2000, $0x38;
	[tilespmem:$0x3C00] =	vst v63  }
0x7c: {  	_ =	swait.ge [sflag:s19], $0x2000  }
0x7d: {  	s30 =	smov.u32 s1;
	s28 =	sadd.s32 $0x400, s28;
	[sflag:s19] =	ssyncset.done $0x0  }
0x7e: {  	s0 =	sadd.s32 s29, s17;
	[sflag:s19] =	ssyncadd.s32 $0xFFFFE000  }
0x7f: {  	[tilespmem:s23], [sflag:$0x1] =	stream.linear.gather [hbm4b:s0+s4], $0x80, $0x38;
	[tilespmem:$0x3C00] =	vst v63  }
0x80: {  	_ =	swait.ge [sflag:s19], $0x80  }
0x81: {  	[sflag:s19] =	ssyncset.done $0x0  }
0x82: {  	[sflag:s19] =	ssyncadd.s32 $0xFFFFFF80  }
0x83: {  	[tilespmem:s24], [sflag:$0x1] =	stream.indirect.gather [hbm4b:s5+s20], $0x40, s23, s20, $0xb8;
	[tilespmem:$0x3C00] =	vst v63  }
0x84: {  	_ =	swait.ge [sflag:s19], $0x2000  }
0x85: {  	[sflag:s19] =	ssyncset.done $0x0  }
0x86: {  	[sflag:s19] =	ssyncadd.s32 $0xFFFFE000  }
0x87: {  	[hbm4b:s28+s4] =	stream.linear.scatter [tilespmem:s24], [sflag:$0x1], $0x2000, $0x38;
	[tilespmem:$0x3C00] =	vst v63  }
0x88: {  	_ =	swait.ge [sflag:s19], $0x2000  }
0x89: {  	[sflag:s19] =	ssyncset.done $0x0  }
0x8a: {  	[sflag:s19] =	ssyncadd.s32 $0xFFFFE000  }
0x8b: {  	[tilespmem:s25], [sflag:$0x1] =	stream.linear.gather [hbm4b:s9+s4], $0x20, $0x38;
	[tilespmem:$0x3C00] =	vst v63  }
0x8c: {  	_ =	swait.ge [sflag:s19], $0x20  }
0x8d: {  	[sflag:s19] =	ssyncset.done $0x0  }
0x8e: {  	[sflag:s19] =	ssyncadd.s32 $0xFFFFFFE0  }
0x8f: {  	[tilespmem:s24], [sflag:$0x1] =	stream.indirect.gather [hbm4b:s5+s22], $0x40, s25, s22, $0xb8;
	[tilespmem:$0x3C00] =	vst v63  }
0x90: {  	_ =	swait.ge [sflag:s19], $0x800  }
0x91: {  	[sflag:s19] =	ssyncset.done $0x0  }
0x92: {  	[sflag:s19] =	ssyncadd.s32 $0xFFFFF800  }
0x93: {  	[hbm4b:s10+s4] =	stream.linear.scatter [tilespmem:s24], [sflag:$0x1], $0x800, $0x38;
	[tilespmem:$0x3C00] =	vst v63  }
0x94: {  	_ =	swait.ge [sflag:s19], $0x800  }
0x95: {  	s30 =	stileid.u32;
	[sflag:s19] =	ssyncset.done $0x0  }
0x96: {  	s0 =	sshll.u32 s30, $0x6;
	[sflag:s19] =	ssyncadd.s32 $0xFFFFF800  }
0x97: {  	s1 =	sshrl.u32 s6, $0x3;
	s0 =	sor.u32 $0x1C01, s0;
	[bflag:$0x0] =	sbarrier.arrive $0xFFFF  }
0x98: {  	[hbm:s11], [sflag:s0] =	dma.local [spmem:s1], $0x188  }
0x99: {  	s26 =	sadd.s32 $0x1, s26;
	_ =	swait.ge [sflag:s19], $0x188  }
0x9a: {  	p0 =	sne.s32 s26, s13;
	[sflag:s19] =	ssyncset.done $0x0  }
.Ltmp4:
0x9b: {  	s31 =	sshrl.u32 s7, $0x3;
	[sflag:s19] =	ssyncadd.s32 $0xFFFFFE78;
	(pc) =	sbr.rel @p0 .LBB2_1-.Ltmp4, $4  }
0x9c: {  	[hbm:s12], [sflag:s0] =	dma.local [spmem:s31], $0x38  }
0x9d: {  	_ =	swait.ge [sflag:s19], $0x38  }
0x9e: {  	[sflag:s19] =	ssyncset.done $0x0  }
0x9f: {  	[sflag:s19] =	ssyncadd.s32 $0xFFFFFFC8  }
0xa0: {  	_ =	sfence.sel $0x180000  }
0xa1: {  	[bflag:$0x0] =	sbarrier.arrive $0xFFFF  }
0xa2: {  	_ =	strace $0x90000047  }
0xa3: {  	s0 =	stileid.u32;
	[bflag:$0x2] =	sbarrier.arrive $0xFFFF  }
0xa4: {  	p0 =	sne.s32 s0, $0x0;
	s0 =	rddreg [dreg:$0x4]  }
0xa5: {  	s0 =	sadd.s32 @!p0 $0x100000, s0  }
0xa6: {  	[sflag:s0] =	ssyncadd.tile.s32 @!p0 $0x1;
	_ =	shalt  }
.Lfunc_end2:
_tile_overlayer_lowered:
.L_overlay_start_2:
0xa7: {  	(tag) =	ssettag $0x2  }
0xa8: {  	s0 =	rddreg [dreg:$0x0];
	s2 =	stileid.u32  }
0xa9: {  	s1 =	rddreg [dreg:$0x1];
	p0 =	sne.s32 s2, $0x0  }
0xaa: {  	s3 =	rddreg [dreg:$0x2];
	[bflag:$0x3] =	sbarrier.arrive $0xFFFF;
	s2 =	simm.s32 @!p0 $0x1C01  }
0xab: {  	[timem:s3], [sflag:s2] =	dma.local @!p0 [hbm:s0], s1  }
0xac: {  	s0 =	simm.s32 @!p0 $0x1  }
0xad: {  	_ =	swait.ge @!p0 [sflag:s0], s1  }
0xae: {  	s1 =	ssub.s32 @!p0 $0x0, s1;
	[sflag:s0] =	ssyncset.done @!p0 $0x0  }
0xaf: {  	[sflag:s0] =	ssyncadd.s32 @!p0 s1  }
0xb0: {  	[bflag:$0x3] =	sbarrier.arrive $0xFFFF  }
0xb1: {  	_ =	shalt  }

// kernel: kernel.13.cloned.1.call-start
scs
__scs_entry_jumppad:
0x0: {  	(pc) =	sbr.rel $0x88, $3  }
0x1: {  	(tag) =	ssettag $0x0;
	lr =	simm.s32 $0x1  }
0x2: {  	[smem:$0x3F97] =	sst lr;
	_ =	strace $0xD0000000  }
0x3: {  	_ = 	snop  }
0x4: {  	_ = 	snop  }
0x5: {  	_ = 	snop  }
0x6: {  	_ = 	snop  }
0x7: {  	_ = 	snop  }
__scs_overlays_trampoline_lowered:
0x8: {  	[smem:$0x3FA6] =	sst s0  }
0x9: {  	[smem:$0x3FA7] =	sst s1  }
0xa: {  	[smem:$0x3FA8] =	sst s2  }
0xb: {  	[smem:$0x3FA9] =	sst s3  }
0xc: {  	[smem:$0x3FAA] =	sst s4  }
0xd: {  	[smem:$0x3FAB] =	sst s5  }
0xe: {  	[smem:$0x3FAC] =	sst s6  }
0xf: {  	[smem:$0x3FAD] =	sst s7  }
0x10: {  	[smem:$0x3FAE] =	sst s8  }
0x11: {  	[smem:$0x3FAF] =	sst s9;
	s0 =	simm.s32 @!p0 $0x0  }
0x12: {  	s1 =	sld [smem:$0x3F95];
	s0 =	simm.s32 @p0 $0x1  }
0x13: {  	[smem:$0x3FB0] =	sst s0;
	s0 =	simm.s32 @!p1 $0x0  }
0x14: {  	s2 =	sld [smem:$0x3F94];
	s0 =	simm.s32 @p1 $0x1  }
0x15: {  	[smem:$0x3FB1] =	sst s0;
	s0 =	simm.s32 @!p2 $0x0  }
0x16: {  	s3 =	sld [smem:$0x3FDB];
	s0 =	simm.s32 @p2 $0x1  }
0x17: {  	s4 =	simm.s32 $0x1BF5;
	[smem:$0x3FB3] =	sst s0  }
0x18: {  	s0 =	sld [smem:$0x3F96];
	_ =	swait.ge [sflag:s4], $0x0  }
0x19: {  	s7 =	sld [smem:$0x3F97]  }
0x1a: {  	s8 =	sadd.s32 $0xFFFFE003, lr  }
0x1b: {  	s9 =	sadd.s32 $0xFFFFFEF7, lr;
	s5 =	simm.s32 $0xFFFFFFFF;
	p2 =	slt.u32 s8, $0xFFFFF086  }
0x1c: {  	p1 =	slt.u32 s9, $0xF7A;
	s5 =	simm.s32 @!p2 $0x0  }
0x1d: {  	s5 =	simm.s32 @p1 $0x1;
	p0 =	seq.s32 s7, s2  }
0x1e: {  	s7 =	smul.u32 @!p0 $0xF7A, s2;
	p2 =	seq.s32 @!p0 s5, $0x0  }
0x1f: {  	s9 =	smul.u32 $0xF7A, s1;
	s8 =	simm.s32 @!p0 $0x1BF5;
	p2 =	por !p2, p0  }
0x20: {  	[sflag:s8] =	ssyncset.s32 @!p0 $0xFFFFF086;
	s6 =	sadd.s32 @!p0 s3, s7;
	s7 =	simm.s32 @!p0 $0x108  }
0x21: {  	s3 =	sadd.s32 s3, s9;
	s6 =	sadd.s32 @!p0 $0x88, s6;
	s7 =	simm.s32 @p2 $0x1082  }
0x22: {  	[simem:s7], [sflag:s8] =	dma.local @!p0 [hbm:s6], $0xF7A  }
0x23: {  	s9 =	sor.u32 $0xD0000000, s2;
	s6 =	simm.s32 $0x108;
	_ =	swait.ge @!p0 [sflag:s8], $0x0  }
0x24: {  	s3 =	sadd.s32 $0x88, s3;
	s6 =	simm.s32 @!p1 $0x1082;
	[sflag:s4] =	ssyncset.s32 $0xFFFFF086  }
0x25: {  	[simem:s6], [sflag:s4] =	dma.local [hbm:s3], $0xF7A  }
0x26: {  	[smem:$0x3F97] =	sst s1;
	(tag) =	ssettag s2;
	_ =	strace s9  }
0x27: {  	s1 =	sld [smem:$0x3FA7]  }
0x28: {  	s2 =	sld [smem:$0x3FA8]  }
0x29: {  	s4 =	sld [smem:$0x3FAA]  }
0x2a: {  	p0 =	seq.s32 s5, $0x0;
	s5 =	sld [smem:$0x3FAB]  }
0x2b: {  	s6 =	sld [smem:$0x3FAC]  }
0x2c: {  	s7 =	sld [smem:$0x3FAD]  }
0x2d: {  	s3 =	simm.s32 $0x108;
	s8 =	sld [smem:$0x3FAE]  }
0x2e: {  	s3 =	simm.s32 @!p0 $0x1082;
	s9 =	sld [smem:$0x3FAF]  }
0x2f: {  	lr =	sadd.s32 s0, s3;
	s0 =	sld [smem:$0x3FA6]  }
0x30: {  	s3 =	sld [smem:$0x3FA9]  }
0x31: {  	[smem:$0x3FB2] =	sst s10  }
0x32: {  	s10 =	sld [smem:$0x3FB0];
	_ =	sdelay $0x3  }
0x33: {  	p0 =	seq.s32 s10, $0x1;
	s10 =	sld [smem:$0x3FB2];
	_ =	sdelay $0x3  }
0x34: {  	[smem:$0x3FB2] =	sst s10  }
0x35: {  	s10 =	sld [smem:$0x3FB1];
	_ =	sdelay $0x3  }
0x36: {  	p1 =	seq.s32 s10, $0x1;
	s10 =	sld [smem:$0x3FB2];
	_ =	sdelay $0x3  }
0x37: {  	[smem:$0x3FB2] =	sst s10  }
0x38: {  	s10 =	sld [smem:$0x3FB3]  }
0x39: {  	_ = 	snop;
	(pc) =	sbr.ind lr, $3  }
0x3a: {  	_ = 	snop  }
0x3b: {  	_ = 	snop  }
0x3c: {  	p2 =	seq.s32 s10, $0x1;
	s10 =	sld [smem:$0x3FB2]  }
0x3d: {  	_ =	shalt  }
0x3e: {  	_ =	shalt  }
0x3f: {  	_ =	shalt  }
0x40: {  	_ =	shalt  }
0x41: {  	_ =	shalt  }
0x42: {  	_ =	shalt  }
0x43: {  	_ =	shalt  }
0x44: {  	_ =	shalt  }
0x45: {  	_ =	shalt  }
0x46: {  	_ =	shalt  }
0x47: {  	_ =	shalt  }
0x48: {  	_ =	shalt  }
0x49: {  	_ =	shalt  }
0x4a: {  	_ =	shalt  }
0x4b: {  	_ =	shalt  }
0x4c: {  	_ =	shalt  }
0x4d: {  	_ =	shalt  }
0x4e: {  	_ =	shalt  }
0x4f: {  	_ =	shalt  }
0x50: {  	_ =	shalt  }
0x51: {  	_ =	shalt  }
0x52: {  	_ =	shalt  }
0x53: {  	_ =	shalt  }
0x54: {  	_ =	shalt  }
0x55: {  	_ =	shalt  }
0x56: {  	_ =	shalt  }
0x57: {  	_ =	shalt  }
0x58: {  	_ =	shalt  }
0x59: {  	_ =	shalt  }
0x5a: {  	_ =	shalt  }
0x5b: {  	_ =	shalt  }
0x5c: {  	_ =	shalt  }
0x5d: {  	_ =	shalt  }
0x5e: {  	_ =	shalt  }
0x5f: {  	_ =	shalt  }
0x60: {  	_ =	shalt  }
0x61: {  	_ =	shalt  }
0x62: {  	_ =	shalt  }
0x63: {  	_ =	shalt  }
0x64: {  	_ =	shalt  }
0x65: {  	_ =	shalt  }
0x66: {  	_ =	shalt  }
0x67: {  	_ =	shalt  }
0x68: {  	_ =	shalt  }
0x69: {  	_ =	shalt  }
0x6a: {  	_ =	shalt  }
0x6b: {  	_ =	shalt  }
0x6c: {  	_ =	shalt  }
0x6d: {  	_ =	shalt  }
0x6e: {  	_ =	shalt  }
0x6f: {  	_ =	shalt  }
0x70: {  	_ =	shalt  }
0x71: {  	_ =	shalt  }
0x72: {  	_ =	shalt  }
0x73: {  	_ =	shalt  }
0x74: {  	_ =	shalt  }
0x75: {  	_ =	shalt  }
0x76: {  	_ =	shalt  }
0x77: {  	_ =	shalt  }
0x78: {  	_ =	shalt  }
0x79: {  	_ =	shalt  }
0x7a: {  	_ =	shalt  }
0x7b: {  	_ =	shalt  }
0x7c: {  	_ =	shalt  }
0x7d: {  	_ =	shalt  }
0x7e: {  	_ =	shalt  }
0x7f: {  	_ =	shalt  }
0x80: {  	_ =	shalt  }
0x81: {  	_ =	shalt  }
0x82: {  	_ =	shalt  }
0x83: {  	_ =	shalt  }
0x84: {  	_ =	shalt  }
0x85: {  	_ =	shalt  }
0x86: {  	_ =	shalt  }
0x87: {  	_ =	shalt  }
.Lfunc_end0:
.L_simem_size_0:
called_computation.1_lowered:
.L_overlay_start_0:
0x88: {  	s2 =	sld [smem:$0x3FD9]  }
0x89: {  	s3 =	sld [smem:$0x3FFE];
	_ =	sdelay $0x1  }
0x8a: {  	s1 =	srdreg.scid  }
0x8b: {  	s0 =	sand.u32 $0x1, s1  }
0x8c: {  	s16 =	sshll.u32 s0, $0xA;
	s2 =	sadd.s32 s3, s2  }
0x8d: {  	s2 =	sadd.s32 s2, s16  }
0x8e: {  	[smem:$0x3FBE] =	sst s2  }
0x8f: {  	_ = 	snop  }
0x90: {  	(tm) =	ssettm $0x1  }
0x91: {  	s17 =	sld [smem:$0x3FFB];
	_ =	sdelay $0x3  }
0x92: {  	_ =	strace s17  }
0x93: {  	s2 =	sld [smem:$0x3FFC];
	_ =	sdelay $0x3  }
0x94: {  	_ =	strace s2  }
0x95: {  	s2 =	sld [smem:$0x3FFD];
	_ =	sdelay $0x3  }
0x96: {  	_ =	strace s2  }
0x97: {  	_ =	strace $0x8FFFFFFF  }
0x98: {  	s18 =	sld [smem:$0x3FDB];
	_ =	sdelay $0x1  }
0x99: {  	s19 =	simm.s32 $_scs_section_size  }
0x9a: {  	s4 =	simm.s32 $_size__tile_overlayer_lowered;
	s5 =	simm.s32 $_tile_overlayer_lowered  }
0x9b: {  	s22 =	simm.s32 $0x1BFF;
	s21 =	sshll.u32 s5, $0x1;
	s2 =	sadd.s32 s19, s18  }
0x9c: {  	s6 =	simm.s32 $0x0;
	s20 =	sshll.u32 s4, $0x1;
	s4 =	sadd.s32 s21, s2  }
0x9d: {  	[timem:s6], [sflag:s22] =	dma.local [hbm:s4], s20  }
0x9e: {  	_ =	swait.ge [sflag:s22], s20  }
0x9f: {  	s3 =	ssub.s32 $0x0, s20;
	[sflag:s22] =	ssyncset.done $0x0  }
0xa0: {  	[sflag:s22] =	ssyncadd.s32 s3;
	_ =	sdelay $0x1  }
0xa1: {  	s23 =	simm.s32 $0x1B8B  }
0xa2: {  	_ =	swait.ge [sflag:s23], $0x1  }
0xa3: {  	[sflag:s23] =	ssyncset.done $0x0  }
0xa4: {  	s25 =	simm.s32 $0x1B8E;
	s24 =	sld [smem:$0x3FFE];
	[sflag:s23] =	ssyncadd.s32 $0xFFFFFFFF  }
0xa5: {  	s26 =	simm.s32 $execute0_lowered;
	[smem:$0x3FD2] =	sst s25  }
0xa6: {  	s4 =	sshll.u32 s26, $0x1;
	_ =	strace $0x80000049;
	[dreg:$0x1] =	wrdreg $0xFFFFFFFF  }
0xa7: {  	s28 =	simm.s32 $_size_execute0_lowered;
	s2 =	sadd.s32 s2, s4;
	[dreg:$0x0] =	wrdreg $0x0  }
0xa8: {  	s4 =	sshll.u32 s28, $0x1;
	[dreg:$0x2] =	wrdreg s2  }
0xa9: {  	[dreg:$0x3] =	wrdreg s4  }
0xaa: {  	[dreg:$0x4] =	wrdreg $0xC0  }
0xab: {  	_ =	task [dreg:s6], $0x5FFFF  }
0xac: {  	[dreg:$0x1] =	wrdreg $0xFFFFFFFF  }
0xad: {  	[dreg:$0x0] =	wrdreg $0x60  }
0xae: {  	[dreg:$0x2] =	wrdreg s24  }
0xaf: {  	[dreg:$0x3] =	wrdreg $0x44000  }
0xb0: {  	[dreg:$0x4] =	wrdreg $0x9  }
0xb1: {  	_ =	task.clear_ibuf [dreg:s6], $0x5FFFF;
	_ =	strace $0x90000049  }
0xb2: {  	s29 =	simm.s32 $0x9;
	_ =	strace $0x8000004B  }
0xb3: {  	_ =	swait.ge [sflag:s29], $0x1  }
0xb4: {  	[sflag:s29] =	ssyncadd.s32 $0xFFFFFFFF  }
0xb5: {  	_ =	strace $0x9000004B  }
0xb6: {  	_ =	sfence  }
0xb7: {  	s30 =	sld [smem:$0x0];
	_ =	sdelay $0x2  }
0xb8: {  	s31 =	sshll.u32 s1, $0xD;
	s1 =	sshrl.u32 s1, $0x2  }
0xb9: {  	s3 =	sand.u32 $0x4000, s31;
	s1 =	sadd.s32 s1, s30  }
0xba: {  	s0 =	sor.u32 s3, s0;
	s1 =	sshll.u32 s1, $0x11  }
0xbb: {  	s0 =	sor.u32 s1, s0  }
0xbc: {  	s0 =	sadd.s32 $0x8F2B, s0  }
0xbd: {  	[sflag:s0] =	ssyncadd.remote.s32 $0x1  }
0xbe: {  	_ =	sfence.sel $0xFFFF  }
0xbf: {  	[dreg:$0x0] =	wrdreg $0xFFFFFFFF;
	(pc) =	sbr.abs _section_cstart, $3  }
0xc0: {  	[dreg:$0x1] =	wrdreg $0xFFFFFFFF  }
0xc1: {  	_ =	task.clear_ibuf [dreg:s6], $0x2FFFF;
	_ =	strace $0x9FFFFFFF  }
0xc2: {  	(tm) =	ssettm $0x7FFFFFFF  }
0xc3: {  	_ =	shalt  }
tec
execute0_lowered:
.L_overlay_start_1:
0x0: {  	(tag) =	ssettag $0x1  }
0x1: {  	s4 =	rddreg [dreg:$0x0]  }
0x2: {  	s1 =	rddreg [dreg:$0x1];
	s2 =	srdreg.scid  }
0x3: {  	s0 =	rddreg [dreg:$0x2];
	s3 =	simm.s32 $0x0;
	s17 =	simm.s32 $0x200  }
0x4: {  	s18 =	simm.s32 $0x3;
	s19 =	simm.s32 $0x100;
	s20 =	simm.s32 $0x400  }
0x5: {  	s21 =	simm.s32 $0x300;
	s22 =	simm.s32 $0x1;
	s23 =	simm.s32 $0x4  }
0x6: {  	s24 =	simm.s32 $0x2400;
	s25 =	simm.s32 $0x2;
	s5 =	sand.u32 $0x1, s2  }
0x7: {  	s26 =	simm.s32 $0x0;
	s2 =	stileid.u32;
	s6 =	smul.u32 $0x188000, s5  }
0x8: {  	[smem:$0x7FF] =	sst s3;
	s14 =	sadd.s32 $0x95E00, s4;
	s7 =	smul.u32 $0x18800, s2  }
0x9: {  	s13 =	sadd.s32 $0x16200, s4;
	_ =	strace $0x8000004A;
	s29 =	smul.u32 $0xC400, s2  }
0xa: {  	s5 =	ssub.s32 $0x2, s5;
	s31 =	sshll.u32 s2, $0x6;
	s16 =	smul.u32 $0x1880, s2  }
0xb: {  	s28 =	sshrl.u32 s5, $0x1;
	s8 =	sshrl.u32 s6, $0x3;
	s6 =	sadd.s32 s7, s6  }
0xc: {  	s12 =	ssub.s32 s5, s28;
	s15 =	sadd.s32 s7, s1;
	s30 =	sshrl.u32 s7, $0x3  }
0xd: {  	s9 =	sshrl.u32 s29, $0x3;
	s8 =	sadd.s32 s8, s4;
	s6 =	sshrl.u32 s6, $0x3  }
0xe: {  	s7 =	sadd.s32 s14, s9;
	s10 =	sor.u32 $0x20, s9;
	s12 =	smax.u32 s12, $0x1  }
0xf: {  	s15 =	sshrl.u32 s15, $0x3;
	s11 =	sadd.s32 s6, s4;
	s4 =	sadd.s32 $0x2EA00, s8  }
0x10: {  	s6 =	sor.u32 $0x1C05, s31;
	s8 =	sadd.s32 s13, s9;
	s9 =	sadd.s32 s14, s10  }
0x11: {  	s10 =	sadd.s32 s13, s10;
	s13 =	sadd.s32 s16, s13;
	s14 =	sadd.s32 s16, s14  }
0x12: {  	s16 =	simm.s32 $0x5;
	s5 =	sadd.s32 s30, s4;
	s11 =	sadd.s32 $0xAE600, s11  }
.LBB2_1:
0x13: {  	[spmem:s15], [sflag:s6] =	dma.local [hbm:s5], $0x3100  }
0x14: {  	_ =	swait.ge [sflag:s16], $0x3100  }
0x15: {  	[sflag:s16] =	ssyncset.done $0x0  }
0x16: {  	[sflag:s16] =	ssyncadd.s32 $0xFFFFCF00  }
0x17: {  	[bflag:$0x0] =	sbarrier.arrive $0xFFFF  }
0x18: {  	[tilespmem:s3], [sflag:$0x3] =	stream.linear.gather [hbm4b:s7+s3], $0x100, $0x38;
	[tilespmem:$0x1CC00] =	vst v63  }
0x19: {  	_ = 	snop  }
0x1a: {  	[tilespmem:s17], [sflag:$0x3] =	stream.linear.gather [hbm4b:s8+s3], $0x100, $0x38;
	[tilespmem:$0x1CC00] =	vst v63  }
0x1b: {  	_ =	swait.ge [sflag:s18], $0x100  }
0x1c: {  	[sflag:s18] =	ssyncset.done $0x0  }
0x1d: {  	[sflag:s18] =	ssyncadd.s32 $0xFFFFFF00  }
0x1e: {  	_ =	swait.ge [sflag:s18], $0x100  }
0x1f: {  	[sflag:s18] =	ssyncset.done $0x0  }
0x20: {  	[sflag:s18] =	ssyncadd.s32 $0xFFFFFF00  }
0x21: {  	[tilespmem:s20], [sflag:$0x1] =	stream.indirect.gather [hbm4b:s4+s19], $0x20, s3, s19, $0xb8;
	[tilespmem:$0x1CC00] =	vst v63  }
0x22: {  	_ = 	snop  }
0x23: {  	[tilespmem:s19], [sflag:$0x4] =	stream.linear.gather [hbm4b:s9+s3], $0x100, $0x38;
	[tilespmem:$0x1CC00] =	vst v63  }
0x24: {  	_ = 	snop  }
0x25: {  	[tilespmem:s21], [sflag:$0x4] =	stream.linear.gather [hbm4b:s10+s3], $0x100, $0x38;
	[tilespmem:$0x1CC00] =	vst v63  }
0x26: {  	_ =	swait.ge [sflag:s22], $0x2000  }
0x27: {  	[sflag:s22] =	ssyncset.done $0x0  }
0x28: {  	[sflag:s22] =	ssyncadd.s32 $0xFFFFE000  }
0x29: {  	_ =	swait.ge [sflag:s23], $0x100  }
0x2a: {  	[sflag:s23] =	ssyncset.done $0x0  }
0x2b: {  	[sflag:s23] =	ssyncadd.s32 $0xFFFFFF00  }
0x2c: {  	_ =	swait.ge [sflag:s23], $0x100  }
0x2d: {  	[sflag:s23] =	ssyncset.done $0x0  }
0x2e: {  	[sflag:s23] =	ssyncadd.s32 $0xFFFFFF00  }
0x2f: {  	[tilespmem:s24], [sflag:$0x2] =	stream.indirect.gather [hbm4b:s4+s19], $0x20, s19, s19, $0xb8;
	[tilespmem:$0x1CC00] =	vst v63  }
0x30: {  	_ = 	snop  }
0x31: {  	[spmem:s1] =	stream.indirect.scatter.add.f32 [tilespmem:s20], [sflag:$0x5], $0x20, s17, s19, $0xb8;
	[tilespmem:$0x1CC00] =	vst v63  }
0x32: {  	_ =	swait.ge [sflag:s16], $0x2000  }
0x33: {  	s28 =	sadd.s32 $0xFFFFE7C0, s14;
	[sflag:s16] =	ssyncset.done $0x0  }
0x34: {  	s30 =	sadd.s32 $0xFFFFE7C0, s13;
	s29 =	sadd.s32 $0x1880, s28;
	[sflag:s16] =	ssyncadd.s32 $0xFFFFE000  }
0x35: {  	[tilespmem:s3], [sflag:$0x3] =	stream.linear.gather [hbm4b:s29+s3], $0x100, $0x38;
	[tilespmem:$0x1CC00] =	vst v63  }
0x36: {  	s29 =	sadd.s32 $0x1880, s30  }
0x37: {  	[tilespmem:s17], [sflag:$0x3] =	stream.linear.gather [hbm4b:s29+s3], $0x100, $0x38;
	[tilespmem:$0x1CC00] =	vst v63  }
0x38: {  	_ =	swait.ge [sflag:s25], $0x2000  }
0x39: {  	[sflag:s25] =	ssyncset.done $0x0  }
0x3a: {  	[sflag:s25] =	ssyncadd.s32 $0xFFFFE000  }
0x3b: {  	_ =	swait.ge [sflag:s18], $0x100  }
0x3c: {  	[sflag:s18] =	ssyncset.done $0x0  }
0x3d: {  	[sflag:s18] =	ssyncadd.s32 $0xFFFFFF00  }
0x3e: {  	_ =	swait.ge [sflag:s18], $0x100  }
0x3f: {  	[sflag:s18] =	ssyncset.done $0x0  }
0x40: {  	[sflag:s18] =	ssyncadd.s32 $0xFFFFFF00  }
0x41: {  	[tilespmem:s20], [sflag:$0x1] =	stream.indirect.gather [hbm4b:s4+s19], $0x20, s3, s19, $0xb8;
	[tilespmem:$0x1CC00] =	vst v63  }
0x42: {  	_ = 	snop  }
0x43: {  	[spmem:s1] =	stream.indirect.scatter.add.f32 [tilespmem:s24], [sflag:$0x5], $0x20, s21, s19, $0xb8;
	[tilespmem:$0x1CC00] =	vst v63  }
0x44: {  	_ =	swait.ge [sflag:s16], $0x2000  }
0x45: {  	[sflag:s16] =	ssyncset.done $0x0  }
0x46: {  	s28 =	sadd.s32 $0x18A0, s28;
	[sflag:s16] =	ssyncadd.s32 $0xFFFFE000  }
0x47: {  	[tilespmem:s19], [sflag:$0x4] =	stream.linear.gather [hbm4b:s28+s3], $0x100, $0x38;
	[tilespmem:$0x1CC00] =	vst v63  }
0x48: {  	s29 =	sadd.s32 $0x18A0, s30;
	s28 =	simm.s32 $0xFFFFE800  }
.LBB2_2:
0x49: {  	[tilespmem:s21], [sflag:$0x4] =	stream.linear.gather [hbm4b:s29+s3], $0x100, $0x38;
	[tilespmem:$0x1CC00] =	vst v63  }
0x4a: {  	s29 =	smov.u32 s28  }
0x4b: {  	p0 =	sne.s32 s28, $0xFFFFFFC0;
	s28 =	sadd.s32 $0x40, s28;
	_ =	swait.ge [sflag:s22], $0x2000  }
0x4c: {  	[sflag:s22] =	ssyncset.done $0x0  }
0x4d: {  	[sflag:s22] =	ssyncadd.s32 $0xFFFFE000  }
0x4e: {  	_ =	swait.ge [sflag:s23], $0x100  }
0x4f: {  	[sflag:s23] =	ssyncset.done $0x0  }
0x50: {  	[sflag:s23] =	ssyncadd.s32 $0xFFFFFF00  }
0x51: {  	_ =	swait.ge [sflag:s23], $0x100  }
0x52: {  	[sflag:s23] =	ssyncset.done $0x0  }
0x53: {  	[sflag:s23] =	ssyncadd.s32 $0xFFFFFF00  }
0x54: {  	[tilespmem:s24], [sflag:$0x2] =	stream.indirect.gather [hbm4b:s4+s19], $0x20, s19, s19, $0xb8;
	[tilespmem:$0x1CC00] =	vst v63  }
0x55: {  	_ = 	snop  }
0x56: {  	[spmem:s1] =	stream.indirect.scatter.add.f32 [tilespmem:s20], [sflag:$0x5], $0x20, s17, s19, $0xb8;
	[tilespmem:$0x1CC00] =	vst v63  }
0x57: {  	_ =	swait.ge [sflag:s16], $0x2000  }
0x58: {  	s30 =	sadd.s32 s29, s14;
	[sflag:s16] =	ssyncset.done $0x0  }
0x59: {  	s29 =	sadd.s32 s29, s13;
	s31 =	sadd.s32 $0x1880, s30;
	[sflag:s16] =	ssyncadd.s32 $0xFFFFE000  }
0x5a: {  	[tilespmem:s3], [sflag:$0x3] =	stream.linear.gather [hbm4b:s31+s3], $0x100, $0x38;
	[tilespmem:$0x1CC00] =	vst v63  }
0x5b: {  	s31 =	sadd.s32 $0x1880, s29  }
0x5c: {  	[tilespmem:s17], [sflag:$0x3] =	stream.linear.gather [hbm4b:s31+s3], $0x100, $0x38;
	[tilespmem:$0x1CC00] =	vst v63  }
0x5d: {  	_ =	swait.ge [sflag:s25], $0x2000  }
0x5e: {  	[sflag:s25] =	ssyncset.done $0x0  }
0x5f: {  	[sflag:s25] =	ssyncadd.s32 $0xFFFFE000  }
0x60: {  	_ =	swait.ge [sflag:s18], $0x100  }
0x61: {  	[sflag:s18] =	ssyncset.done $0x0  }
0x62: {  	[sflag:s18] =	ssyncadd.s32 $0xFFFFFF00  }
0x63: {  	_ =	swait.ge [sflag:s18], $0x100  }
0x64: {  	[sflag:s18] =	ssyncset.done $0x0  }
0x65: {  	[sflag:s18] =	ssyncadd.s32 $0xFFFFFF00  }
0x66: {  	[tilespmem:s20], [sflag:$0x1] =	stream.indirect.gather [hbm4b:s4+s19], $0x20, s3, s19, $0xb8;
	[tilespmem:$0x1CC00] =	vst v63  }
0x67: {  	_ = 	snop  }
0x68: {  	[spmem:s1] =	stream.indirect.scatter.add.f32 [tilespmem:s24], [sflag:$0x5], $0x20, s21, s19, $0xb8;
	[tilespmem:$0x1CC00] =	vst v63  }
.Ltmp0:
0x69: {  	_ =	swait.ge [sflag:s16], $0x2000;
	(pc) =	sbr.rel @p0 .LBB2_2-.Ltmp0, $4  }
0x6a: {  	[sflag:s16] =	ssyncset.done $0x0  }
0x6b: {  	s30 =	sadd.s32 $0x18A0, s30;
	[sflag:s16] =	ssyncadd.s32 $0xFFFFE000  }
0x6c: {  	[tilespmem:s19], [sflag:$0x4] =	stream.linear.gather [hbm4b:s30+s3], $0x100, $0x38;
	[tilespmem:$0x1CC00] =	vst v63  }
0x6d: {  	s29 =	sadd.s32 $0x18A0, s29  }
0x6e: {  	[tilespmem:s21], [sflag:$0x4] =	stream.linear.gather [hbm4b:s29+s3], $0x100, $0x38;
	[tilespmem:$0x1CC00] =	vst v63  }
0x6f: {  	_ =	swait.ge [sflag:s22], $0x2000  }
0x70: {  	[sflag:s22] =	ssyncset.done $0x0  }
0x71: {  	[sflag:s22] =	ssyncadd.s32 $0xFFFFE000  }
0x72: {  	_ =	swait.ge [sflag:s23], $0x100  }
0x73: {  	[sflag:s23] =	ssyncset.done $0x0  }
0x74: {  	[sflag:s23] =	ssyncadd.s32 $0xFFFFFF00  }
0x75: {  	_ =	swait.ge [sflag:s23], $0x100  }
0x76: {  	[sflag:s23] =	ssyncset.done $0x0  }
0x77: {  	[sflag:s23] =	ssyncadd.s32 $0xFFFFFF00  }
0x78: {  	[tilespmem:s24], [sflag:$0x2] =	stream.indirect.gather [hbm4b:s4+s19], $0x20, s19, s19, $0xb8;
	[tilespmem:$0x1CC00] =	vst v63  }
0x79: {  	_ = 	snop  }
0x7a: {  	[spmem:s1] =	stream.indirect.scatter.add.f32 [tilespmem:s20], [sflag:$0x5], $0x20, s17, s19, $0xb8;
	[tilespmem:$0x1CC00] =	vst v63  }
0x7b: {  	_ =	swait.ge [sflag:s16], $0x2000  }
0x7c: {  	[sflag:s16] =	ssyncset.done $0x0  }
0x7d: {  	[sflag:s16] =	ssyncadd.s32 $0xFFFFE000  }
0x7e: {  	_ =	swait.ge [sflag:s25], $0x2000  }
0x7f: {  	[sflag:s25] =	ssyncset.done $0x0  }
0x80: {  	[sflag:s25] =	ssyncadd.s32 $0xFFFFE000  }
0x81: {  	[spmem:s1] =	stream.indirect.scatter.add.f32 [tilespmem:s24], [sflag:$0x5], $0x20, s21, s19, $0xb8;
	[tilespmem:$0x1CC00] =	vst v63  }
0x82: {  	_ =	swait.ge [sflag:s16], $0x2000  }
0x83: {  	s26 =	sadd.s32 $0x1, s26;
	[sflag:s16] =	ssyncset.done $0x0  }
0x84: {  	p0 =	sne.s32 s26, s12;
	[sflag:s16] =	ssyncadd.s32 $0xFFFFE000  }
.Ltmp1:
0x85: {  	[bflag:$0x0] =	sbarrier.arrive $0xFFFF;
	(pc) =	sbr.rel @p0 .LBB2_1-.Ltmp1, $4  }
0x86: {  	[hbm:s11], [sflag:s6] =	dma.local [spmem:s15], $0x3100  }
0x87: {  	_ =	swait.ge [sflag:s16], $0x3100  }
0x88: {  	[sflag:s16] =	ssyncset.done $0x0  }
0x89: {  	[sflag:s16] =	ssyncadd.s32 $0xFFFFCF00  }
0x8a: {  	_ =	sfence.sel $0x180000  }
0x8b: {  	[bflag:$0x0] =	sbarrier.arrive $0xFFFF  }
0x8c: {  	p0 =	sne.s32 s2, $0x0;
	_ =	strace $0x9000004A  }
0x8d: {  	s0 =	sadd.s32 @!p0 $0x100000, s0;
	[bflag:$0x2] =	sbarrier.arrive $0xFFFF  }
0x8e: {  	[sflag:s0] =	ssyncadd.tile.s32 @!p0 $0x1;
	_ =	shalt  }
.Lfunc_end2:
_tile_overlayer_lowered:
.L_overlay_start_2:
0x8f: {  	(tag) =	ssettag $0x2  }
0x90: {  	s0 =	rddreg [dreg:$0x0];
	s2 =	stileid.u32  }
0x91: {  	s1 =	rddreg [dreg:$0x1];
	p0 =	sne.s32 s2, $0x0  }
0x92: {  	s3 =	rddreg [dreg:$0x2];
	[bflag:$0x3] =	sbarrier.arrive $0xFFFF;
	s2 =	simm.s32 @!p0 $0x1C05  }
0x93: {  	[timem:s3], [sflag:s2] =	dma.local @!p0 [hbm:s0], s1  }
0x94: {  	s0 =	simm.s32 @!p0 $0x5  }
0x95: {  	_ =	swait.ge @!p0 [sflag:s0], s1  }
0x96: {  	s1 =	ssub.s32 @!p0 $0x0, s1;
	[sflag:s0] =	ssyncset.done @!p0 $0x0  }
0x97: {  	[sflag:s0] =	ssyncadd.s32 @!p0 s1  }
0x98: {  	[bflag:$0x3] =	sbarrier.arrive $0xFFFF  }
0x99: {  	_ =	shalt  }

// kernel: kernel.16.cloned.1.call-start
scs
__scs_entry_jumppad:
0x0: {  	(pc) =	sbr.rel $0x88, $3  }
0x1: {  	(tag) =	ssettag $0x0;
	lr =	simm.s32 $0x1  }
0x2: {  	[smem:$0x3F97] =	sst lr;
	_ =	strace $0xD0000000  }
0x3: {  	_ = 	snop  }
0x4: {  	_ = 	snop  }
0x5: {  	_ = 	snop  }
0x6: {  	_ = 	snop  }
0x7: {  	_ = 	snop  }
__scs_overlays_trampoline_lowered:
0x8: {  	[smem:$0x3FA6] =	sst s0  }
0x9: {  	[smem:$0x3FA7] =	sst s1  }
0xa: {  	[smem:$0x3FA8] =	sst s2  }
0xb: {  	[smem:$0x3FA9] =	sst s3  }
0xc: {  	[smem:$0x3FAA] =	sst s4  }
0xd: {  	[smem:$0x3FAB] =	sst s5  }
0xe: {  	[smem:$0x3FAC] =	sst s6  }
0xf: {  	[smem:$0x3FAD] =	sst s7  }
0x10: {  	[smem:$0x3FAE] =	sst s8  }
0x11: {  	[smem:$0x3FAF] =	sst s9;
	s0 =	simm.s32 @!p0 $0x0  }
0x12: {  	s1 =	sld [smem:$0x3F95];
	s0 =	simm.s32 @p0 $0x1  }
0x13: {  	[smem:$0x3FB0] =	sst s0;
	s0 =	simm.s32 @!p1 $0x0  }
0x14: {  	s2 =	sld [smem:$0x3F94];
	s0 =	simm.s32 @p1 $0x1  }
0x15: {  	[smem:$0x3FB1] =	sst s0;
	s0 =	simm.s32 @!p2 $0x0  }
0x16: {  	s3 =	sld [smem:$0x3FDB];
	s0 =	simm.s32 @p2 $0x1  }
0x17: {  	s4 =	simm.s32 $0x1BF5;
	[smem:$0x3FB3] =	sst s0  }
0x18: {  	s0 =	sld [smem:$0x3F96];
	_ =	swait.ge [sflag:s4], $0x0  }
0x19: {  	s7 =	sld [smem:$0x3F97]  }
0x1a: {  	s8 =	sadd.s32 $0xFFFFE003, lr  }
0x1b: {  	s9 =	sadd.s32 $0xFFFFFEF7, lr;
	s5 =	simm.s32 $0xFFFFFFFF;
	p2 =	slt.u32 s8, $0xFFFFF086  }
0x1c: {  	p1 =	slt.u32 s9, $0xF7A;
	s5 =	simm.s32 @!p2 $0x0  }
0x1d: {  	s5 =	simm.s32 @p1 $0x1;
	p0 =	seq.s32 s7, s2  }
0x1e: {  	s7 =	smul.u32 @!p0 $0xF7A, s2;
	p2 =	seq.s32 @!p0 s5, $0x0  }
0x1f: {  	s9 =	smul.u32 $0xF7A, s1;
	s8 =	simm.s32 @!p0 $0x1BF5;
	p2 =	por !p2, p0  }
0x20: {  	[sflag:s8] =	ssyncset.s32 @!p0 $0xFFFFF086;
	s6 =	sadd.s32 @!p0 s3, s7;
	s7 =	simm.s32 @!p0 $0x108  }
0x21: {  	s3 =	sadd.s32 s3, s9;
	s6 =	sadd.s32 @!p0 $0x88, s6;
	s7 =	simm.s32 @p2 $0x1082  }
0x22: {  	[simem:s7], [sflag:s8] =	dma.local @!p0 [hbm:s6], $0xF7A  }
0x23: {  	s9 =	sor.u32 $0xD0000000, s2;
	s6 =	simm.s32 $0x108;
	_ =	swait.ge @!p0 [sflag:s8], $0x0  }
0x24: {  	s3 =	sadd.s32 $0x88, s3;
	s6 =	simm.s32 @!p1 $0x1082;
	[sflag:s4] =	ssyncset.s32 $0xFFFFF086  }
0x25: {  	[simem:s6], [sflag:s4] =	dma.local [hbm:s3], $0xF7A  }
0x26: {  	[smem:$0x3F97] =	sst s1;
	(tag) =	ssettag s2;
	_ =	strace s9  }
0x27: {  	s1 =	sld [smem:$0x3FA7]  }
0x28: {  	s2 =	sld [smem:$0x3FA8]  }
0x29: {  	s4 =	sld [smem:$0x3FAA]  }
0x2a: {  	p0 =	seq.s32 s5, $0x0;
	s5 =	sld [smem:$0x3FAB]  }
0x2b: {  	s6 =	sld [smem:$0x3FAC]  }
0x2c: {  	s7 =	sld [smem:$0x3FAD]  }
0x2d: {  	s3 =	simm.s32 $0x108;
	s8 =	sld [smem:$0x3FAE]  }
0x2e: {  	s3 =	simm.s32 @!p0 $0x1082;
	s9 =	sld [smem:$0x3FAF]  }
0x2f: {  	lr =	sadd.s32 s0, s3;
	s0 =	sld [smem:$0x3FA6]  }
0x30: {  	s3 =	sld [smem:$0x3FA9]  }
0x31: {  	[smem:$0x3FB2] =	sst s10  }
0x32: {  	s10 =	sld [smem:$0x3FB0];
	_ =	sdelay $0x3  }
0x33: {  	p0 =	seq.s32 s10, $0x1;
	s10 =	sld [smem:$0x3FB2];
	_ =	sdelay $0x3  }
0x34: {  	[smem:$0x3FB2] =	sst s10  }
0x35: {  	s10 =	sld [smem:$0x3FB1];
	_ =	sdelay $0x3  }
0x36: {  	p1 =	seq.s32 s10, $0x1;
	s10 =	sld [smem:$0x3FB2];
	_ =	sdelay $0x3  }
0x37: {  	[smem:$0x3FB2] =	sst s10  }
0x38: {  	s10 =	sld [smem:$0x3FB3]  }
0x39: {  	_ = 	snop;
	(pc) =	sbr.ind lr, $3  }
0x3a: {  	_ = 	snop  }
0x3b: {  	_ = 	snop  }
0x3c: {  	p2 =	seq.s32 s10, $0x1;
	s10 =	sld [smem:$0x3FB2]  }
0x3d: {  	_ =	shalt  }
0x3e: {  	_ =	shalt  }
0x3f: {  	_ =	shalt  }
0x40: {  	_ =	shalt  }
0x41: {  	_ =	shalt  }
0x42: {  	_ =	shalt  }
0x43: {  	_ =	shalt  }
0x44: {  	_ =	shalt  }
0x45: {  	_ =	shalt  }
0x46: {  	_ =	shalt  }
0x47: {  	_ =	shalt  }
0x48: {  	_ =	shalt  }
0x49: {  	_ =	shalt  }
0x4a: {  	_ =	shalt  }
0x4b: {  	_ =	shalt  }
0x4c: {  	_ =	shalt  }
0x4d: {  	_ =	shalt  }
0x4e: {  	_ =	shalt  }
0x4f: {  	_ =	shalt  }
0x50: {  	_ =	shalt  }
0x51: {  	_ =	shalt  }
0x52: {  	_ =	shalt  }
0x53: {  	_ =	shalt  }
0x54: {  	_ =	shalt  }
0x55: {  	_ =	shalt  }
0x56: {  	_ =	shalt  }
0x57: {  	_ =	shalt  }
0x58: {  	_ =	shalt  }
0x59: {  	_ =	shalt  }
0x5a: {  	_ =	shalt  }
0x5b: {  	_ =	shalt  }
0x5c: {  	_ =	shalt  }
0x5d: {  	_ =	shalt  }
0x5e: {  	_ =	shalt  }
0x5f: {  	_ =	shalt  }
0x60: {  	_ =	shalt  }
0x61: {  	_ =	shalt  }
0x62: {  	_ =	shalt  }
0x63: {  	_ =	shalt  }
0x64: {  	_ =	shalt  }
0x65: {  	_ =	shalt  }
0x66: {  	_ =	shalt  }
0x67: {  	_ =	shalt  }
0x68: {  	_ =	shalt  }
0x69: {  	_ =	shalt  }
0x6a: {  	_ =	shalt  }
0x6b: {  	_ =	shalt  }
0x6c: {  	_ =	shalt  }
0x6d: {  	_ =	shalt  }
0x6e: {  	_ =	shalt  }
0x6f: {  	_ =	shalt  }
0x70: {  	_ =	shalt  }
0x71: {  	_ =	shalt  }
0x72: {  	_ =	shalt  }
0x73: {  	_ =	shalt  }
0x74: {  	_ =	shalt  }
0x75: {  	_ =	shalt  }
0x76: {  	_ =	shalt  }
0x77: {  	_ =	shalt  }
0x78: {  	_ =	shalt  }
0x79: {  	_ =	shalt  }
0x7a: {  	_ =	shalt  }
0x7b: {  	_ =	shalt  }
0x7c: {  	_ =	shalt  }
0x7d: {  	_ =	shalt  }
0x7e: {  	_ =	shalt  }
0x7f: {  	_ =	shalt  }
0x80: {  	_ =	shalt  }
0x81: {  	_ =	shalt  }
0x82: {  	_ =	shalt  }
0x83: {  	_ =	shalt  }
0x84: {  	_ =	shalt  }
0x85: {  	_ =	shalt  }
0x86: {  	_ =	shalt  }
0x87: {  	_ =	shalt  }
.Lfunc_end0:
.L_simem_size_0:
called_computation.2_lowered:
.L_overlay_start_0:
0x88: {  	s2 =	sld [smem:$0x3FD9]  }
0x89: {  	s3 =	sld [smem:$0x3FFE];
	_ =	sdelay $0x1  }
0x8a: {  	s1 =	srdreg.scid  }
0x8b: {  	s0 =	sand.u32 $0x1, s1  }
0x8c: {  	s16 =	sshll.u32 s0, $0xA;
	s2 =	sadd.s32 s3, s2  }
0x8d: {  	s2 =	sadd.s32 s2, s16  }
0x8e: {  	[smem:$0x3FBE] =	sst s2  }
0x8f: {  	_ = 	snop  }
0x90: {  	(tm) =	ssettm $0x1  }
0x91: {  	s17 =	sld [smem:$0x3FFB];
	_ =	sdelay $0x3  }
0x92: {  	_ =	strace s17  }
0x93: {  	s2 =	sld [smem:$0x3FFC];
	_ =	sdelay $0x3  }
0x94: {  	_ =	strace s2  }
0x95: {  	s2 =	sld [smem:$0x3FFD];
	_ =	sdelay $0x3  }
0x96: {  	_ =	strace s2  }
0x97: {  	_ =	strace $0x8FFFFFFF  }
0x98: {  	s18 =	sld [smem:$0x3FDB];
	_ =	sdelay $0x1  }
0x99: {  	s19 =	simm.s32 $_scs_section_size  }
0x9a: {  	s4 =	simm.s32 $_size__tile_overlayer_lowered;
	s5 =	simm.s32 $_tile_overlayer_lowered  }
0x9b: {  	s22 =	simm.s32 $0x1BFF;
	s21 =	sshll.u32 s5, $0x1;
	s2 =	sadd.s32 s19, s18  }
0x9c: {  	s6 =	simm.s32 $0x0;
	s20 =	sshll.u32 s4, $0x1;
	s4 =	sadd.s32 s21, s2  }
0x9d: {  	[timem:s6], [sflag:s22] =	dma.local [hbm:s4], s20  }
0x9e: {  	_ =	swait.ge [sflag:s22], s20  }
0x9f: {  	s3 =	ssub.s32 $0x0, s20;
	[sflag:s22] =	ssyncset.done $0x0  }
0xa0: {  	[sflag:s22] =	ssyncadd.s32 s3;
	_ =	sdelay $0x1  }
0xa1: {  	s23 =	simm.s32 $0x1B8B  }
0xa2: {  	_ =	swait.ge [sflag:s23], $0x1  }
0xa3: {  	[sflag:s23] =	ssyncset.done $0x0  }
0xa4: {  	s25 =	simm.s32 $0x1B8E;
	s24 =	sld [smem:$0x3FFE];
	[sflag:s23] =	ssyncadd.s32 $0xFFFFFFFF  }
0xa5: {  	s26 =	simm.s32 $execute0_lowered;
	[smem:$0x3FD2] =	sst s25  }
0xa6: {  	s4 =	sshll.u32 s26, $0x1;
	_ =	strace $0x8000004C;
	[dreg:$0x1] =	wrdreg $0xFFFFFFFF  }
0xa7: {  	s28 =	simm.s32 $_size_execute0_lowered;
	s2 =	sadd.s32 s2, s4;
	[dreg:$0x0] =	wrdreg $0x0  }
0xa8: {  	s4 =	sshll.u32 s28, $0x1;
	[dreg:$0x2] =	wrdreg s2  }
0xa9: {  	[dreg:$0x3] =	wrdreg s4  }
0xaa: {  	[dreg:$0x4] =	wrdreg $0xC0  }
0xab: {  	_ =	task [dreg:s6], $0x5FFFF  }
0xac: {  	[dreg:$0x1] =	wrdreg $0xFFFFFFFF  }
0xad: {  	[dreg:$0x0] =	wrdreg $0x60  }
0xae: {  	[dreg:$0x2] =	wrdreg s24  }
0xaf: {  	[dreg:$0x3] =	wrdreg $0x44000  }
0xb0: {  	[dreg:$0x4] =	wrdreg $0x9  }
0xb1: {  	_ =	task.clear_ibuf [dreg:s6], $0x5FFFF;
	_ =	strace $0x9000004C  }
0xb2: {  	s29 =	simm.s32 $0x9;
	_ =	strace $0x8000004E  }
0xb3: {  	_ =	swait.ge [sflag:s29], $0x1  }
0xb4: {  	[sflag:s29] =	ssyncadd.s32 $0xFFFFFFFF  }
0xb5: {  	_ =	strace $0x9000004E  }
0xb6: {  	_ =	sfence  }
0xb7: {  	s30 =	sld [smem:$0x0];
	_ =	sdelay $0x2  }
0xb8: {  	s31 =	sshll.u32 s1, $0xD;
	s1 =	sshrl.u32 s1, $0x2  }
0xb9: {  	s3 =	sand.u32 $0x4000, s31;
	s1 =	sadd.s32 s1, s30  }
0xba: {  	s0 =	sor.u32 s3, s0;
	s1 =	sshll.u32 s1, $0x11  }
0xbb: {  	s0 =	sor.u32 s1, s0  }
0xbc: {  	s0 =	sadd.s32 $0x8F2B, s0  }
0xbd: {  	[sflag:s0] =	ssyncadd.remote.s32 $0x1  }
0xbe: {  	_ =	sfence.sel $0xFFFF  }
0xbf: {  	[dreg:$0x0] =	wrdreg $0xFFFFFFFF;
	(pc) =	sbr.abs _section_cstart, $3  }
0xc0: {  	[dreg:$0x1] =	wrdreg $0xFFFFFFFF  }
0xc1: {  	_ =	task.clear_ibuf [dreg:s6], $0x2FFFF;
	_ =	strace $0x9FFFFFFF  }
0xc2: {  	(tm) =	ssettm $0x7FFFFFFF  }
0xc3: {  	_ =	shalt  }
tec
execute0_lowered:
.L_overlay_start_1:
0x0: {  	(tag) =	ssettag $0x1  }
0x1: {  	s4 =	rddreg [dreg:$0x0]  }
0x2: {  	s1 =	rddreg [dreg:$0x1];
	s2 =	srdreg.scid  }
0x3: {  	s0 =	rddreg [dreg:$0x2];
	s3 =	simm.s32 $0x0;
	s17 =	simm.s32 $0x200  }
0x4: {  	s18 =	simm.s32 $0x3;
	s19 =	simm.s32 $0x100;
	s20 =	simm.s32 $0x400  }
0x5: {  	s21 =	simm.s32 $0x300;
	s22 =	simm.s32 $0x1;
	s23 =	simm.s32 $0x4  }
0x6: {  	s24 =	simm.s32 $0x2400;
	s25 =	simm.s32 $0x2;
	s5 =	sand.u32 $0x1, s2  }
0x7: {  	s26 =	simm.s32 $0x0;
	s2 =	stileid.u32;
	s6 =	smul.u32 $0x188000, s5  }
0x8: {  	[smem:$0x7FF] =	sst s3;
	s14 =	sadd.s32 $0x95E00, s4;
	s7 =	smul.u32 $0x18800, s2  }
0x9: {  	s13 =	sadd.s32 $0x16200, s4;
	_ =	strace $0x8000004D;
	s29 =	smul.u32 $0xC400, s2  }
0xa: {  	s5 =	ssub.s32 $0x2, s5;
	s31 =	sshll.u32 s2, $0x6;
	s16 =	smul.u32 $0x1880, s2  }
0xb: {  	s28 =	sshrl.u32 s5, $0x1;
	s8 =	sshrl.u32 s6, $0x3;
	s6 =	sadd.s32 s7, s6  }
0xc: {  	s12 =	ssub.s32 s5, s28;
	s15 =	sadd.s32 s7, s1;
	s30 =	sshrl.u32 s7, $0x3  }
0xd: {  	s9 =	sshrl.u32 s29, $0x3;
	s8 =	sadd.s32 s8, s4;
	s6 =	sshrl.u32 s6, $0x3  }
0xe: {  	s7 =	sadd.s32 s14, s9;
	s10 =	sor.u32 $0x20, s9;
	s12 =	smax.u32 s12, $0x1  }
0xf: {  	s15 =	sshrl.u32 s15, $0x3;
	s11 =	sadd.s32 s6, s4;
	s4 =	sadd.s32 $0x420600, s8  }
0x10: {  	s6 =	sor.u32 $0x1C05, s31;
	s8 =	sadd.s32 s13, s9;
	s9 =	sadd.s32 s14, s10  }
0x11: {  	s10 =	sadd.s32 s13, s10;
	s13 =	sadd.s32 s16, s13;
	s14 =	sadd.s32 s16, s14  }
0x12: {  	s16 =	simm.s32 $0x5;
	s5 =	sadd.s32 s30, s4;
	s11 =	sadd.s32 $0x2EA00, s11  }
.LBB2_1:
0x13: {  	[spmem:s15], [sflag:s6] =	dma.local [hbm:s5], $0x3100  }
0x14: {  	_ =	swait.ge [sflag:s16], $0x3100  }
0x15: {  	[sflag:s16] =	ssyncset.done $0x0  }
0x16: {  	[sflag:s16] =	ssyncadd.s32 $0xFFFFCF00  }
0x17: {  	[bflag:$0x0] =	sbarrier.arrive $0xFFFF  }
0x18: {  	[tilespmem:s3], [sflag:$0x3] =	stream.linear.gather [hbm4b:s7+s3], $0x100, $0x38;
	[tilespmem:$0x1CC00] =	vst v63  }
0x19: {  	_ = 	snop  }
0x1a: {  	[tilespmem:s17], [sflag:$0x3] =	stream.linear.gather [hbm4b:s8+s3], $0x100, $0x38;
	[tilespmem:$0x1CC00] =	vst v63  }
0x1b: {  	_ =	swait.ge [sflag:s18], $0x100  }
0x1c: {  	[sflag:s18] =	ssyncset.done $0x0  }
0x1d: {  	[sflag:s18] =	ssyncadd.s32 $0xFFFFFF00  }
0x1e: {  	_ =	swait.ge [sflag:s18], $0x100  }
0x1f: {  	[sflag:s18] =	ssyncset.done $0x0  }
0x20: {  	[sflag:s18] =	ssyncadd.s32 $0xFFFFFF00  }
0x21: {  	[tilespmem:s20], [sflag:$0x1] =	stream.indirect.gather [hbm4b:s4+s19], $0x20, s3, s19, $0xb8;
	[tilespmem:$0x1CC00] =	vst v63  }
0x22: {  	_ = 	snop  }
0x23: {  	[tilespmem:s19], [sflag:$0x4] =	stream.linear.gather [hbm4b:s9+s3], $0x100, $0x38;
	[tilespmem:$0x1CC00] =	vst v63  }
0x24: {  	_ = 	snop  }
0x25: {  	[tilespmem:s21], [sflag:$0x4] =	stream.linear.gather [hbm4b:s10+s3], $0x100, $0x38;
	[tilespmem:$0x1CC00] =	vst v63  }
0x26: {  	_ =	swait.ge [sflag:s22], $0x2000  }
0x27: {  	[sflag:s22] =	ssyncset.done $0x0  }
0x28: {  	[sflag:s22] =	ssyncadd.s32 $0xFFFFE000  }
0x29: {  	_ =	swait.ge [sflag:s23], $0x100  }
0x2a: {  	[sflag:s23] =	ssyncset.done $0x0  }
0x2b: {  	[sflag:s23] =	ssyncadd.s32 $0xFFFFFF00  }
0x2c: {  	_ =	swait.ge [sflag:s23], $0x100  }
0x2d: {  	[sflag:s23] =	ssyncset.done $0x0  }
0x2e: {  	[sflag:s23] =	ssyncadd.s32 $0xFFFFFF00  }
0x2f: {  	[tilespmem:s24], [sflag:$0x2] =	stream.indirect.gather [hbm4b:s4+s19], $0x20, s19, s19, $0xb8;
	[tilespmem:$0x1CC00] =	vst v63  }
0x30: {  	_ = 	snop  }
0x31: {  	[spmem:s1] =	stream.indirect.scatter.add.f32 [tilespmem:s20], [sflag:$0x5], $0x20, s17, s19, $0xb8;
	[tilespmem:$0x1CC00] =	vst v63  }
0x32: {  	_ =	swait.ge [sflag:s16], $0x2000  }
0x33: {  	s28 =	sadd.s32 $0xFFFFE7C0, s14;
	[sflag:s16] =	ssyncset.done $0x0  }
0x34: {  	s30 =	sadd.s32 $0xFFFFE7C0, s13;
	s29 =	sadd.s32 $0x1880, s28;
	[sflag:s16] =	ssyncadd.s32 $0xFFFFE000  }
0x35: {  	[tilespmem:s3], [sflag:$0x3] =	stream.linear.gather [hbm4b:s29+s3], $0x100, $0x38;
	[tilespmem:$0x1CC00] =	vst v63  }
0x36: {  	s29 =	sadd.s32 $0x1880, s30  }
0x37: {  	[tilespmem:s17], [sflag:$0x3] =	stream.linear.gather [hbm4b:s29+s3], $0x100, $0x38;
	[tilespmem:$0x1CC00] =	vst v63  }
0x38: {  	_ =	swait.ge [sflag:s25], $0x2000  }
0x39: {  	[sflag:s25] =	ssyncset.done $0x0  }
0x3a: {  	[sflag:s25] =	ssyncadd.s32 $0xFFFFE000  }
0x3b: {  	_ =	swait.ge [sflag:s18], $0x100  }
0x3c: {  	[sflag:s18] =	ssyncset.done $0x0  }
0x3d: {  	[sflag:s18] =	ssyncadd.s32 $0xFFFFFF00  }
0x3e: {  	_ =	swait.ge [sflag:s18], $0x100  }
0x3f: {  	[sflag:s18] =	ssyncset.done $0x0  }
0x40: {  	[sflag:s18] =	ssyncadd.s32 $0xFFFFFF00  }
0x41: {  	[tilespmem:s20], [sflag:$0x1] =	stream.indirect.gather [hbm4b:s4+s19], $0x20, s3, s19, $0xb8;
	[tilespmem:$0x1CC00] =	vst v63  }
0x42: {  	_ = 	snop  }
0x43: {  	[spmem:s1] =	stream.indirect.scatter.add.f32 [tilespmem:s24], [sflag:$0x5], $0x20, s21, s19, $0xb8;
	[tilespmem:$0x1CC00] =	vst v63  }
0x44: {  	_ =	swait.ge [sflag:s16], $0x2000  }
0x45: {  	[sflag:s16] =	ssyncset.done $0x0  }
0x46: {  	s28 =	sadd.s32 $0x18A0, s28;
	[sflag:s16] =	ssyncadd.s32 $0xFFFFE000  }
0x47: {  	[tilespmem:s19], [sflag:$0x4] =	stream.linear.gather [hbm4b:s28+s3], $0x100, $0x38;
	[tilespmem:$0x1CC00] =	vst v63  }
0x48: {  	s29 =	sadd.s32 $0x18A0, s30;
	s28 =	simm.s32 $0xFFFFE800  }
.LBB2_2:
0x49: {  	[tilespmem:s21], [sflag:$0x4] =	stream.linear.gather [hbm4b:s29+s3], $0x100, $0x38;
	[tilespmem:$0x1CC00] =	vst v63  }
0x4a: {  	s29 =	smov.u32 s28  }
0x4b: {  	p0 =	sne.s32 s28, $0xFFFFFFC0;
	s28 =	sadd.s32 $0x40, s28;
	_ =	swait.ge [sflag:s22], $0x2000  }
0x4c: {  	[sflag:s22] =	ssyncset.done $0x0  }
0x4d: {  	[sflag:s22] =	ssyncadd.s32 $0xFFFFE000  }
0x4e: {  	_ =	swait.ge [sflag:s23], $0x100  }
0x4f: {  	[sflag:s23] =	ssyncset.done $0x0  }
0x50: {  	[sflag:s23] =	ssyncadd.s32 $0xFFFFFF00  }
0x51: {  	_ =	swait.ge [sflag:s23], $0x100  }
0x52: {  	[sflag:s23] =	ssyncset.done $0x0  }
0x53: {  	[sflag:s23] =	ssyncadd.s32 $0xFFFFFF00  }
0x54: {  	[tilespmem:s24], [sflag:$0x2] =	stream.indirect.gather [hbm4b:s4+s19], $0x20, s19, s19, $0xb8;
	[tilespmem:$0x1CC00] =	vst v63  }
0x55: {  	_ = 	snop  }
0x56: {  	[spmem:s1] =	stream.indirect.scatter.add.f32 [tilespmem:s20], [sflag:$0x5], $0x20, s17, s19, $0xb8;
	[tilespmem:$0x1CC00] =	vst v63  }
0x57: {  	_ =	swait.ge [sflag:s16], $0x2000  }
0x58: {  	s30 =	sadd.s32 s29, s14;
	[sflag:s16] =	ssyncset.done $0x0  }
0x59: {  	s29 =	sadd.s32 s29, s13;
	s31 =	sadd.s32 $0x1880, s30;
	[sflag:s16] =	ssyncadd.s32 $0xFFFFE000  }
0x5a: {  	[tilespmem:s3], [sflag:$0x3] =	stream.linear.gather [hbm4b:s31+s3], $0x100, $0x38;
	[tilespmem:$0x1CC00] =	vst v63  }
0x5b: {  	s31 =	sadd.s32 $0x1880, s29  }
0x5c: {  	[tilespmem:s17], [sflag:$0x3] =	stream.linear.gather [hbm4b:s31+s3], $0x100, $0x38;
	[tilespmem:$0x1CC00] =	vst v63  }
0x5d: {  	_ =	swait.ge [sflag:s25], $0x2000  }
0x5e: {  	[sflag:s25] =	ssyncset.done $0x0  }
0x5f: {  	[sflag:s25] =	ssyncadd.s32 $0xFFFFE000  }
0x60: {  	_ =	swait.ge [sflag:s18], $0x100  }
0x61: {  	[sflag:s18] =	ssyncset.done $0x0  }
0x62: {  	[sflag:s18] =	ssyncadd.s32 $0xFFFFFF00  }
0x63: {  	_ =	swait.ge [sflag:s18], $0x100  }
0x64: {  	[sflag:s18] =	ssyncset.done $0x0  }
0x65: {  	[sflag:s18] =	ssyncadd.s32 $0xFFFFFF00  }
0x66: {  	[tilespmem:s20], [sflag:$0x1] =	stream.indirect.gather [hbm4b:s4+s19], $0x20, s3, s19, $0xb8;
	[tilespmem:$0x1CC00] =	vst v63  }
0x67: {  	_ = 	snop  }
0x68: {  	[spmem:s1] =	stream.indirect.scatter.add.f32 [tilespmem:s24], [sflag:$0x5], $0x20, s21, s19, $0xb8;
	[tilespmem:$0x1CC00] =	vst v63  }
.Ltmp0:
0x69: {  	_ =	swait.ge [sflag:s16], $0x2000;
	(pc) =	sbr.rel @p0 .LBB2_2-.Ltmp0, $4  }
0x6a: {  	[sflag:s16] =	ssyncset.done $0x0  }
0x6b: {  	s30 =	sadd.s32 $0x18A0, s30;
	[sflag:s16] =	ssyncadd.s32 $0xFFFFE000  }
0x6c: {  	[tilespmem:s19], [sflag:$0x4] =	stream.linear.gather [hbm4b:s30+s3], $0x100, $0x38;
	[tilespmem:$0x1CC00] =	vst v63  }
0x6d: {  	s29 =	sadd.s32 $0x18A0, s29  }
0x6e: {  	[tilespmem:s21], [sflag:$0x4] =	stream.linear.gather [hbm4b:s29+s3], $0x100, $0x38;
	[tilespmem:$0x1CC00] =	vst v63  }
0x6f: {  	_ =	swait.ge [sflag:s22], $0x2000  }
0x70: {  	[sflag:s22] =	ssyncset.done $0x0  }
0x71: {  	[sflag:s22] =	ssyncadd.s32 $0xFFFFE000  }
0x72: {  	_ =	swait.ge [sflag:s23], $0x100  }
0x73: {  	[sflag:s23] =	ssyncset.done $0x0  }
0x74: {  	[sflag:s23] =	ssyncadd.s32 $0xFFFFFF00  }
0x75: {  	_ =	swait.ge [sflag:s23], $0x100  }
0x76: {  	[sflag:s23] =	ssyncset.done $0x0  }
0x77: {  	[sflag:s23] =	ssyncadd.s32 $0xFFFFFF00  }
0x78: {  	[tilespmem:s24], [sflag:$0x2] =	stream.indirect.gather [hbm4b:s4+s19], $0x20, s19, s19, $0xb8;
	[tilespmem:$0x1CC00] =	vst v63  }
0x79: {  	_ = 	snop  }
0x7a: {  	[spmem:s1] =	stream.indirect.scatter.add.f32 [tilespmem:s20], [sflag:$0x5], $0x20, s17, s19, $0xb8;
	[tilespmem:$0x1CC00] =	vst v63  }
0x7b: {  	_ =	swait.ge [sflag:s16], $0x2000  }
0x7c: {  	[sflag:s16] =	ssyncset.done $0x0  }
0x7d: {  	[sflag:s16] =	ssyncadd.s32 $0xFFFFE000  }
0x7e: {  	_ =	swait.ge [sflag:s25], $0x2000  }
0x7f: {  	[sflag:s25] =	ssyncset.done $0x0  }
0x80: {  	[sflag:s25] =	ssyncadd.s32 $0xFFFFE000  }
0x81: {  	[spmem:s1] =	stream.indirect.scatter.add.f32 [tilespmem:s24], [sflag:$0x5], $0x20, s21, s19, $0xb8;
	[tilespmem:$0x1CC00] =	vst v63  }
0x82: {  	_ =	swait.ge [sflag:s16], $0x2000  }
0x83: {  	s26 =	sadd.s32 $0x1, s26;
	[sflag:s16] =	ssyncset.done $0x0  }
0x84: {  	p0 =	sne.s32 s26, s12;
	[sflag:s16] =	ssyncadd.s32 $0xFFFFE000  }
.Ltmp1:
0x85: {  	[bflag:$0x0] =	sbarrier.arrive $0xFFFF;
	(pc) =	sbr.rel @p0 .LBB2_1-.Ltmp1, $4  }
0x86: {  	[hbm:s11], [sflag:s6] =	dma.local [spmem:s15], $0x3100  }
0x87: {  	_ =	swait.ge [sflag:s16], $0x3100  }
0x88: {  	[sflag:s16] =	ssyncset.done $0x0  }
0x89: {  	[sflag:s16] =	ssyncadd.s32 $0xFFFFCF00  }
0x8a: {  	_ =	sfence.sel $0x180000  }
0x8b: {  	[bflag:$0x0] =	sbarrier.arrive $0xFFFF  }
0x8c: {  	p0 =	sne.s32 s2, $0x0;
	_ =	strace $0x9000004D  }
0x8d: {  	s0 =	sadd.s32 @!p0 $0x100000, s0;
	[bflag:$0x2] =	sbarrier.arrive $0xFFFF  }
0x8e: {  	[sflag:s0] =	ssyncadd.tile.s32 @!p0 $0x1;
	_ =	shalt  }
.Lfunc_end2:
_tile_overlayer_lowered:
.L_overlay_start_2:
0x8f: {  	(tag) =	ssettag $0x2  }
0x90: {  	s0 =	rddreg [dreg:$0x0];
	s2 =	stileid.u32  }
0x91: {  	s1 =	rddreg [dreg:$0x1];
	p0 =	sne.s32 s2, $0x0  }
0x92: {  	s3 =	rddreg [dreg:$0x2];
	[bflag:$0x3] =	sbarrier.arrive $0xFFFF;
	s2 =	simm.s32 @!p0 $0x1C05  }
0x93: {  	[timem:s3], [sflag:s2] =	dma.local @!p0 [hbm:s0], s1  }
0x94: {  	s0 =	simm.s32 @!p0 $0x5  }
0x95: {  	_ =	swait.ge @!p0 [sflag:s0], s1  }
0x96: {  	s1 =	ssub.s32 @!p0 $0x0, s1;
	[sflag:s0] =	ssyncset.done @!p0 $0x0  }
0x97: {  	[sflag:s0] =	ssyncadd.s32 @!p0 s1  }
0x98: {  	[bflag:$0x3] =	sbarrier.arrive $0xFFFF  }
0x99: {  	_ =	shalt  }

// kernel: kernel.19.cloned.1.call-start
scs
__scs_entry_jumppad:
0x0: {  	(pc) =	sbr.rel $0x88, $3  }
0x1: {  	(tag) =	ssettag $0x0;
	lr =	simm.s32 $0x1  }
0x2: {  	[smem:$0x3F97] =	sst lr;
	_ =	strace $0xD0000000  }
0x3: {  	_ = 	snop  }
0x4: {  	_ = 	snop  }
0x5: {  	_ = 	snop  }
0x6: {  	_ = 	snop  }
0x7: {  	_ = 	snop  }
__scs_overlays_trampoline_lowered:
0x8: {  	[smem:$0x3FA6] =	sst s0  }
0x9: {  	[smem:$0x3FA7] =	sst s1  }
0xa: {  	[smem:$0x3FA8] =	sst s2  }
0xb: {  	[smem:$0x3FA9] =	sst s3  }
0xc: {  	[smem:$0x3FAA] =	sst s4  }
0xd: {  	[smem:$0x3FAB] =	sst s5  }
0xe: {  	[smem:$0x3FAC] =	sst s6  }
0xf: {  	[smem:$0x3FAD] =	sst s7  }
0x10: {  	[smem:$0x3FAE] =	sst s8  }
0x11: {  	[smem:$0x3FAF] =	sst s9;
	s0 =	simm.s32 @!p0 $0x0  }
0x12: {  	s1 =	sld [smem:$0x3F95];
	s0 =	simm.s32 @p0 $0x1  }
0x13: {  	[smem:$0x3FB0] =	sst s0;
	s0 =	simm.s32 @!p1 $0x0  }
0x14: {  	s2 =	sld [smem:$0x3F94];
	s0 =	simm.s32 @p1 $0x1  }
0x15: {  	[smem:$0x3FB1] =	sst s0;
	s0 =	simm.s32 @!p2 $0x0  }
0x16: {  	s3 =	sld [smem:$0x3FDB];
	s0 =	simm.s32 @p2 $0x1  }
0x17: {  	s4 =	simm.s32 $0x1BF5;
	[smem:$0x3FB3] =	sst s0  }
0x18: {  	s0 =	sld [smem:$0x3F96];
	_ =	swait.ge [sflag:s4], $0x0  }
0x19: {  	s7 =	sld [smem:$0x3F97]  }
0x1a: {  	s8 =	sadd.s32 $0xFFFFE003, lr  }
0x1b: {  	s9 =	sadd.s32 $0xFFFFFEF7, lr;
	s5 =	simm.s32 $0xFFFFFFFF;
	p2 =	slt.u32 s8, $0xFFFFF086  }
0x1c: {  	p1 =	slt.u32 s9, $0xF7A;
	s5 =	simm.s32 @!p2 $0x0  }
0x1d: {  	s5 =	simm.s32 @p1 $0x1;
	p0 =	seq.s32 s7, s2  }
0x1e: {  	s7 =	smul.u32 @!p0 $0xF7A, s2;
	p2 =	seq.s32 @!p0 s5, $0x0  }
0x1f: {  	s9 =	smul.u32 $0xF7A, s1;
	s8 =	simm.s32 @!p0 $0x1BF5;
	p2 =	por !p2, p0  }
0x20: {  	[sflag:s8] =	ssyncset.s32 @!p0 $0xFFFFF086;
	s6 =	sadd.s32 @!p0 s3, s7;
	s7 =	simm.s32 @!p0 $0x108  }
0x21: {  	s3 =	sadd.s32 s3, s9;
	s6 =	sadd.s32 @!p0 $0x88, s6;
	s7 =	simm.s32 @p2 $0x1082  }
0x22: {  	[simem:s7], [sflag:s8] =	dma.local @!p0 [hbm:s6], $0xF7A  }
0x23: {  	s9 =	sor.u32 $0xD0000000, s2;
	s6 =	simm.s32 $0x108;
	_ =	swait.ge @!p0 [sflag:s8], $0x0  }
0x24: {  	s3 =	sadd.s32 $0x88, s3;
	s6 =	simm.s32 @!p1 $0x1082;
	[sflag:s4] =	ssyncset.s32 $0xFFFFF086  }
0x25: {  	[simem:s6], [sflag:s4] =	dma.local [hbm:s3], $0xF7A  }
0x26: {  	[smem:$0x3F97] =	sst s1;
	(tag) =	ssettag s2;
	_ =	strace s9  }
0x27: {  	s1 =	sld [smem:$0x3FA7]  }
0x28: {  	s2 =	sld [smem:$0x3FA8]  }
0x29: {  	s4 =	sld [smem:$0x3FAA]  }
0x2a: {  	p0 =	seq.s32 s5, $0x0;
	s5 =	sld [smem:$0x3FAB]  }
0x2b: {  	s6 =	sld [smem:$0x3FAC]  }
0x2c: {  	s7 =	sld [smem:$0x3FAD]  }
0x2d: {  	s3 =	simm.s32 $0x108;
	s8 =	sld [smem:$0x3FAE]  }
0x2e: {  	s3 =	simm.s32 @!p0 $0x1082;
	s9 =	sld [smem:$0x3FAF]  }
0x2f: {  	lr =	sadd.s32 s0, s3;
	s0 =	sld [smem:$0x3FA6]  }
0x30: {  	s3 =	sld [smem:$0x3FA9]  }
0x31: {  	[smem:$0x3FB2] =	sst s10  }
0x32: {  	s10 =	sld [smem:$0x3FB0];
	_ =	sdelay $0x3  }
0x33: {  	p0 =	seq.s32 s10, $0x1;
	s10 =	sld [smem:$0x3FB2];
	_ =	sdelay $0x3  }
0x34: {  	[smem:$0x3FB2] =	sst s10  }
0x35: {  	s10 =	sld [smem:$0x3FB1];
	_ =	sdelay $0x3  }
0x36: {  	p1 =	seq.s32 s10, $0x1;
	s10 =	sld [smem:$0x3FB2];
	_ =	sdelay $0x3  }
0x37: {  	[smem:$0x3FB2] =	sst s10  }
0x38: {  	s10 =	sld [smem:$0x3FB3]  }
0x39: {  	_ = 	snop;
	(pc) =	sbr.ind lr, $3  }
0x3a: {  	_ = 	snop  }
0x3b: {  	_ = 	snop  }
0x3c: {  	p2 =	seq.s32 s10, $0x1;
	s10 =	sld [smem:$0x3FB2]  }
0x3d: {  	_ =	shalt  }
0x3e: {  	_ =	shalt  }
0x3f: {  	_ =	shalt  }
0x40: {  	_ =	shalt  }
0x41: {  	_ =	shalt  }
0x42: {  	_ =	shalt  }
0x43: {  	_ =	shalt  }
0x44: {  	_ =	shalt  }
0x45: {  	_ =	shalt  }
0x46: {  	_ =	shalt  }
0x47: {  	_ =	shalt  }
0x48: {  	_ =	shalt  }
0x49: {  	_ =	shalt  }
0x4a: {  	_ =	shalt  }
0x4b: {  	_ =	shalt  }
0x4c: {  	_ =	shalt  }
0x4d: {  	_ =	shalt  }
0x4e: {  	_ =	shalt  }
0x4f: {  	_ =	shalt  }
0x50: {  	_ =	shalt  }
0x51: {  	_ =	shalt  }
0x52: {  	_ =	shalt  }
0x53: {  	_ =	shalt  }
0x54: {  	_ =	shalt  }
0x55: {  	_ =	shalt  }
0x56: {  	_ =	shalt  }
0x57: {  	_ =	shalt  }
0x58: {  	_ =	shalt  }
0x59: {  	_ =	shalt  }
0x5a: {  	_ =	shalt  }
0x5b: {  	_ =	shalt  }
0x5c: {  	_ =	shalt  }
0x5d: {  	_ =	shalt  }
0x5e: {  	_ =	shalt  }
0x5f: {  	_ =	shalt  }
0x60: {  	_ =	shalt  }
0x61: {  	_ =	shalt  }
0x62: {  	_ =	shalt  }
0x63: {  	_ =	shalt  }
0x64: {  	_ =	shalt  }
0x65: {  	_ =	shalt  }
0x66: {  	_ =	shalt  }
0x67: {  	_ =	shalt  }
0x68: {  	_ =	shalt  }
0x69: {  	_ =	shalt  }
0x6a: {  	_ =	shalt  }
0x6b: {  	_ =	shalt  }
0x6c: {  	_ =	shalt  }
0x6d: {  	_ =	shalt  }
0x6e: {  	_ =	shalt  }
0x6f: {  	_ =	shalt  }
0x70: {  	_ =	shalt  }
0x71: {  	_ =	shalt  }
0x72: {  	_ =	shalt  }
0x73: {  	_ =	shalt  }
0x74: {  	_ =	shalt  }
0x75: {  	_ =	shalt  }
0x76: {  	_ =	shalt  }
0x77: {  	_ =	shalt  }
0x78: {  	_ =	shalt  }
0x79: {  	_ =	shalt  }
0x7a: {  	_ =	shalt  }
0x7b: {  	_ =	shalt  }
0x7c: {  	_ =	shalt  }
0x7d: {  	_ =	shalt  }
0x7e: {  	_ =	shalt  }
0x7f: {  	_ =	shalt  }
0x80: {  	_ =	shalt  }
0x81: {  	_ =	shalt  }
0x82: {  	_ =	shalt  }
0x83: {  	_ =	shalt  }
0x84: {  	_ =	shalt  }
0x85: {  	_ =	shalt  }
0x86: {  	_ =	shalt  }
0x87: {  	_ =	shalt  }
.Lfunc_end0:
.L_simem_size_0:
called_computation.3_lowered:
.L_overlay_start_0:
0x88: {  	s2 =	sld [smem:$0x3FD9]  }
0x89: {  	s3 =	sld [smem:$0x3FFE];
	_ =	sdelay $0x1  }
0x8a: {  	s1 =	srdreg.scid  }
0x8b: {  	s0 =	sand.u32 $0x1, s1  }
0x8c: {  	s17 =	sshll.u32 s0, $0xA;
	s2 =	sadd.s32 s3, s2  }
0x8d: {  	s2 =	sadd.s32 s2, s17  }
0x8e: {  	[smem:$0x3FBE] =	sst s2  }
0x8f: {  	_ = 	snop  }
0x90: {  	s2 =	sld [smem:$0x3FD0];
	(tm) =	ssettm $0x1  }
0x91: {  	s18 =	sld [smem:$0x3FFB];
	_ =	sdelay $0x3  }
0x92: {  	_ =	strace s18  }
0x93: {  	s3 =	sld [smem:$0x3FFC];
	_ =	sdelay $0x3  }
0x94: {  	_ =	strace s3  }
0x95: {  	s3 =	sld [smem:$0x3FFD];
	_ =	sdelay $0x3  }
0x96: {  	_ =	strace s3  }
0x97: {  	_ =	strace $0x8FFFFFFF  }
0x98: {  	s19 =	sld [smem:$0x3FDB];
	_ =	sdelay $0x1  }
0x99: {  	s4 =	simm.s32 $_scs_section_size  }
0x9a: {  	s5 =	simm.s32 $_size__tile_overlayer_lowered;
	s6 =	simm.s32 $_tile_overlayer_lowered  }
0x9b: {  	s22 =	simm.s32 $0x1BFF;
	s21 =	sshll.u32 s6, $0x1;
	s3 =	sadd.s32 s4, s19  }
0x9c: {  	s7 =	simm.s32 $0x0;
	s20 =	sshll.u32 s5, $0x1;
	s5 =	sadd.s32 s21, s3  }
0x9d: {  	[timem:s7], [sflag:s22] =	dma.local [hbm:s5], s20  }
0x9e: {  	_ =	swait.ge [sflag:s22], s20  }
0x9f: {  	s4 =	ssub.s32 $0x0, s20;
	[sflag:s22] =	ssyncset.done $0x0  }
0xa0: {  	[sflag:s22] =	ssyncadd.s32 s4;
	_ =	sdelay $0x1  }
0xa1: {  	s23 =	simm.s32 $0x1B8B  }
0xa2: {  	_ =	swait.ge [sflag:s23], $0x1  }
0xa3: {  	[sflag:s23] =	ssyncset.done $0x0  }
0xa4: {  	s25 =	simm.s32 $0x1B8E;
	s24 =	sld [smem:$0x3FFE];
	[sflag:s23] =	ssyncadd.s32 $0xFFFFFFFF  }
0xa5: {  	s26 =	simm.s32 $execute0_lowered;
	[smem:$0x3FD2] =	sst s25  }
0xa6: {  	s5 =	sshll.u32 s26, $0x1;
	_ =	strace $0x8000004F;
	[dreg:$0x1] =	wrdreg $0xFFFFFFFF  }
0xa7: {  	s28 =	simm.s32 $_size_execute0_lowered;
	s3 =	sadd.s32 s3, s5;
	[dreg:$0x0] =	wrdreg $0x0  }
0xa8: {  	s5 =	sshll.u32 s28, $0x1;
	[dreg:$0x2] =	wrdreg s3  }
0xa9: {  	[dreg:$0x3] =	wrdreg s5  }
0xaa: {  	[dreg:$0x4] =	wrdreg $0xC0  }
0xab: {  	_ =	task [dreg:s7], $0x5FFFF  }
0xac: {  	[dreg:$0x1] =	wrdreg $0xFFFFFFFF  }
0xad: {  	[dreg:$0x0] =	wrdreg $0x60  }
0xae: {  	[dreg:$0x2] =	wrdreg s24  }
0xaf: {  	[dreg:$0x3] =	wrdreg s2  }
0xb0: {  	[dreg:$0x4] =	wrdreg $0x10C00  }
0xb1: {  	[dreg:$0x5] =	wrdreg $0x9  }
0xb2: {  	_ =	task.clear_ibuf [dreg:s7], $0x6FFFF;
	_ =	strace $0x9000004F  }
0xb3: {  	s29 =	simm.s32 $0x9;
	_ =	strace $0x80000051  }
0xb4: {  	_ =	swait.ge [sflag:s29], $0x1  }
0xb5: {  	[sflag:s29] =	ssyncadd.s32 $0xFFFFFFFF  }
0xb6: {  	_ =	strace $0x90000051  }
0xb7: {  	_ =	sfence  }
0xb8: {  	s30 =	sld [smem:$0x0];
	_ =	sdelay $0x2  }
0xb9: {  	s31 =	sshll.u32 s1, $0xD;
	s1 =	sshrl.u32 s1, $0x2  }
0xba: {  	s3 =	sand.u32 $0x4000, s31;
	s1 =	sadd.s32 s1, s30  }
0xbb: {  	s0 =	sor.u32 s3, s0;
	s1 =	sshll.u32 s1, $0x11  }
0xbc: {  	s0 =	sor.u32 s1, s0  }
0xbd: {  	s0 =	sadd.s32 $0x8F2B, s0  }
0xbe: {  	[sflag:s0] =	ssyncadd.remote.s32 $0x1  }
0xbf: {  	_ =	sfence.sel $0xFFFF  }
0xc0: {  	[dreg:$0x0] =	wrdreg $0xFFFFFFFF;
	(pc) =	sbr.abs _section_cstart, $3  }
0xc1: {  	[dreg:$0x1] =	wrdreg $0xFFFFFFFF  }
0xc2: {  	_ =	task.clear_ibuf [dreg:s7], $0x2FFFF;
	_ =	strace $0x9FFFFFFF  }
0xc3: {  	(tm) =	ssettm $0x7FFFFFFF  }
tec
execute0_lowered:
.L_overlay_start_1:
0x0: {  	(tag) =	ssettag $0x1  }
0x1: {  	s4 =	rddreg [dreg:$0x0]  }
0x2: {  	s11 =	rddreg [dreg:$0x1];
	s2 =	stileid.u32  }
0x3: {  	s0 =	srdreg.scid;
	s8 =	smul.u32 $0x3800, s2  }
0x4: {  	s1 =	rddreg [dreg:$0x2];
	s9 =	smul.u32 $0xE000, s2  }
0x5: {  	s3 =	simm.s32 $0x0;
	s13 =	simm.s32 $0x1;
	s10 =	smul.u32 $0xC40, s2  }
0x6: {  	s15 =	simm.s32 $0x80;
	s5 =	sand.u32 $0x1, s0;
	s31 =	smul.u32 $0x188, s2  }
0x7: {  	s19 =	simm.s32 $0x0;
	s0 =	rddreg [dreg:$0x3];
	s6 =	smul.u32 $0x31000, s5  }
0x8: {  	[smem:$0x7FF] =	sst s3;
	s7 =	smul.u32 $0x38000, s5;
	s5 =	ssub.s32 $0x2, s5  }
0x9: {  	s14 =	smul.u32 $0x3100, s2;
	_ =	strace $0x80000050;
	s28 =	sshrl.u32 s5, $0x1  }
0xa: {  	s9 =	sshrl.u32 s9, $0x2;
	s29 =	sadd.s32 $0xC00, s10;
	s18 =	sadd.s32 s8, s1  }
0xb: {  	s6 =	sadd.s32 s6, s4;
	s7 =	sadd.s32 s8, s7;
	s12 =	ssub.s32 s5, s28  }
0xc: {  	s30 =	sshrl.u32 s29, $0x3;
	s17 =	sshll.u32 s29, $0x2;
	s18 =	sshrl.u32 s18, $0x3  }
0xd: {  	s7 =	sshrl.u32 s7, $0x3;
	s16 =	sadd.s32 $0x2800, s6;
	s6 =	sadd.s32 s11, s30  }
0xe: {  	s8 =	smax.u32 s12, $0x1;
	s11 =	sadd.s32 s31, s11;
	s12 =	simm.s32 $0xC0  }
0xf: {  	s7 =	sadd.s32 s7, s4;
	s4 =	sadd.s32 s9, s1;
	s14 =	sadd.s32 s16, s14  }
0x10: {  	s16 =	sadd.s32 s17, s16;
	s17 =	simm.s32 $0x40;
	s5 =	sadd.s32 $0x3000, s4  }
0x11: {  	v0 =	vimm.f32 $0.0e+00;
	s7 =	sadd.s32 $0x64800, s7;
	s9 =	sadd.s32 $0x1000, s4;
	s10 =	sadd.s32 $0x2000, s4  }
.LBB2_1:
0x12: {  	s20 =	simm.s32 $0x80;
	s21 =	simm.s32 $0x0  }
.LBB2_2:
0x13: {  	p0 =	sne.s32 s20, $0x3F80;
	[tilespmem:s21+$0xC0] =	vst v0;
	s22 =	smov.u32 s20;
	s20 =	sadd.s32 $0x80, s20  }
.Ltmp0:
0x14: {  	[tilespmem:s21+$0xD0] =	vst v0;
	(pc) =	sbr.rel @p0 .LBB2_2-.Ltmp0, $2  }
0x15: {  	_ =	sdelay $0x2  }
0x16: {  	s21 =	sshra.s32 s22, $0x2  }
0x17: {  	[tilespmem:s21+$0xC0] =	vst v0  }
0x18: {  	[tilespmem:s21+$0xD0] =	vst v0  }
0x19: {  	[spmem:s4] =	stream.linear.scatter [tilespmem:s12], [sflag:$0x1], $0x1000, $0x38;
	[tilespmem:$0x48C0] =	vst v63  }
0x1a: {  	_ =	swait.ge [sflag:s13], $0x1000  }
0x1b: {  	[sflag:s13] =	ssyncset.done $0x0  }
0x1c: {  	[sflag:s13] =	ssyncadd.s32 $0xFFFFF000  }
0x1d: {  	[spmem:s9] =	stream.linear.scatter [tilespmem:s12], [sflag:$0x1], $0x1000, $0x38;
	[tilespmem:$0x48C0] =	vst v63  }
0x1e: {  	_ =	swait.ge [sflag:s13], $0x1000  }
0x1f: {  	[sflag:s13] =	ssyncset.done $0x0  }
0x20: {  	[sflag:s13] =	ssyncadd.s32 $0xFFFFF000  }
0x21: {  	[spmem:s10] =	stream.linear.scatter [tilespmem:s12], [sflag:$0x1], $0x1000, $0x38;
	[tilespmem:$0x48C0] =	vst v63  }
0x22: {  	_ =	swait.ge [sflag:s13], $0x1000  }
0x23: {  	[sflag:s13] =	ssyncset.done $0x0  }
0x24: {  	[sflag:s13] =	ssyncadd.s32 $0xFFFFF000  }
0x25: {  	[spmem:s5] =	stream.linear.scatter [tilespmem:s12], [sflag:$0x1], $0x800, $0x38;
	[tilespmem:$0x48C0] =	vst v63  }
0x26: {  	_ =	swait.ge [sflag:s13], $0x800  }
0x27: {  	[sflag:s13] =	ssyncset.done $0x0  }
0x28: {  	[sflag:s13] =	ssyncadd.s32 $0xFFFFF800  }
0x29: {  	[bflag:$0x0] =	sbarrier.arrive $0xFFFF  }
0x2a: {  	[tilespmem:s12], [sflag:$0x1] =	stream.linear.gather [hbm4b:s14+s3], $0x1000, $0x38;
	[tilespmem:$0x48C0] =	vst v63  }
0x2b: {  	_ =	swait.ge [sflag:s13], $0x1000  }
0x2c: {  	[sflag:s13] =	ssyncset.done $0x0  }
0x2d: {  	s20 =	sadd.s32 $0x0, s11;
	[sflag:s13] =	ssyncadd.s32 $0xFFFFF000  }
0x2e: {  	[tilespmem:s3], [sflag:$0x1] =	stream.linear.gather [hbm4b:s20+s3], $0x80, $0x38;
	[tilespmem:$0x48C0] =	vst v63  }
0x2f: {  	_ =	swait.ge [sflag:s13], $0x80  }
0x30: {  	[sflag:s13] =	ssyncset.done $0x0  }
0x31: {  	[sflag:s13] =	ssyncadd.s32 $0xFFFFFF80  }
0x32: {  	[spmem:s1] =	stream.indirect.scatter.add.f32 [tilespmem:s12], [sflag:$0x1], $0x20, s3, s15, $0xb8;
	[tilespmem:$0x48C0] =	vst v63  }
0x33: {  	_ =	swait.ge [sflag:s13], $0x1000  }
0x34: {  	s21 =	smov.u32 s14;
	s20 =	simm.s32 $0x10;
	[sflag:s13] =	ssyncset.done $0x0  }
.LBB2_4:
0x35: {  	p0 =	sne.s32 s20, $0x170;
	[sflag:s13] =	ssyncadd.s32 $0xFFFFF000;
	s21 =	sadd.s32 $0x200, s21  }
0x36: {  	[tilespmem:s12], [sflag:$0x1] =	stream.linear.gather [hbm4b:s21+s3], $0x1000, $0x38;
	[tilespmem:$0x48C0] =	vst v63  }
0x37: {  	s22 =	smov.u32 s20;
	s20 =	sadd.s32 $0x10, s20;
	_ =	swait.ge [sflag:s13], $0x1000  }
0x38: {  	[sflag:s13] =	ssyncset.done $0x0  }
0x39: {  	s22 =	sadd.s32 s22, s11;
	[sflag:s13] =	ssyncadd.s32 $0xFFFFF000  }
0x3a: {  	[tilespmem:s3], [sflag:$0x1] =	stream.linear.gather [hbm4b:s22+s3], $0x80, $0x38;
	[tilespmem:$0x48C0] =	vst v63  }
0x3b: {  	_ =	swait.ge [sflag:s13], $0x80  }
.Ltmp1:
0x3c: {  	[sflag:s13] =	ssyncset.done $0x0;
	(pc) =	sbr.rel @p0 .LBB2_4-.Ltmp1, $4  }
0x3d: {  	[sflag:s13] =	ssyncadd.s32 $0xFFFFFF80  }
0x3e: {  	[spmem:s1] =	stream.indirect.scatter.add.f32 [tilespmem:s12], [sflag:$0x1], $0x20, s3, s15, $0xb8;
	[tilespmem:$0x48C0] =	vst v63  }
0x3f: {  	_ =	swait.ge [sflag:s13], $0x1000  }
0x40: {  	[sflag:s13] =	ssyncset.done $0x0  }
0x41: {  	[sflag:s13] =	ssyncadd.s32 $0xFFFFF000  }
0x42: {  	[tilespmem:s12], [sflag:$0x1] =	stream.linear.gather [hbm4b:s16+s3], $0x800, $0x38;
	[tilespmem:$0x48C0] =	vst v63  }
0x43: {  	_ =	swait.ge [sflag:s13], $0x800  }
0x44: {  	[sflag:s13] =	ssyncset.done $0x0  }
0x45: {  	[sflag:s13] =	ssyncadd.s32 $0xFFFFF800  }
0x46: {  	[tilespmem:s15], [sflag:$0x1] =	stream.linear.gather [hbm4b:s6+s3], $0x40, $0x38;
	[tilespmem:$0x48C0] =	vst v63  }
0x47: {  	_ =	swait.ge [sflag:s13], $0x40  }
0x48: {  	[sflag:s13] =	ssyncset.done $0x0  }
0x49: {  	[sflag:s13] =	ssyncadd.s32 $0xFFFFFFC0  }
0x4a: {  	[spmem:s1] =	stream.indirect.scatter.add.f32 [tilespmem:s12], [sflag:$0x1], $0x20, s15, s17, $0xb8;
	[tilespmem:$0x48C0] =	vst v63  }
0x4b: {  	_ =	swait.ge [sflag:s13], $0x800  }
0x4c: {  	s19 =	sadd.s32 $0x1, s19;
	[sflag:s13] =	ssyncset.done $0x0  }
0x4d: {  	s20 =	sshll.u32 s2, $0x6;
	p0 =	sne.s32 s19, s8;
	[sflag:s13] =	ssyncadd.s32 $0xFFFFF800  }
.Ltmp2:
0x4e: {  	s20 =	sor.u32 $0x1C01, s20;
	[bflag:$0x0] =	sbarrier.arrive $0xFFFF;
	(pc) =	sbr.rel @p0 .LBB2_1-.Ltmp2, $4  }
0x4f: {  	[hbm:s7], [sflag:s20] =	dma.local [spmem:s18], $0x700  }
0x50: {  	_ =	swait.ge [sflag:s13], $0x700  }
0x51: {  	[sflag:s13] =	ssyncset.done $0x0  }
0x52: {  	[sflag:s13] =	ssyncadd.s32 $0xFFFFF900  }
0x53: {  	_ =	sfence.sel $0x180000  }
0x54: {  	[bflag:$0x0] =	sbarrier.arrive $0xFFFF  }
0x55: {  	p0 =	sne.s32 s2, $0x0;
	_ =	strace $0x90000050  }
0x56: {  	s0 =	sadd.s32 @!p0 $0x100000, s0;
	[bflag:$0x2] =	sbarrier.arrive $0xFFFF  }
0x57: {  	[sflag:s0] =	ssyncadd.tile.s32 @!p0 $0x1;
	_ =	shalt  }
.Lfunc_end2:
_tile_overlayer_lowered:
.L_overlay_start_2:
0x58: {  	(tag) =	ssettag $0x2  }
0x59: {  	s0 =	rddreg [dreg:$0x0];
	s2 =	stileid.u32  }
0x5a: {  	s1 =	rddreg [dreg:$0x1];
	p0 =	sne.s32 s2, $0x0  }
0x5b: {  	s3 =	rddreg [dreg:$0x2];
	[bflag:$0x3] =	sbarrier.arrive $0xFFFF;
	s2 =	simm.s32 @!p0 $0x1C01  }
0x5c: {  	[timem:s3], [sflag:s2] =	dma.local @!p0 [hbm:s0], s1  }
0x5d: {  	s0 =	simm.s32 @!p0 $0x1  }
0x5e: {  	_ =	swait.ge @!p0 [sflag:s0], s1  }
0x5f: {  	s1 =	ssub.s32 @!p0 $0x0, s1;
	[sflag:s0] =	ssyncset.done @!p0 $0x0  }
0x60: {  	[sflag:s0] =	ssyncadd.s32 @!p0 s1  }
0x61: {  	[bflag:$0x3] =	sbarrier.arrive $0xFFFF  }
0x62: {  	_ =	shalt  }

</sc_bundles>
